<compile_context>
chip_gen: v7x
topology: tpu7x:2x2x1
jax: 0.10.2.dev20260603
libtpu: 0.0.44.dev20260713+nightly
codegen_flags: <defaults>
</compile_context>

<pallas_src>
import functools

import jax
import jax.numpy as jnp
from jax import lax
from jax.experimental import pallas as pl
from jax.experimental.pallas import tpu as pltpu
from jax.experimental.pallas import tpu_sc as plsc

T = 2048
D = 768
F = 768
E = 8

NC = 2
NS = 16
LANES = 16
NW = NC * NS
TOKW = T // NW
BT = 128
NBH = (T + E * BT) // BT
NPADH = NBH * BT
NB = 2 * NBH
NPAD = 2 * NPADH


def _routing_kernel(x_ref, wg_ref, e0_ref, e1_ref, w0_ref, w1_ref):
    logits = jnp.dot(x_ref[...], wg_ref[...], preferred_element_type=jnp.float32)
    eids = lax.broadcasted_iota(jnp.int32, logits.shape, 1)
    m1 = jnp.max(logits, axis=-1, keepdims=True)
    i1 = jnp.min(jnp.where(logits == m1, eids, E), axis=-1, keepdims=True)
    rest = jnp.where(eids == i1, -jnp.inf, logits)
    m2 = jnp.max(rest, axis=-1, keepdims=True)
    i2 = jnp.min(jnp.where(rest == m2, eids, E), axis=-1, keepdims=True)
    w0 = jax.nn.sigmoid(m1 - m2)
    e0_ref[...] = i1
    e1_ref[...] = i2
    w0_ref[...] = w0
    w1_ref[...] = 1.0 - w0


def _splat(v):
    return jnp.broadcast_to(v, (LANES,))


_ZERO = None


def _dispatch_body(e0m, e1m, x_hbm, xs_out, pos0_out, pos1_out, bex_out,
                   nact_out, ev0, ev1, posv0, posv1, xrows, cntrow, cntall,
                   cnt_sh, bexv, nactv, sem):
    c = lax.axis_index("c")
    s = lax.axis_index("s")
    r = c * NS + s
    pltpu.sync_copy(e0m.at[r], ev0)
    pltpu.sync_copy(e1m.at[r], ev1)
    pltpu.sync_copy(x_hbm.at[pl.ds(r * TOKW, TOKW)], xrows)

    iota = lax.iota(jnp.int32, LANES)
    zero = jnp.zeros((LANES,), jnp.int32)
    one = jnp.ones((LANES,), jnp.int32)
    cnt = [zero] * E
    pos_vecs = []
    for ref in (ev0, ev1):
        for j in range(TOKW // LANES):
            v = ref[pl.ds(j * LANES, LANES)]
            p = zero
            for e in range(E):
                m = v == e
                pc = plsc.cumsum(jnp.where(m, one, zero))
                p = jnp.where(m, cnt[e] + pc - 1, p)
                cnt[e] = cnt[e] + plsc.all_reduce_population_count(m)
            pos_vecs.append(p)

    mycnt = zero
    for e in range(E):
        mycnt = mycnt + jnp.where(iota == e, cnt[e], zero)
    cntrow[...] = mycnt
    pltpu.sync_copy(cntrow, cnt_sh.at[s])
    plsc.subcore_barrier()
    pltpu.sync_copy(cnt_sh, cntall)

    total = zero
    prebase = zero
    for w in range(NS):
        row = cntall[w, :]
        total = total + row
        prebase = prebase + row * _splat((jnp.int32(w) < s).astype(jnp.int32))
    pcv = ((total + (BT - 1)) >> 7) << 7
    go = plsc.cumsum(pcv) - pcv
    base = go + prebase
    sb = [jnp.sum(jnp.where(iota == e, base, zero)) for e in range(E)]

    half = _splat(c * NPADH)
    for k, (ref, pref, posout) in enumerate(
            ((ev0, posv0, pos0_out), (ev1, posv1, pos1_out))):
        for j in range(TOKW // LANES):
            v = ref[pl.ds(j * LANES, LANES)]
            pf = pos_vecs[k * 4 + j] + half
            for e in range(E):
                pf = pf + jnp.where(v == e, _splat(sb[e]), zero)
            pref[pl.ds(j * LANES, LANES)] = pf
        pltpu.sync_copy(pref, posout.at[r])
        pltpu.async_copy(xrows, xs_out.at[pref], sem).wait()

    @pl.when(s == 0)
    def _():
        cntrow[...] = go + half
        nactv[...] = pcv >> 7
        pltpu.sync_copy(cntrow, bex_out.at[c])
        pltpu.sync_copy(nactv, nact_out.at[c])


@functools.cache
def _get_dispatch():
    return pl.kernel(
        _dispatch_body,
        out_type=(
            jax.ShapeDtypeStruct((NPAD, D), jnp.float32),
            jax.ShapeDtypeStruct((NW, TOKW), jnp.int32),
            jax.ShapeDtypeStruct((NW, TOKW), jnp.int32),
            jax.ShapeDtypeStruct((NC, 16), jnp.int32),
            jax.ShapeDtypeStruct((NC, 16), jnp.int32),
        ),
        mesh=plsc.VectorSubcoreMesh(core_axis_name="c", subcore_axis_name="s",
                                    num_cores=NC, num_subcores=NS),
        compiler_params=pltpu.CompilerParams(needs_layout_passes=False),
        scratch_types=[
            pltpu.VMEM((TOKW,), jnp.int32),
            pltpu.VMEM((TOKW,), jnp.int32),
            pltpu.VMEM((TOKW,), jnp.int32),
            pltpu.VMEM((TOKW,), jnp.int32),
            pltpu.VMEM((TOKW, D), jnp.float32),
            pltpu.VMEM((LANES,), jnp.int32),
            pltpu.VMEM((NS, LANES), jnp.int32),
            pltpu.VMEM_SHARED((NS, LANES), jnp.int32),
            pltpu.VMEM((32,), jnp.int32),
            pltpu.VMEM((LANES,), jnp.int32),
            pltpu.SemaphoreType.DMA,
        ],
    )


def _ffn_body(goh_ref, nbh_ref, xs_ref, wg_ref, wu_ref, wd_ref, ys_ref,
              wg16, wu16, wd16):
    e = pl.program_id(0)
    wg16[...] = wg_ref[0].astype(jnp.bfloat16)
    wu16[...] = wu_ref[0].astype(jnp.bfloat16)
    wd16[...] = wd_ref[0].astype(jnp.bfloat16)

    def block_fn(x_blk_ref, y_blk_ref):
        xb = x_blk_ref[...].astype(jnp.bfloat16)
        hg = jnp.dot(xb, wg16[...], preferred_element_type=jnp.float32)
        hu = jnp.dot(xb, wu16[...], preferred_element_type=jnp.float32)
        h = (hg * jax.nn.sigmoid(hg)) * hu
        y_blk_ref[...] = jnp.dot(h.astype(jnp.bfloat16), wd16[...],
                                 preferred_element_type=jnp.float32)

    for c in range(NC):
        start_blk = goh_ref[c, e] // BT
        nblk = nbh_ref[c, e]

        @pl.when(nblk > 0)
        def _():
            pipe = pltpu.emit_pipeline(
                block_fn,
                grid=(nblk,),
                in_specs=[pl.BlockSpec((BT, D), lambda b: (start_blk + b, 0))],
                out_specs=[pl.BlockSpec((BT, D), lambda b: (start_blk + b, 0))],
            )
            pipe(xs_ref, ys_ref)


def _combine_body(x_hbm, ys_hbm, pos0m, pos1m, w0m, w1m, y_out,
                  p0a, p0b, p1a, p1b, wv0, wv1, xb, g0, g1, sem):
    c = lax.axis_index("c")
    s = lax.axis_index("s")
    r = c * NS + s
    base = r * TOKW
    pltpu.sync_copy(pos0m.at[r, pl.ds(0, 32)], p0a)
    pltpu.sync_copy(pos0m.at[r, pl.ds(32, 32)], p0b)
    pltpu.sync_copy(pos1m.at[r, pl.ds(0, 32)], p1a)
    pltpu.sync_copy(pos1m.at[r, pl.ds(32, 32)], p1b)
    pltpu.sync_copy(w0m.at[r], wv0)
    pltpu.sync_copy(w1m.at[r], wv1)
    iota = lax.iota(jnp.int32, LANES)
    fzero = jnp.zeros((LANES,), jnp.float32)
    fone = jnp.ones((LANES,), jnp.float32)
    for h, (pi0, pi1) in enumerate(((p0a, p1a), (p0b, p1b))):
        rows = pl.ds(base + h * 32, 32)
        dx = pltpu.async_copy(x_hbm.at[rows], xb, sem)
        d0 = pltpu.async_copy(ys_hbm.at[pi0], g0, sem)
        d1 = pltpu.async_copy(ys_hbm.at[pi1], g1, sem)
        dx.wait()
        d0.wait()
        d1.wait()

        def tok_body(i4, _):
            for u in range(4):
                i = i4 * 4 + u
                tk = h * 32 + i
                lane = tk % LANES
                grp = pl.ds((tk // LANES) * LANES, LANES)
                lm = jnp.where(iota == _splat(lane), fone, fzero)
                w0v = _splat(jnp.sum(wv0[grp] * lm))
                w1v = _splat(jnp.sum(wv1[grp] * lm))
                for j in range(D // LANES):
                    sl = pl.ds(j * LANES, LANES)
                    xb[i, sl] = xb[i, sl] + w0v * g0[i, sl] + w1v * g1[i, sl]
            return 0

        lax.fori_loop(0, 8, tok_body, 0)
        pltpu.sync_copy(xb, y_out.at[rows])


@functools.cache
def _get_combine():
    return pl.kernel(
        _combine_body,
        out_type=jax.ShapeDtypeStruct((T, D), jnp.float32),
        mesh=plsc.VectorSubcoreMesh(core_axis_name="c", subcore_axis_name="s",
                                    num_cores=NC, num_subcores=NS),
        compiler_params=pltpu.CompilerParams(needs_layout_passes=False),
        scratch_types=[
            pltpu.VMEM((32,), jnp.int32),
            pltpu.VMEM((32,), jnp.int32),
            pltpu.VMEM((32,), jnp.int32),
            pltpu.VMEM((32,), jnp.int32),
            pltpu.VMEM((TOKW,), jnp.float32),
            pltpu.VMEM((TOKW,), jnp.float32),
            pltpu.VMEM((32, D), jnp.float32),
            pltpu.VMEM((32, D), jnp.float32),
            pltpu.VMEM((32, D), jnp.float32),
            pltpu.SemaphoreType.DMA,
        ],
    )


@jax.jit
def kernel(x, Wg, W_gate, W_up, W_down):
    e0c, e1c, w0c, w1c = pl.pallas_call(
        _routing_kernel,
        out_shape=(
            jax.ShapeDtypeStruct((T, 1), jnp.int32),
            jax.ShapeDtypeStruct((T, 1), jnp.int32),
            jax.ShapeDtypeStruct((T, 1), jnp.float32),
            jax.ShapeDtypeStruct((T, 1), jnp.float32),
        ),
    )(x, Wg)
    e0m = e0c.reshape(NW, TOKW)
    e1m = e1c.reshape(NW, TOKW)
    w0m = w0c.reshape(NW, TOKW)
    w1m = w1c.reshape(NW, TOKW)

    xs, pos0, pos1, goh, nbh = _get_dispatch()(e0m, e1m, x)

    grid_spec = pltpu.PrefetchScalarGridSpec(
        num_scalar_prefetch=2,
        grid=(E,),
        in_specs=[
            pl.BlockSpec(memory_space=pltpu.HBM),
            pl.BlockSpec((1, D, F), lambda e, goh, nbh: (e, 0, 0)),
            pl.BlockSpec((1, D, F), lambda e, goh, nbh: (e, 0, 0)),
            pl.BlockSpec((1, F, D), lambda e, goh, nbh: (e, 0, 0)),
        ],
        out_specs=pl.BlockSpec(memory_space=pltpu.HBM),
        scratch_shapes=[
            pltpu.VMEM((D, F), jnp.bfloat16),
            pltpu.VMEM((D, F), jnp.bfloat16),
            pltpu.VMEM((F, D), jnp.bfloat16),
        ],
    )
    return xs[:T] + pos0.reshape(T, 1).astype(jnp.float32) + pos1.reshape(T, 1).astype(jnp.float32)
    ys = pl.pallas_call(
        _ffn_body,
        grid_spec=grid_spec,
        out_shape=jax.ShapeDtypeStruct((NPAD, D), jnp.float32),
    )(goh, nbh, xs, W_gate, W_up, W_down)

    return ys[:T] + pos0.reshape(T, 1).astype(jnp.float32) + pos1.reshape(T, 1).astype(jnp.float32)

# --- scband reference (transcript-rebuilt; emitter-appended) ---
"""Pipeline reference for scband-deep-seek-relational-model-72808285601944 (READ-ONLY COPY).

The authoritative reference and input builder live on the scoring server;
editing this copy changes nothing except your own understanding.
"""

import jax, jax.numpy as jnp
import numpy as np

T = 2048
D_MODEL = 768
D_FF = 768
E = 8
K = 2

def setup_inputs(seed: int = 0) -> dict:
    key = jax.random.key(seed)
    ks = jax.random.split(key, 5)
    x = jax.random.normal(ks[0], (T, D_MODEL), dtype=jnp.float32)
    Wg = jax.random.normal(ks[1], (D_MODEL, E), dtype=jnp.float32) / jnp.sqrt(D_MODEL)
    W_gate = jax.random.normal(ks[2], (E, D_MODEL, D_FF), dtype=jnp.float32) / jnp.sqrt(D_MODEL)
    W_up = jax.random.normal(ks[3], (E, D_MODEL, D_FF), dtype=jnp.float32) / jnp.sqrt(D_MODEL)
    W_down = jax.random.normal(ks[4], (E, D_FF, D_MODEL), dtype=jnp.float32) / jnp.sqrt(D_FF)
    return {"x": x, "Wg": Wg, "W_gate": W_gate, "W_up": W_up, "W_down": W_down}

def reference(x, Wg, W_gate, W_up, W_down):
    # DeepSeek MoE forward (deepseek_moe_forward_fixed):
    # gate -> softmax -> top-k -> normalize -> per-expert gated-SiLU FFN -> weighted combine -> +identity
    identity = x
    Ttok = x.shape[0]
    logits = x @ Wg                                    # [T, E]
    scores = jax.nn.softmax(logits, axis=-1)
    topk_weight, topk_idx = jax.lax.top_k(scores, K)   # [T, K]
    # DeepSeek normalizes top-k probs when num_experts_per_tok > 1
    topk_weight = topk_weight / jnp.sum(topk_weight, axis=-1, keepdims=True)
    # combine matrix P[t, e] = sum_k topk_weight[t,k] * 1[topk_idx[t,k] == e]  (scatter-add)
    P = jnp.zeros((Ttok, E), dtype=x.dtype).at[jnp.arange(Ttok)[:, None], topk_idx].add(topk_weight)
    # expert FFNs (gated SiLU, DeepSeek MLP): down(silu(gate(x)) * up(x))
    h_g = jnp.einsum('td,edf->etf', x, W_gate)         # [E, T, d_ff]
    h_u = jnp.einsum('td,edf->etf', x, W_up)
    h = jax.nn.silu(h_g) * h_u
    y_e = jnp.einsum('etf,efd->etd', h, W_down)        # [E, T, d]
    # weighted combine over selected experts (zeros for non-selected -> identical math to masked loop)
    y = jnp.einsum('te,etd->td', P, y_e)
    return y + identity

if __name__ == "__main__":
    import jax
    _d = setup_inputs()
    print(jax.jit(kernel)(*tuple(_d.values())))

</pallas_src>

<mosaic_0001>
#map = affine_map<(d0, d1) -> (0, 0)>
module attributes {stable_mosaic.version = 14 : i64} {
  func.func @_dispatch_body(%arg0: i32, %arg1: i32, %arg2: memref<32x64xi32, #tpu.memory_space<hbm>>, %arg3: memref<32x64xi32, #tpu.memory_space<hbm>>, %arg4: memref<2048x768xf32, #tpu.memory_space<hbm>>, %arg5: memref<6144x768xf32, #tpu.memory_space<hbm>>, %arg6: memref<32x64xi32, #tpu.memory_space<hbm>>, %arg7: memref<32x64xi32, #tpu.memory_space<hbm>>, %arg8: memref<2x16xi32, #tpu.memory_space<hbm>>, %arg9: memref<2x16xi32, #tpu.memory_space<hbm>>, %arg10: memref<64xi32, #tpu.memory_space<vmem>>, %arg11: memref<64xi32, #tpu.memory_space<vmem>>, %arg12: memref<64xi32, #tpu.memory_space<vmem>>, %arg13: memref<64xi32, #tpu.memory_space<vmem>>, %arg14: memref<64x768xf32, #tpu.memory_space<vmem>>, %arg15: memref<16xi32, #tpu.memory_space<vmem>>, %arg16: memref<16x16xi32, #tpu.memory_space<vmem>>, %arg17: memref<16x16xi32, #tpu.memory_space<vmem_shared>>, %arg18: memref<32xi32, #tpu.memory_space<vmem>>, %arg19: memref<16xi32, #tpu.memory_space<vmem>>, %arg20: memref<!tpu.dma_semaphore, #tpu.memory_space<semaphore_mem>>) attributes {dimension_semantics = [#tpu.dimension_semantics<core_parallel>, #tpu.dimension_semantics<subcore_parallel>], iteration_bounds = array<i64: 2, 16>, scalar_prefetch = 0 : i64, scratch_operands = 11 : i64, tpu.core_type = #tpu.core_type<sc_vector_subcore>, window_params = [{transform_indices = #map}, {transform_indices = #map}, {transform_indices = #map}, {transform_indices = #map}, {transform_indices = #map}, {transform_indices = #map}, {transform_indices = #map}, {transform_indices = #map}]} {
    %mul3A = arith.constant 16 : i32
    %mul3A_0 = arith.muli %arg0, %mul3A : i32
    %add3A = arith.addi %mul3A_0, %arg1 : i32
    "tpu.region"() ({
      %run_scoped3A = tpu.sem_alloc : memref<!tpu.dma_semaphore, #tpu.memory_space<semaphore_mem>>
      %dma_start3A_1643 = arith.constant 0 : i32
      %dma_start3A_1644 = tpu.memref_slice %arg2[%add3A, %dma_start3A_1643] : memref<32x64xi32, #tpu.memory_space<hbm>> -> memref<1x64xi32, #tpu.memory_space<hbm>>
      %dma_start3A_1645 = tpu.memref_squeeze %dma_start3A_1644 : memref<1x64xi32, #tpu.memory_space<hbm>> -> memref<64xi32, #tpu.memory_space<hbm>>
      %dma_start3A_1646 = arith.constant 0 : i32
      %dma_start3A_1647 = tpu.memref_slice %arg2[%add3A, %dma_start3A_1646] : memref<32x64xi32, #tpu.memory_space<hbm>> -> memref<1x64xi32, #tpu.memory_space<hbm>>
      %dma_start3A_1648 = tpu.memref_squeeze %dma_start3A_1647 : memref<1x64xi32, #tpu.memory_space<hbm>> -> memref<64xi32, #tpu.memory_space<hbm>>
      tpu.enqueue_dma source(%dma_start3A_1648 : memref<64xi32, #tpu.memory_space<hbm>>) target(%arg10 : memref<64xi32, #tpu.memory_space<vmem>>) target_semaphore(%run_scoped3A : memref<!tpu.dma_semaphore, #tpu.memory_space<semaphore_mem>>)
      %dma_wait3A_1649 = arith.constant 0 : i32
      %dma_wait3A_1650 = tpu.memref_slice %arg2[%add3A, %dma_wait3A_1649] : memref<32x64xi32, #tpu.memory_space<hbm>> -> memref<1x64xi32, #tpu.memory_space<hbm>>
      %dma_wait3A_1651 = tpu.memref_squeeze %dma_wait3A_1650 : memref<1x64xi32, #tpu.memory_space<hbm>> -> memref<64xi32, #tpu.memory_space<hbm>>
      %dma_wait3A_1652 = arith.constant 0 : i32
      %dma_wait3A_1653 = tpu.memref_slice %arg2[%add3A, %dma_wait3A_1652] : memref<32x64xi32, #tpu.memory_space<hbm>> -> memref<1x64xi32, #tpu.memory_space<hbm>>
      %dma_wait3A_1654 = tpu.memref_squeeze %dma_wait3A_1653 : memref<1x64xi32, #tpu.memory_space<hbm>> -> memref<64xi32, #tpu.memory_space<hbm>>
      tpu.wait_dma2 semaphore(%run_scoped3A : memref<!tpu.dma_semaphore, #tpu.memory_space<semaphore_mem>>) src(%dma_wait3A_1654 : memref<64xi32, #tpu.memory_space<hbm>>) dst(%arg10 : memref<64xi32, #tpu.memory_space<vmem>>)
      tpu.yield
    }) : () -> ()
    "tpu.region"() ({
      %run_scoped3A = tpu.sem_alloc : memref<!tpu.dma_semaphore, #tpu.memory_space<semaphore_mem>>
      %dma_start3A_1643 = arith.constant 0 : i32
      %dma_start3A_1644 = tpu.memref_slice %arg3[%add3A, %dma_start3A_1643] : memref<32x64xi32, #tpu.memory_space<hbm>> -> memref<1x64xi32, #tpu.memory_space<hbm>>
      %dma_start3A_1645 = tpu.memref_squeeze %dma_start3A_1644 : memref<1x64xi32, #tpu.memory_space<hbm>> -> memref<64xi32, #tpu.memory_space<hbm>>
      %dma_start3A_1646 = arith.constant 0 : i32
      %dma_start3A_1647 = tpu.memref_slice %arg3[%add3A, %dma_start3A_1646] : memref<32x64xi32, #tpu.memory_space<hbm>> -> memref<1x64xi32, #tpu.memory_space<hbm>>
      %dma_start3A_1648 = tpu.memref_squeeze %dma_start3A_1647 : memref<1x64xi32, #tpu.memory_space<hbm>> -> memref<64xi32, #tpu.memory_space<hbm>>
      tpu.enqueue_dma source(%dma_start3A_1648 : memref<64xi32, #tpu.memory_space<hbm>>) target(%arg11 : memref<64xi32, #tpu.memory_space<vmem>>) target_semaphore(%run_scoped3A : memref<!tpu.dma_semaphore, #tpu.memory_space<semaphore_mem>>)
      %dma_wait3A_1649 = arith.constant 0 : i32
      %dma_wait3A_1650 = tpu.memref_slice %arg3[%add3A, %dma_wait3A_1649] : memref<32x64xi32, #tpu.memory_space<hbm>> -> memref<1x64xi32, #tpu.memory_space<hbm>>
      %dma_wait3A_1651 = tpu.memref_squeeze %dma_wait3A_1650 : memref<1x64xi32, #tpu.memory_space<hbm>> -> memref<64xi32, #tpu.memory_space<hbm>>
      %dma_wait3A_1652 = arith.constant 0 : i32
      %dma_wait3A_1653 = tpu.memref_slice %arg3[%add3A, %dma_wait3A_1652] : memref<32x64xi32, #tpu.memory_space<hbm>> -> memref<1x64xi32, #tpu.memory_space<hbm>>
      %dma_wait3A_1654 = tpu.memref_squeeze %dma_wait3A_1653 : memref<1x64xi32, #tpu.memory_space<hbm>> -> memref<64xi32, #tpu.memory_space<hbm>>
      tpu.wait_dma2 semaphore(%run_scoped3A : memref<!tpu.dma_semaphore, #tpu.memory_space<semaphore_mem>>) src(%dma_wait3A_1654 : memref<64xi32, #tpu.memory_space<hbm>>) dst(%arg11 : memref<64xi32, #tpu.memory_space<vmem>>)
      tpu.yield
    }) : () -> ()
    %mul3A_1 = arith.constant 64 : i32
    %mul3A_2 = arith.muli %add3A, %mul3A_1 : i32
    "tpu.region"() ({
      %run_scoped3A = tpu.sem_alloc : memref<!tpu.dma_semaphore, #tpu.memory_space<semaphore_mem>>
      %dma_start3A_1643 = arith.constant 0 : i32
      %dma_start3A_1644 = tpu.memref_slice %arg4[%mul3A_2, %dma_start3A_1643] : memref<2048x768xf32, #tpu.memory_space<hbm>> -> memref<64x768xf32, #tpu.memory_space<hbm>>
      %dma_start3A_1645 = arith.constant 0 : i32
      %dma_start3A_1646 = tpu.memref_slice %arg4[%mul3A_2, %dma_start3A_1645] : memref<2048x768xf32, #tpu.memory_space<hbm>> -> memref<64x768xf32, #tpu.memory_space<hbm>>
      tpu.enqueue_dma source(%dma_start3A_1646 : memref<64x768xf32, #tpu.memory_space<hbm>>) target(%arg14 : memref<64x768xf32, #tpu.memory_space<vmem>>) target_semaphore(%run_scoped3A : memref<!tpu.dma_semaphore, #tpu.memory_space<semaphore_mem>>)
      %dma_wait3A_1647 = arith.constant 0 : i32
      %dma_wait3A_1648 = tpu.memref_slice %arg4[%mul3A_2, %dma_wait3A_1647] : memref<2048x768xf32, #tpu.memory_space<hbm>> -> memref<64x768xf32, #tpu.memory_space<hbm>>
      %dma_wait3A_1649 = arith.constant 0 : i32
      %dma_wait3A_1650 = tpu.memref_slice %arg4[%mul3A_2, %dma_wait3A_1649] : memref<2048x768xf32, #tpu.memory_space<hbm>> -> memref<64x768xf32, #tpu.memory_space<hbm>>
      tpu.wait_dma2 semaphore(%run_scoped3A : memref<!tpu.dma_semaphore, #tpu.memory_space<semaphore_mem>>) src(%dma_wait3A_1650 : memref<64x768xf32, #tpu.memory_space<hbm>>) dst(%arg14 : memref<64x768xf32, #tpu.memory_space<vmem>>)
      tpu.yield
    }) : () -> ()
    %iota3A = tpu.iota {dimensions = array<i32: 0>} : vector<16xi32>
    %broadcast_in_dim3A = arith.constant 0 : i32
    %broadcast_in_dim3A_3 = vector.broadcast %broadcast_in_dim3A : i32 to vector<16xi32>
    %broadcast_in_dim3A_4 = arith.constant 1 : i32
    %broadcast_in_dim3A_5 = vector.broadcast %broadcast_in_dim3A_4 : i32 to vector<16xi32>
    %get3A = arith.constant 0 : index
    %get3A_6 = tpu.vector_load %arg10[%get3A] {strides = array<i32>} : memref<64xi32, #tpu.memory_space<vmem>>, vector<16xi32>,
    %eq3A = arith.constant 0 : i32
    %eq3A_7 = vector.broadcast %eq3A : i32 to vector<16xi32>
    %eq3A_8 = arith.cmpi eq, %get3A_6, %eq3A_7 : vector<16xi32>
    %select_n3A = arith.select %eq3A_8, %broadcast_in_dim3A_5, %broadcast_in_dim3A_3 : vector<16xi1>, vector<16xi32>
    %broadcast_in_dim3A_9 = arith.constant true
    %broadcast_in_dim3A_10 = vector.broadcast %broadcast_in_dim3A_9 : i1 to vector<16xi1>
    %masked_cumsum3A = tpu.scan <sum>, %select_n3A masked %broadcast_in_dim3A_10 : vector<16xi32>, vector<16xi1> -> vector<16xi32>
    %add3A_11 = arith.addi %broadcast_in_dim3A_3, %masked_cumsum3A : vector<16xi32>
    %sub3A = arith.constant 1 : i32
    %sub3A_12 = vector.broadcast %sub3A : i32 to vector<16xi32>
    %sub3A_13 = arith.subi %add3A_11, %sub3A_12 : vector<16xi32>
    %select_n3A_14 = arith.select %eq3A_8, %sub3A_13, %broadcast_in_dim3A_3 : vector<16xi1>, vector<16xi32>
    %all_reduce_population_count3A = tpu.all_reduce %eq3A_8 {dim = 0 : i64, kind = #tpu.reduction_kind<sum>} : vector<16xi1> -> vector<16xi32>
    %add3A_15 = arith.addi %broadcast_in_dim3A_3, %all_reduce_population_count3A : vector<16xi32>
    %eq3A_16 = arith.constant 1 : i32
    %eq3A_17 = vector.broadcast %eq3A_16 : i32 to vector<16xi32>
    %eq3A_18 = arith.cmpi eq, %get3A_6, %eq3A_17 : vector<16xi32>
    %select_n3A_19 = arith.select %eq3A_18, %broadcast_in_dim3A_5, %broadcast_in_dim3A_3 : vector<16xi1>, vector<16xi32>
    %broadcast_in_dim3A_20 = arith.constant true
    %broadcast_in_dim3A_21 = vector.broadcast %broadcast_in_dim3A_20 : i1 to vector<16xi1>
    %masked_cumsum3A_22 = tpu.scan <sum>, %select_n3A_19 masked %broadcast_in_dim3A_21 : vector<16xi32>, vector<16xi1> -> vector<16xi32>
    %add3A_23 = arith.addi %broadcast_in_dim3A_3, %masked_cumsum3A_22 : vector<16xi32>
    %sub3A_24 = arith.constant 1 : i32
    %sub3A_25 = vector.broadcast %sub3A_24 : i32 to vector<16xi32>
    %sub3A_26 = arith.subi %add3A_23, %sub3A_25 : vector<16xi32>
    %select_n3A_27 = arith.select %eq3A_18, %sub3A_26, %select_n3A_14 : vector<16xi1>, vector<16xi32>
    %all_reduce_population_count3A_28 = tpu.all_reduce %eq3A_18 {dim = 0 : i64, kind = #tpu.reduction_kind<sum>} : vector<16xi1> -> vector<16xi32>
    %add3A_29 = arith.addi %broadcast_in_dim3A_3, %all_reduce_population_count3A_28 : vector<16xi32>
    %eq3A_30 = arith.constant 2 : i32
    %eq3A_31 = vector.broadcast %eq3A_30 : i32 to vector<16xi32>
    %eq3A_32 = arith.cmpi eq, %get3A_6, %eq3A_31 : vector<16xi32>
    %select_n3A_33 = arith.select %eq3A_32, %broadcast_in_dim3A_5, %broadcast_in_dim3A_3 : vector<16xi1>, vector<16xi32>
    %broadcast_in_dim3A_34 = arith.constant true
    %broadcast_in_dim3A_35 = vector.broadcast %broadcast_in_dim3A_34 : i1 to vector<16xi1>
    %masked_cumsum3A_36 = tpu.scan <sum>, %select_n3A_33 masked %broadcast_in_dim3A_35 : vector<16xi32>, vector<16xi1> -> vector<16xi32>
    %add3A_37 = arith.addi %broadcast_in_dim3A_3, %masked_cumsum3A_36 : vector<16xi32>
    %sub3A_38 = arith.constant 1 : i32
    %sub3A_39 = vector.broadcast %sub3A_38 : i32 to vector<16xi32>
    %sub3A_40 = arith.subi %add3A_37, %sub3A_39 : vector<16xi32>
    %select_n3A_41 = arith.select %eq3A_32, %sub3A_40, %select_n3A_27 : vector<16xi1>, vector<16xi32>
    %all_reduce_population_count3A_42 = tpu.all_reduce %eq3A_32 {dim = 0 : i64, kind = #tpu.reduction_kind<sum>} : vector<16xi1> -> vector<16xi32>
    %add3A_43 = arith.addi %broadcast_in_dim3A_3, %all_reduce_population_count3A_42 : vector<16xi32>
    %eq3A_44 = arith.constant 3 : i32
    %eq3A_45 = vector.broadcast %eq3A_44 : i32 to vector<16xi32>
    %eq3A_46 = arith.cmpi eq, %get3A_6, %eq3A_45 : vector<16xi32>
    %select_n3A_47 = arith.select %eq3A_46, %broadcast_in_dim3A_5, %broadcast_in_dim3A_3 : vector<16xi1>, vector<16xi32>
    %broadcast_in_dim3A_48 = arith.constant true
    %broadcast_in_dim3A_49 = vector.broadcast %broadcast_in_dim3A_48 : i1 to vector<16xi1>
    %masked_cumsum3A_50 = tpu.scan <sum>, %select_n3A_47 masked %broadcast_in_dim3A_49 : vector<16xi32>, vector<16xi1> -> vector<16xi32>
    %add3A_51 = arith.addi %broadcast_in_dim3A_3, %masked_cumsum3A_50 : vector<16xi32>
    %sub3A_52 = arith.constant 1 : i32
    %sub3A_53 = vector.broadcast %sub3A_52 : i32 to vector<16xi32>
    %sub3A_54 = arith.subi %add3A_51, %sub3A_53 : vector<16xi32>
    %select_n3A_55 = arith.select %eq3A_46, %sub3A_54, %select_n3A_41 : vector<16xi1>, vector<16xi32>
    %all_reduce_population_count3A_56 = tpu.all_reduce %eq3A_46 {dim = 0 : i64, kind = #tpu.reduction_kind<sum>} : vector<16xi1> -> vector<16xi32>
    %add3A_57 = arith.addi %broadcast_in_dim3A_3, %all_reduce_population_count3A_56 : vector<16xi32>
    %eq3A_58 = arith.constant 4 : i32
    %eq3A_59 = vector.broadcast %eq3A_58 : i32 to vector<16xi32>
    %eq3A_60 = arith.cmpi eq, %get3A_6, %eq3A_59 : vector<16xi32>
    %select_n3A_61 = arith.select %eq3A_60, %broadcast_in_dim3A_5, %broadcast_in_dim3A_3 : vector<16xi1>, vector<16xi32>
    %broadcast_in_dim3A_62 = arith.constant true
    %broadcast_in_dim3A_63 = vector.broadcast %broadcast_in_dim3A_62 : i1 to vector<16xi1>
    %masked_cumsum3A_64 = tpu.scan <sum>, %select_n3A_61 masked %broadcast_in_dim3A_63 : vector<16xi32>, vector<16xi1> -> vector<16xi32>
    %add3A_65 = arith.addi %broadcast_in_dim3A_3, %masked_cumsum3A_64 : vector<16xi32>
    %sub3A_66 = arith.constant 1 : i32
    %sub3A_67 = vector.broadcast %sub3A_66 : i32 to vector<16xi32>
    %sub3A_68 = arith.subi %add3A_65, %sub3A_67 : vector<16xi32>
    %select_n3A_69 = arith.select %eq3A_60, %sub3A_68, %select_n3A_55 : vector<16xi1>, vector<16xi32>
    %all_reduce_population_count3A_70 = tpu.all_reduce %eq3A_60 {dim = 0 : i64, kind = #tpu.reduction_kind<sum>} : vector<16xi1> -> vector<16xi32>
    %add3A_71 = arith.addi %broadcast_in_dim3A_3, %all_reduce_population_count3A_70 : vector<16xi32>
    %eq3A_72 = arith.constant 5 : i32
    %eq3A_73 = vector.broadcast %eq3A_72 : i32 to vector<16xi32>
    %eq3A_74 = arith.cmpi eq, %get3A_6, %eq3A_73 : vector<16xi32>
    %select_n3A_75 = arith.select %eq3A_74, %broadcast_in_dim3A_5, %broadcast_in_dim3A_3 : vector<16xi1>, vector<16xi32>
    %broadcast_in_dim3A_76 = arith.constant true
    %broadcast_in_dim3A_77 = vector.broadcast %broadcast_in_dim3A_76 : i1 to vector<16xi1>
    %masked_cumsum3A_78 = tpu.scan <sum>, %select_n3A_75 masked %broadcast_in_dim3A_77 : vector<16xi32>, vector<16xi1> -> vector<16xi32>
    %add3A_79 = arith.addi %broadcast_in_dim3A_3, %masked_cumsum3A_78 : vector<16xi32>
    %sub3A_80 = arith.constant 1 : i32
    %sub3A_81 = vector.broadcast %sub3A_80 : i32 to vector<16xi32>
    %sub3A_82 = arith.subi %add3A_79, %sub3A_81 : vector<16xi32>
    %select_n3A_83 = arith.select %eq3A_74, %sub3A_82, %select_n3A_69 : vector<16xi1>, vector<16xi32>
    %all_reduce_population_count3A_84 = tpu.all_reduce %eq3A_74 {dim = 0 : i64, kind = #tpu.reduction_kind<sum>} : vector<16xi1> -> vector<16xi32>
    %add3A_85 = arith.addi %broadcast_in_dim3A_3, %all_reduce_population_count3A_84 : vector<16xi32>
    %eq3A_86 = arith.constant 6 : i32
    %eq3A_87 = vector.broadcast %eq3A_86 : i32 to vector<16xi32>
    %eq3A_88 = arith.cmpi eq, %get3A_6, %eq3A_87 : vector<16xi32>
    %select_n3A_89 = arith.select %eq3A_88, %broadcast_in_dim3A_5, %broadcast_in_dim3A_3 : vector<16xi1>, vector<16xi32>
    %broadcast_in_dim3A_90 = arith.constant true
    %broadcast_in_dim3A_91 = vector.broadcast %broadcast_in_dim3A_90 : i1 to vector<16xi1>
    %masked_cumsum3A_92 = tpu.scan <sum>, %select_n3A_89 masked %broadcast_in_dim3A_91 : vector<16xi32>, vector<16xi1> -> vector<16xi32>
    %add3A_93 = arith.addi %broadcast_in_dim3A_3, %masked_cumsum3A_92 : vector<16xi32>
    %sub3A_94 = arith.constant 1 : i32
    %sub3A_95 = vector.broadcast %sub3A_94 : i32 to vector<16xi32>
    %sub3A_96 = arith.subi %add3A_93, %sub3A_95 : vector<16xi32>
    %select_n3A_97 = arith.select %eq3A_88, %sub3A_96, %select_n3A_83 : vector<16xi1>, vector<16xi32>
    %all_reduce_population_count3A_98 = tpu.all_reduce %eq3A_88 {dim = 0 : i64, kind = #tpu.reduction_kind<sum>} : vector<16xi1> -> vector<16xi32>
    %add3A_99 = arith.addi %broadcast_in_dim3A_3, %all_reduce_population_count3A_98 : vector<16xi32>
    %eq3A_100 = arith.constant 7 : i32
    %eq3A_101 = vector.broadcast %eq3A_100 : i32 to vector<16xi32>
    %eq3A_102 = arith.cmpi eq, %get3A_6, %eq3A_101 : vector<16xi32>
    %select_n3A_103 = arith.select %eq3A_102, %broadcast_in_dim3A_5, %broadcast_in_dim3A_3 : vector<16xi1>, vector<16xi32>
    %broadcast_in_dim3A_104 = arith.constant true
    %broadcast_in_dim3A_105 = vector.broadcast %broadcast_in_dim3A_104 : i1 to vector<16xi1>
    %masked_cumsum3A_106 = tpu.scan <sum>, %select_n3A_103 masked %broadcast_in_dim3A_105 : vector<16xi32>, vector<16xi1> -> vector<16xi32>
    %add3A_107 = arith.addi %broadcast_in_dim3A_3, %masked_cumsum3A_106 : vector<16xi32>
    %sub3A_108 = arith.constant 1 : i32
    %sub3A_109 = vector.broadcast %sub3A_108 : i32 to vector<16xi32>
    %sub3A_110 = arith.subi %add3A_107, %sub3A_109 : vector<16xi32>
    %select_n3A_111 = arith.select %eq3A_102, %sub3A_110, %select_n3A_97 : vector<16xi1>, vector<16xi32>
    %all_reduce_population_count3A_112 = tpu.all_reduce %eq3A_102 {dim = 0 : i64, kind = #tpu.reduction_kind<sum>} : vector<16xi1> -> vector<16xi32>
    %add3A_113 = arith.addi %broadcast_in_dim3A_3, %all_reduce_population_count3A_112 : vector<16xi32>
    %get3A_114 = arith.constant 16 : index
    %get3A_115 = tpu.vector_load %arg10[%get3A_114] {strides = array<i32>} : memref<64xi32, #tpu.memory_space<vmem>>, vector<16xi32>,
    %eq3A_116 = arith.constant 0 : i32
    %eq3A_117 = vector.broadcast %eq3A_116 : i32 to vector<16xi32>
    %eq3A_118 = arith.cmpi eq, %get3A_115, %eq3A_117 : vector<16xi32>
    %select_n3A_119 = arith.select %eq3A_118, %broadcast_in_dim3A_5, %broadcast_in_dim3A_3 : vector<16xi1>, vector<16xi32>
    %broadcast_in_dim3A_120 = arith.constant true
    %broadcast_in_dim3A_121 = vector.broadcast %broadcast_in_dim3A_120 : i1 to vector<16xi1>
    %masked_cumsum3A_122 = tpu.scan <sum>, %select_n3A_119 masked %broadcast_in_dim3A_121 : vector<16xi32>, vector<16xi1> -> vector<16xi32>
    %add3A_123 = arith.addi %add3A_15, %masked_cumsum3A_122 : vector<16xi32>
    %sub3A_124 = arith.constant 1 : i32
    %sub3A_125 = vector.broadcast %sub3A_124 : i32 to vector<16xi32>
    %sub3A_126 = arith.subi %add3A_123, %sub3A_125 : vector<16xi32>
    %select_n3A_127 = arith.select %eq3A_118, %sub3A_126, %broadcast_in_dim3A_3 : vector<16xi1>, vector<16xi32>
    %all_reduce_population_count3A_128 = tpu.all_reduce %eq3A_118 {dim = 0 : i64, kind = #tpu.reduction_kind<sum>} : vector<16xi1> -> vector<16xi32>
    %add3A_129 = arith.addi %add3A_15, %all_reduce_population_count3A_128 : vector<16xi32>
    %eq3A_130 = arith.constant 1 : i32
    %eq3A_131 = vector.broadcast %eq3A_130 : i32 to vector<16xi32>
    %eq3A_132 = arith.cmpi eq, %get3A_115, %eq3A_131 : vector<16xi32>
    %select_n3A_133 = arith.select %eq3A_132, %broadcast_in_dim3A_5, %broadcast_in_dim3A_3 : vector<16xi1>, vector<16xi32>
    %broadcast_in_dim3A_134 = arith.constant true
    %broadcast_in_dim3A_135 = vector.broadcast %broadcast_in_dim3A_134 : i1 to vector<16xi1>
    %masked_cumsum3A_136 = tpu.scan <sum>, %select_n3A_133 masked %broadcast_in_dim3A_135 : vector<16xi32>, vector<16xi1> -> vector<16xi32>
    %add3A_137 = arith.addi %add3A_29, %masked_cumsum3A_136 : vector<16xi32>
    %sub3A_138 = arith.constant 1 : i32
    %sub3A_139 = vector.broadcast %sub3A_138 : i32 to vector<16xi32>
    %sub3A_140 = arith.subi %add3A_137, %sub3A_139 : vector<16xi32>
    %select_n3A_141 = arith.select %eq3A_132, %sub3A_140, %select_n3A_127 : vector<16xi1>, vector<16xi32>
    %all_reduce_population_count3A_142 = tpu.all_reduce %eq3A_132 {dim = 0 : i64, kind = #tpu.reduction_kind<sum>} : vector<16xi1> -> vector<16xi32>
    %add3A_143 = arith.addi %add3A_29, %all_reduce_population_count3A_142 : vector<16xi32>
    %eq3A_144 = arith.constant 2 : i32
    %eq3A_145 = vector.broadcast %eq3A_144 : i32 to vector<16xi32>
    %eq3A_146 = arith.cmpi eq, %get3A_115, %eq3A_145 : vector<16xi32>
    %select_n3A_147 = arith.select %eq3A_146, %broadcast_in_dim3A_5, %broadcast_in_dim3A_3 : vector<16xi1>, vector<16xi32>
    %broadcast_in_dim3A_148 = arith.constant true
    %broadcast_in_dim3A_149 = vector.broadcast %broadcast_in_dim3A_148 : i1 to vector<16xi1>
    %masked_cumsum3A_150 = tpu.scan <sum>, %select_n3A_147 masked %broadcast_in_dim3A_149 : vector<16xi32>, vector<16xi1> -> vector<16xi32>
    %add3A_151 = arith.addi %add3A_43, %masked_cumsum3A_150 : vector<16xi32>
    %sub3A_152 = arith.constant 1 : i32
    %sub3A_153 = vector.broadcast %sub3A_152 : i32 to vector<16xi32>
    %sub3A_154 = arith.subi %add3A_151, %sub3A_153 : vector<16xi32>
    %select_n3A_155 = arith.select %eq3A_146, %sub3A_154, %select_n3A_141 : vector<16xi1>, vector<16xi32>
    %all_reduce_population_count3A_156 = tpu.all_reduce %eq3A_146 {dim = 0 : i64, kind = #tpu.reduction_kind<sum>} : vector<16xi1> -> vector<16xi32>
    %add3A_157 = arith.addi %add3A_43, %all_reduce_population_count3A_156 : vector<16xi32>
    %eq3A_158 = arith.constant 3 : i32
    %eq3A_159 = vector.broadcast %eq3A_158 : i32 to vector<16xi32>
    %eq3A_160 = arith.cmpi eq, %get3A_115, %eq3A_159 : vector<16xi32>
    %select_n3A_161 = arith.select %eq3A_160, %broadcast_in_dim3A_5, %broadcast_in_dim3A_3 : vector<16xi1>, vector<16xi32>
    %broadcast_in_dim3A_162 = arith.constant true
    %broadcast_in_dim3A_163 = vector.broadcast %broadcast_in_dim3A_162 : i1 to vector<16xi1>
    %masked_cumsum3A_164 = tpu.scan <sum>, %select_n3A_161 masked %broadcast_in_dim3A_163 : vector<16xi32>, vector<16xi1> -> vector<16xi32>
    %add3A_165 = arith.addi %add3A_57, %masked_cumsum3A_164 : vector<16xi32>
    %sub3A_166 = arith.constant 1 : i32
    %sub3A_167 = vector.broadcast %sub3A_166 : i32 to vector<16xi32>
    %sub3A_168 = arith.subi %add3A_165, %sub3A_167 : vector<16xi32>
    %select_n3A_169 = arith.select %eq3A_160, %sub3A_168, %select_n3A_155 : vector<16xi1>, vector<16xi32>
    %all_reduce_population_count3A_170 = tpu.all_reduce %eq3A_160 {dim = 0 : i64, kind = #tpu.reduction_kind<sum>} : vector<16xi1> -> vector<16xi32>
    %add3A_171 = arith.addi %add3A_57, %all_reduce_population_count3A_170 : vector<16xi32>
    %eq3A_172 = arith.constant 4 : i32
    %eq3A_173 = vector.broadcast %eq3A_172 : i32 to vector<16xi32>
    %eq3A_174 = arith.cmpi eq, %get3A_115, %eq3A_173 : vector<16xi32>
    %select_n3A_175 = arith.select %eq3A_174, %broadcast_in_dim3A_5, %broadcast_in_dim3A_3 : vector<16xi1>, vector<16xi32>
    %broadcast_in_dim3A_176 = arith.constant true
    %broadcast_in_dim3A_177 = vector.broadcast %broadcast_in_dim3A_176 : i1 to vector<16xi1>
    %masked_cumsum3A_178 = tpu.scan <sum>, %select_n3A_175 masked %broadcast_in_dim3A_177 : vector<16xi32>, vector<16xi1> -> vector<16xi32>
    %add3A_179 = arith.addi %add3A_71, %masked_cumsum3A_178 : vector<16xi32>
    %sub3A_180 = arith.constant 1 : i32
    %sub3A_181 = vector.broadcast %sub3A_180 : i32 to vector<16xi32>
    %sub3A_182 = arith.subi %add3A_179, %sub3A_181 : vector<16xi32>
    %select_n3A_183 = arith.select %eq3A_174, %sub3A_182, %select_n3A_169 : vector<16xi1>, vector<16xi32>
    %all_reduce_population_count3A_184 = tpu.all_reduce %eq3A_174 {dim = 0 : i64, kind = #tpu.reduction_kind<sum>} : vector<16xi1> -> vector<16xi32>
    %add3A_185 = arith.addi %add3A_71, %all_reduce_population_count3A_184 : vector<16xi32>
    %eq3A_186 = arith.constant 5 : i32
    %eq3A_187 = vector.broadcast %eq3A_186 : i32 to vector<16xi32>
    %eq3A_188 = arith.cmpi eq, %get3A_115, %eq3A_187 : vector<16xi32>
    %select_n3A_189 = arith.select %eq3A_188, %broadcast_in_dim3A_5, %broadcast_in_dim3A_3 : vector<16xi1>, vector<16xi32>
    %broadcast_in_dim3A_190 = arith.constant true
    %broadcast_in_dim3A_191 = vector.broadcast %broadcast_in_dim3A_190 : i1 to vector<16xi1>
    %masked_cumsum3A_192 = tpu.scan <sum>, %select_n3A_189 masked %broadcast_in_dim3A_191 : vector<16xi32>, vector<16xi1> -> vector<16xi32>
    %add3A_193 = arith.addi %add3A_85, %masked_cumsum3A_192 : vector<16xi32>
    %sub3A_194 = arith.constant 1 : i32
    %sub3A_195 = vector.broadcast %sub3A_194 : i32 to vector<16xi32>
    %sub3A_196 = arith.subi %add3A_193, %sub3A_195 : vector<16xi32>
    %select_n3A_197 = arith.select %eq3A_188, %sub3A_196, %select_n3A_183 : vector<16xi1>, vector<16xi32>
    %all_reduce_population_count3A_198 = tpu.all_reduce %eq3A_188 {dim = 0 : i64, kind = #tpu.reduction_kind<sum>} : vector<16xi1> -> vector<16xi32>
    %add3A_199 = arith.addi %add3A_85, %all_reduce_population_count3A_198 : vector<16xi32>
    %eq3A_200 = arith.constant 6 : i32
    %eq3A_201 = vector.broadcast %eq3A_200 : i32 to vector<16xi32>
    %eq3A_202 = arith.cmpi eq, %get3A_115, %eq3A_201 : vector<16xi32>
    %select_n3A_203 = arith.select %eq3A_202, %broadcast_in_dim3A_5, %broadcast_in_dim3A_3 : vector<16xi1>, vector<16xi32>
    %broadcast_in_dim3A_204 = arith.constant true
    %broadcast_in_dim3A_205 = vector.broadcast %broadcast_in_dim3A_204 : i1 to vector<16xi1>
    %masked_cumsum3A_206 = tpu.scan <sum>, %select_n3A_203 masked %broadcast_in_dim3A_205 : vector<16xi32>, vector<16xi1> -> vector<16xi32>
    %add3A_207 = arith.addi %add3A_99, %masked_cumsum3A_206 : vector<16xi32>
    %sub3A_208 = arith.constant 1 : i32
    %sub3A_209 = vector.broadcast %sub3A_208 : i32 to vector<16xi32>
    %sub3A_210 = arith.subi %add3A_207, %sub3A_209 : vector<16xi32>
    %select_n3A_211 = arith.select %eq3A_202, %sub3A_210, %select_n3A_197 : vector<16xi1>, vector<16xi32>
    %all_reduce_population_count3A_212 = tpu.all_reduce %eq3A_202 {dim = 0 : i64, kind = #tpu.reduction_kind<sum>} : vector<16xi1> -> vector<16xi32>
    %add3A_213 = arith.addi %add3A_99, %all_reduce_population_count3A_212 : vector<16xi32>
    %eq3A_214 = arith.constant 7 : i32
    %eq3A_215 = vector.broadcast %eq3A_214 : i32 to vector<16xi32>
    %eq3A_216 = arith.cmpi eq, %get3A_115, %eq3A_215 : vector<16xi32>
    %select_n3A_217 = arith.select %eq3A_216, %broadcast_in_dim3A_5, %broadcast_in_dim3A_3 : vector<16xi1>, vector<16xi32>
    %broadcast_in_dim3A_218 = arith.constant true
    %broadcast_in_dim3A_219 = vector.broadcast %broadcast_in_dim3A_218 : i1 to vector<16xi1>
    %masked_cumsum3A_220 = tpu.scan <sum>, %select_n3A_217 masked %broadcast_in_dim3A_219 : vector<16xi32>, vector<16xi1> -> vector<16xi32>
    %add3A_221 = arith.addi %add3A_113, %masked_cumsum3A_220 : vector<16xi32>
    %sub3A_222 = arith.constant 1 : i32
    %sub3A_223 = vector.broadcast %sub3A_222 : i32 to vector<16xi32>
    %sub3A_224 = arith.subi %add3A_221, %sub3A_223 : vector<16xi32>
    %select_n3A_225 = arith.select %eq3A_216, %sub3A_224, %select_n3A_211 : vector<16xi1>, vector<16xi32>
    %all_reduce_population_count3A_226 = tpu.all_reduce %eq3A_216 {dim = 0 : i64, kind = #tpu.reduction_kind<sum>} : vector<16xi1> -> vector<16xi32>
    %add3A_227 = arith.addi %add3A_113, %all_reduce_population_count3A_226 : vector<16xi32>
    %get3A_228 = arith.constant 32 : index
    %get3A_229 = tpu.vector_load %arg10[%get3A_228] {strides = array<i32>} : memref<64xi32, #tpu.memory_space<vmem>>, vector<16xi32>,
    %eq3A_230 = arith.constant 0 : i32
    %eq3A_231 = vector.broadcast %eq3A_230 : i32 to vector<16xi32>
    %eq3A_232 = arith.cmpi eq, %get3A_229, %eq3A_231 : vector<16xi32>
    %select_n3A_233 = arith.select %eq3A_232, %broadcast_in_dim3A_5, %broadcast_in_dim3A_3 : vector<16xi1>, vector<16xi32>
    %broadcast_in_dim3A_234 = arith.constant true
    %broadcast_in_dim3A_235 = vector.broadcast %broadcast_in_dim3A_234 : i1 to vector<16xi1>
    %masked_cumsum3A_236 = tpu.scan <sum>, %select_n3A_233 masked %broadcast_in_dim3A_235 : vector<16xi32>, vector<16xi1> -> vector<16xi32>
    %add3A_237 = arith.addi %add3A_129, %masked_cumsum3A_236 : vector<16xi32>
    %sub3A_238 = arith.constant 1 : i32
    %sub3A_239 = vector.broadcast %sub3A_238 : i32 to vector<16xi32>
    %sub3A_240 = arith.subi %add3A_237, %sub3A_239 : vector<16xi32>
    %select_n3A_241 = arith.select %eq3A_232, %sub3A_240, %broadcast_in_dim3A_3 : vector<16xi1>, vector<16xi32>
    %all_reduce_population_count3A_242 = tpu.all_reduce %eq3A_232 {dim = 0 : i64, kind = #tpu.reduction_kind<sum>} : vector<16xi1> -> vector<16xi32>
    %add3A_243 = arith.addi %add3A_129, %all_reduce_population_count3A_242 : vector<16xi32>
    %eq3A_244 = arith.constant 1 : i32
    %eq3A_245 = vector.broadcast %eq3A_244 : i32 to vector<16xi32>
    %eq3A_246 = arith.cmpi eq, %get3A_229, %eq3A_245 : vector<16xi32>
    %select_n3A_247 = arith.select %eq3A_246, %broadcast_in_dim3A_5, %broadcast_in_dim3A_3 : vector<16xi1>, vector<16xi32>
    %broadcast_in_dim3A_248 = arith.constant true
    %broadcast_in_dim3A_249 = vector.broadcast %broadcast_in_dim3A_248 : i1 to vector<16xi1>
    %masked_cumsum3A_250 = tpu.scan <sum>, %select_n3A_247 masked %broadcast_in_dim3A_249 : vector<16xi32>, vector<16xi1> -> vector<16xi32>
    %add3A_251 = arith.addi %add3A_143, %masked_cumsum3A_250 : vector<16xi32>
    %sub3A_252 = arith.constant 1 : i32
    %sub3A_253 = vector.broadcast %sub3A_252 : i32 to vector<16xi32>
    %sub3A_254 = arith.subi %add3A_251, %sub3A_253 : vector<16xi32>
    %select_n3A_255 = arith.select %eq3A_246, %sub3A_254, %select_n3A_241 : vector<16xi1>, vector<16xi32>
    %all_reduce_population_count3A_256 = tpu.all_reduce %eq3A_246 {dim = 0 : i64, kind = #tpu.reduction_kind<sum>} : vector<16xi1> -> vector<16xi32>
    %add3A_257 = arith.addi %add3A_143, %all_reduce_population_count3A_256 : vector<16xi32>
    %eq3A_258 = arith.constant 2 : i32
    %eq3A_259 = vector.broadcast %eq3A_258 : i32 to vector<16xi32>
    %eq3A_260 = arith.cmpi eq, %get3A_229, %eq3A_259 : vector<16xi32>
    %select_n3A_261 = arith.select %eq3A_260, %broadcast_in_dim3A_5, %broadcast_in_dim3A_3 : vector<16xi1>, vector<16xi32>
    %broadcast_in_dim3A_262 = arith.constant true
    %broadcast_in_dim3A_263 = vector.broadcast %broadcast_in_dim3A_262 : i1 to vector<16xi1>
    %masked_cumsum3A_264 = tpu.scan <sum>, %select_n3A_261 masked %broadcast_in_dim3A_263 : vector<16xi32>, vector<16xi1> -> vector<16xi32>
    %add3A_265 = arith.addi %add3A_157, %masked_cumsum3A_264 : vector<16xi32>
    %sub3A_266 = arith.constant 1 : i32
    %sub3A_267 = vector.broadcast %sub3A_266 : i32 to vector<16xi32>
    %sub3A_268 = arith.subi %add3A_265, %sub3A_267 : vector<16xi32>
    %select_n3A_269 = arith.select %eq3A_260, %sub3A_268, %select_n3A_255 : vector<16xi1>, vector<16xi32>
    %all_reduce_population_count3A_270 = tpu.all_reduce %eq3A_260 {dim = 0 : i64, kind = #tpu.reduction_kind<sum>} : vector<16xi1> -> vector<16xi32>
    %add3A_271 = arith.addi %add3A_157, %all_reduce_population_count3A_270 : vector<16xi32>
    %eq3A_272 = arith.constant 3 : i32
    %eq3A_273 = vector.broadcast %eq3A_272 : i32 to vector<16xi32>
    %eq3A_274 = arith.cmpi eq, %get3A_229, %eq3A_273 : vector<16xi32>
    %select_n3A_275 = arith.select %eq3A_274, %broadcast_in_dim3A_5, %broadcast_in_dim3A_3 : vector<16xi1>, vector<16xi32>
    %broadcast_in_dim3A_276 = arith.constant true
    %broadcast_in_dim3A_277 = vector.broadcast %broadcast_in_dim3A_276 : i1 to vector<16xi1>
    %masked_cumsum3A_278 = tpu.scan <sum>, %select_n3A_275 masked %broadcast_in_dim3A_277 : vector<16xi32>, vector<16xi1> -> vector<16xi32>
    %add3A_279 = arith.addi %add3A_171, %masked_cumsum3A_278 : vector<16xi32>
    %sub3A_280 = arith.constant 1 : i32
    %sub3A_281 = vector.broadcast %sub3A_280 : i32 to vector<16xi32>
    %sub3A_282 = arith.subi %add3A_279, %sub3A_281 : vector<16xi32>
    %select_n3A_283 = arith.select %eq3A_274, %sub3A_282, %select_n3A_269 : vector<16xi1>, vector<16xi32>
    %all_reduce_population_count3A_284 = tpu.all_reduce %eq3A_274 {dim = 0 : i64, kind = #tpu.reduction_kind<sum>} : vector<16xi1> -> vector<16xi32>
    %add3A_285 = arith.addi %add3A_171, %all_reduce_population_count3A_284 : vector<16xi32>
    %eq3A_286 = arith.constant 4 : i32
    %eq3A_287 = vector.broadcast %eq3A_286 : i32 to vector<16xi32>
    %eq3A_288 = arith.cmpi eq, %get3A_229, %eq3A_287 : vector<16xi32>
    %select_n3A_289 = arith.select %eq3A_288, %broadcast_in_dim3A_5, %broadcast_in_dim3A_3 : vector<16xi1>, vector<16xi32>
    %broadcast_in_dim3A_290 = arith.constant true
    %broadcast_in_dim3A_291 = vector.broadcast %broadcast_in_dim3A_290 : i1 to vector<16xi1>
    %masked_cumsum3A_292 = tpu.scan <sum>, %select_n3A_289 masked %broadcast_in_dim3A_291 : vector<16xi32>, vector<16xi1> -> vector<16xi32>
    %add3A_293 = arith.addi %add3A_185, %masked_cumsum3A_292 : vector<16xi32>
    %sub3A_294 = arith.constant 1 : i32
    %sub3A_295 = vector.broadcast %sub3A_294 : i32 to vector<16xi32>
    %sub3A_296 = arith.subi %add3A_293, %sub3A_295 : vector<16xi32>
    %select_n3A_297 = arith.select %eq3A_288, %sub3A_296, %select_n3A_283 : vector<16xi1>, vector<16xi32>
    %all_reduce_population_count3A_298 = tpu.all_reduce %eq3A_288 {dim = 0 : i64, kind = #tpu.reduction_kind<sum>} : vector<16xi1> -> vector<16xi32>
    %add3A_299 = arith.addi %add3A_185, %all_reduce_population_count3A_298 : vector<16xi32>
    %eq3A_300 = arith.constant 5 : i32
    %eq3A_301 = vector.broadcast %eq3A_300 : i32 to vector<16xi32>
    %eq3A_302 = arith.cmpi eq, %get3A_229, %eq3A_301 : vector<16xi32>
    %select_n3A_303 = arith.select %eq3A_302, %broadcast_in_dim3A_5, %broadcast_in_dim3A_3 : vector<16xi1>, vector<16xi32>
    %broadcast_in_dim3A_304 = arith.constant true
    %broadcast_in_dim3A_305 = vector.broadcast %broadcast_in_dim3A_304 : i1 to vector<16xi1>
    %masked_cumsum3A_306 = tpu.scan <sum>, %select_n3A_303 masked %broadcast_in_dim3A_305 : vector<16xi32>, vector<16xi1> -> vector<16xi32>
    %add3A_307 = arith.addi %add3A_199, %masked_cumsum3A_306 : vector<16xi32>
    %sub3A_308 = arith.constant 1 : i32
    %sub3A_309 = vector.broadcast %sub3A_308 : i32 to vector<16xi32>
    %sub3A_310 = arith.subi %add3A_307, %sub3A_309 : vector<16xi32>
    %select_n3A_311 = arith.select %eq3A_302, %sub3A_310, %select_n3A_297 : vector<16xi1>, vector<16xi32>
    %all_reduce_population_count3A_312 = tpu.all_reduce %eq3A_302 {dim = 0 : i64, kind = #tpu.reduction_kind<sum>} : vector<16xi1> -> vector<16xi32>
    %add3A_313 = arith.addi %add3A_199, %all_reduce_population_count3A_312 : vector<16xi32>
    %eq3A_314 = arith.constant 6 : i32
    %eq3A_315 = vector.broadcast %eq3A_314 : i32 to vector<16xi32>
    %eq3A_316 = arith.cmpi eq, %get3A_229, %eq3A_315 : vector<16xi32>
    %select_n3A_317 = arith.select %eq3A_316, %broadcast_in_dim3A_5, %broadcast_in_dim3A_3 : vector<16xi1>, vector<16xi32>
    %broadcast_in_dim3A_318 = arith.constant true
    %broadcast_in_dim3A_319 = vector.broadcast %broadcast_in_dim3A_318 : i1 to vector<16xi1>
    %masked_cumsum3A_320 = tpu.scan <sum>, %select_n3A_317 masked %broadcast_in_dim3A_319 : vector<16xi32>, vector<16xi1> -> vector<16xi32>
    %add3A_321 = arith.addi %add3A_213, %masked_cumsum3A_320 : vector<16xi32>
    %sub3A_322 = arith.constant 1 : i32
    %sub3A_323 = vector.broadcast %sub3A_322 : i32 to vector<16xi32>
    %sub3A_324 = arith.subi %add3A_321, %sub3A_323 : vector<16xi32>
    %select_n3A_325 = arith.select %eq3A_316, %sub3A_324, %select_n3A_311 : vector<16xi1>, vector<16xi32>
    %all_reduce_population_count3A_326 = tpu.all_reduce %eq3A_316 {dim = 0 : i64, kind = #tpu.reduction_kind<sum>} : vector<16xi1> -> vector<16xi32>
    %add3A_327 = arith.addi %add3A_213, %all_reduce_population_count3A_326 : vector<16xi32>
    %eq3A_328 = arith.constant 7 : i32
    %eq3A_329 = vector.broadcast %eq3A_328 : i32 to vector<16xi32>
    %eq3A_330 = arith.cmpi eq, %get3A_229, %eq3A_329 : vector<16xi32>
    %select_n3A_331 = arith.select %eq3A_330, %broadcast_in_dim3A_5, %broadcast_in_dim3A_3 : vector<16xi1>, vector<16xi32>
    %broadcast_in_dim3A_332 = arith.constant true
    %broadcast_in_dim3A_333 = vector.broadcast %broadcast_in_dim3A_332 : i1 to vector<16xi1>
    %masked_cumsum3A_334 = tpu.scan <sum>, %select_n3A_331 masked %broadcast_in_dim3A_333 : vector<16xi32>, vector<16xi1> -> vector<16xi32>
    %add3A_335 = arith.addi %add3A_227, %masked_cumsum3A_334 : vector<16xi32>
    %sub3A_336 = arith.constant 1 : i32
    %sub3A_337 = vector.broadcast %sub3A_336 : i32 to vector<16xi32>
    %sub3A_338 = arith.subi %add3A_335, %sub3A_337 : vector<16xi32>
    %select_n3A_339 = arith.select %eq3A_330, %sub3A_338, %select_n3A_325 : vector<16xi1>, vector<16xi32>
    %all_reduce_population_count3A_340 = tpu.all_reduce %eq3A_330 {dim = 0 : i64, kind = #tpu.reduction_kind<sum>} : vector<16xi1> -> vector<16xi32>
    %add3A_341 = arith.addi %add3A_227, %all_reduce_population_count3A_340 : vector<16xi32>
    %get3A_342 = arith.constant 48 : index
    %get3A_343 = tpu.vector_load %arg10[%get3A_342] {strides = array<i32>} : memref<64xi32, #tpu.memory_space<vmem>>, vector<16xi32>,
    %eq3A_344 = arith.constant 0 : i32
    %eq3A_345 = vector.broadcast %eq3A_344 : i32 to vector<16xi32>
    %eq3A_346 = arith.cmpi eq, %get3A_343, %eq3A_345 : vector<16xi32>
    %select_n3A_347 = arith.select %eq3A_346, %broadcast_in_dim3A_5, %broadcast_in_dim3A_3 : vector<16xi1>, vector<16xi32>
    %broadcast_in_dim3A_348 = arith.constant true
    %broadcast_in_dim3A_349 = vector.broadcast %broadcast_in_dim3A_348 : i1 to vector<16xi1>
    %masked_cumsum3A_350 = tpu.scan <sum>, %select_n3A_347 masked %broadcast_in_dim3A_349 : vector<16xi32>, vector<16xi1> -> vector<16xi32>
    %add3A_351 = arith.addi %add3A_243, %masked_cumsum3A_350 : vector<16xi32>
    %sub3A_352 = arith.constant 1 : i32
    %sub3A_353 = vector.broadcast %sub3A_352 : i32 to vector<16xi32>
    %sub3A_354 = arith.subi %add3A_351, %sub3A_353 : vector<16xi32>
    %select_n3A_355 = arith.select %eq3A_346, %sub3A_354, %broadcast_in_dim3A_3 : vector<16xi1>, vector<16xi32>
    %all_reduce_population_count3A_356 = tpu.all_reduce %eq3A_346 {dim = 0 : i64, kind = #tpu.reduction_kind<sum>} : vector<16xi1> -> vector<16xi32>
    %add3A_357 = arith.addi %add3A_243, %all_reduce_population_count3A_356 : vector<16xi32>
    %eq3A_358 = arith.constant 1 : i32
    %eq3A_359 = vector.broadcast %eq3A_358 : i32 to vector<16xi32>
    %eq3A_360 = arith.cmpi eq, %get3A_343, %eq3A_359 : vector<16xi32>
    %select_n3A_361 = arith.select %eq3A_360, %broadcast_in_dim3A_5, %broadcast_in_dim3A_3 : vector<16xi1>, vector<16xi32>
    %broadcast_in_dim3A_362 = arith.constant true
    %broadcast_in_dim3A_363 = vector.broadcast %broadcast_in_dim3A_362 : i1 to vector<16xi1>
    %masked_cumsum3A_364 = tpu.scan <sum>, %select_n3A_361 masked %broadcast_in_dim3A_363 : vector<16xi32>, vector<16xi1> -> vector<16xi32>
    %add3A_365 = arith.addi %add3A_257, %masked_cumsum3A_364 : vector<16xi32>
    %sub3A_366 = arith.constant 1 : i32
    %sub3A_367 = vector.broadcast %sub3A_366 : i32 to vector<16xi32>
    %sub3A_368 = arith.subi %add3A_365, %sub3A_367 : vector<16xi32>
    %select_n3A_369 = arith.select %eq3A_360, %sub3A_368, %select_n3A_355 : vector<16xi1>, vector<16xi32>
    %all_reduce_population_count3A_370 = tpu.all_reduce %eq3A_360 {dim = 0 : i64, kind = #tpu.reduction_kind<sum>} : vector<16xi1> -> vector<16xi32>
    %add3A_371 = arith.addi %add3A_257, %all_reduce_population_count3A_370 : vector<16xi32>
    %eq3A_372 = arith.constant 2 : i32
    %eq3A_373 = vector.broadcast %eq3A_372 : i32 to vector<16xi32>
    %eq3A_374 = arith.cmpi eq, %get3A_343, %eq3A_373 : vector<16xi32>
    %select_n3A_375 = arith.select %eq3A_374, %broadcast_in_dim3A_5, %broadcast_in_dim3A_3 : vector<16xi1>, vector<16xi32>
    %broadcast_in_dim3A_376 = arith.constant true
    %broadcast_in_dim3A_377 = vector.broadcast %broadcast_in_dim3A_376 : i1 to vector<16xi1>
    %masked_cumsum3A_378 = tpu.scan <sum>, %select_n3A_375 masked %broadcast_in_dim3A_377 : vector<16xi32>, vector<16xi1> -> vector<16xi32>
    %add3A_379 = arith.addi %add3A_271, %masked_cumsum3A_378 : vector<16xi32>
    %sub3A_380 = arith.constant 1 : i32
    %sub3A_381 = vector.broadcast %sub3A_380 : i32 to vector<16xi32>
    %sub3A_382 = arith.subi %add3A_379, %sub3A_381 : vector<16xi32>
    %select_n3A_383 = arith.select %eq3A_374, %sub3A_382, %select_n3A_369 : vector<16xi1>, vector<16xi32>
    %all_reduce_population_count3A_384 = tpu.all_reduce %eq3A_374 {dim = 0 : i64, kind = #tpu.reduction_kind<sum>} : vector<16xi1> -> vector<16xi32>
    %add3A_385 = arith.addi %add3A_271, %all_reduce_population_count3A_384 : vector<16xi32>
    %eq3A_386 = arith.constant 3 : i32
    %eq3A_387 = vector.broadcast %eq3A_386 : i32 to vector<16xi32>
    %eq3A_388 = arith.cmpi eq, %get3A_343, %eq3A_387 : vector<16xi32>
    %select_n3A_389 = arith.select %eq3A_388, %broadcast_in_dim3A_5, %broadcast_in_dim3A_3 : vector<16xi1>, vector<16xi32>
    %broadcast_in_dim3A_390 = arith.constant true
    %broadcast_in_dim3A_391 = vector.broadcast %broadcast_in_dim3A_390 : i1 to vector<16xi1>
    %masked_cumsum3A_392 = tpu.scan <sum>, %select_n3A_389 masked %broadcast_in_dim3A_391 : vector<16xi32>, vector<16xi1> -> vector<16xi32>
    %add3A_393 = arith.addi %add3A_285, %masked_cumsum3A_392 : vector<16xi32>
    %sub3A_394 = arith.constant 1 : i32
    %sub3A_395 = vector.broadcast %sub3A_394 : i32 to vector<16xi32>
    %sub3A_396 = arith.subi %add3A_393, %sub3A_395 : vector<16xi32>
    %select_n3A_397 = arith.select %eq3A_388, %sub3A_396, %select_n3A_383 : vector<16xi1>, vector<16xi32>
    %all_reduce_population_count3A_398 = tpu.all_reduce %eq3A_388 {dim = 0 : i64, kind = #tpu.reduction_kind<sum>} : vector<16xi1> -> vector<16xi32>
    %add3A_399 = arith.addi %add3A_285, %all_reduce_population_count3A_398 : vector<16xi32>
    %eq3A_400 = arith.constant 4 : i32
    %eq3A_401 = vector.broadcast %eq3A_400 : i32 to vector<16xi32>
    %eq3A_402 = arith.cmpi eq, %get3A_343, %eq3A_401 : vector<16xi32>
    %select_n3A_403 = arith.select %eq3A_402, %broadcast_in_dim3A_5, %broadcast_in_dim3A_3 : vector<16xi1>, vector<16xi32>
    %broadcast_in_dim3A_404 = arith.constant true
    %broadcast_in_dim3A_405 = vector.broadcast %broadcast_in_dim3A_404 : i1 to vector<16xi1>
    %masked_cumsum3A_406 = tpu.scan <sum>, %select_n3A_403 masked %broadcast_in_dim3A_405 : vector<16xi32>, vector<16xi1> -> vector<16xi32>
    %add3A_407 = arith.addi %add3A_299, %masked_cumsum3A_406 : vector<16xi32>
    %sub3A_408 = arith.constant 1 : i32
    %sub3A_409 = vector.broadcast %sub3A_408 : i32 to vector<16xi32>
    %sub3A_410 = arith.subi %add3A_407, %sub3A_409 : vector<16xi32>
    %select_n3A_411 = arith.select %eq3A_402, %sub3A_410, %select_n3A_397 : vector<16xi1>, vector<16xi32>
    %all_reduce_population_count3A_412 = tpu.all_reduce %eq3A_402 {dim = 0 : i64, kind = #tpu.reduction_kind<sum>} : vector<16xi1> -> vector<16xi32>
    %add3A_413 = arith.addi %add3A_299, %all_reduce_population_count3A_412 : vector<16xi32>
    %eq3A_414 = arith.constant 5 : i32
    %eq3A_415 = vector.broadcast %eq3A_414 : i32 to vector<16xi32>
    %eq3A_416 = arith.cmpi eq, %get3A_343, %eq3A_415 : vector<16xi32>
    %select_n3A_417 = arith.select %eq3A_416, %broadcast_in_dim3A_5, %broadcast_in_dim3A_3 : vector<16xi1>, vector<16xi32>
    %broadcast_in_dim3A_418 = arith.constant true
    %broadcast_in_dim3A_419 = vector.broadcast %broadcast_in_dim3A_418 : i1 to vector<16xi1>
    %masked_cumsum3A_420 = tpu.scan <sum>, %select_n3A_417 masked %broadcast_in_dim3A_419 : vector<16xi32>, vector<16xi1> -> vector<16xi32>
    %add3A_421 = arith.addi %add3A_313, %masked_cumsum3A_420 : vector<16xi32>
    %sub3A_422 = arith.constant 1 : i32
    %sub3A_423 = vector.broadcast %sub3A_422 : i32 to vector<16xi32>
    %sub3A_424 = arith.subi %add3A_421, %sub3A_423 : vector<16xi32>
    %select_n3A_425 = arith.select %eq3A_416, %sub3A_424, %select_n3A_411 : vector<16xi1>, vector<16xi32>
    %all_reduce_population_count3A_426 = tpu.all_reduce %eq3A_416 {dim = 0 : i64, kind = #tpu.reduction_kind<sum>} : vector<16xi1> -> vector<16xi32>
    %add3A_427 = arith.addi %add3A_313, %all_reduce_population_count3A_426 : vector<16xi32>
    %eq3A_428 = arith.constant 6 : i32
    %eq3A_429 = vector.broadcast %eq3A_428 : i32 to vector<16xi32>
    %eq3A_430 = arith.cmpi eq, %get3A_343, %eq3A_429 : vector<16xi32>
    %select_n3A_431 = arith.select %eq3A_430, %broadcast_in_dim3A_5, %broadcast_in_dim3A_3 : vector<16xi1>, vector<16xi32>
    %broadcast_in_dim3A_432 = arith.constant true
    %broadcast_in_dim3A_433 = vector.broadcast %broadcast_in_dim3A_432 : i1 to vector<16xi1>
    %masked_cumsum3A_434 = tpu.scan <sum>, %select_n3A_431 masked %broadcast_in_dim3A_433 : vector<16xi32>, vector<16xi1> -> vector<16xi32>
    %add3A_435 = arith.addi %add3A_327, %masked_cumsum3A_434 : vector<16xi32>
    %sub3A_436 = arith.constant 1 : i32
    %sub3A_437 = vector.broadcast %sub3A_436 : i32 to vector<16xi32>
    %sub3A_438 = arith.subi %add3A_435, %sub3A_437 : vector<16xi32>
    %select_n3A_439 = arith.select %eq3A_430, %sub3A_438, %select_n3A_425 : vector<16xi1>, vector<16xi32>
    %all_reduce_population_count3A_440 = tpu.all_reduce %eq3A_430 {dim = 0 : i64, kind = #tpu.reduction_kind<sum>} : vector<16xi1> -> vector<16xi32>
    %add3A_441 = arith.addi %add3A_327, %all_reduce_population_count3A_440 : vector<16xi32>
    %eq3A_442 = arith.constant 7 : i32
    %eq3A_443 = vector.broadcast %eq3A_442 : i32 to vector<16xi32>
    %eq3A_444 = arith.cmpi eq, %get3A_343, %eq3A_443 : vector<16xi32>
    %select_n3A_445 = arith.select %eq3A_444, %broadcast_in_dim3A_5, %broadcast_in_dim3A_3 : vector<16xi1>, vector<16xi32>
    %broadcast_in_dim3A_446 = arith.constant true
    %broadcast_in_dim3A_447 = vector.broadcast %broadcast_in_dim3A_446 : i1 to vector<16xi1>
    %masked_cumsum3A_448 = tpu.scan <sum>, %select_n3A_445 masked %broadcast_in_dim3A_447 : vector<16xi32>, vector<16xi1> -> vector<16xi32>
    %add3A_449 = arith.addi %add3A_341, %masked_cumsum3A_448 : vector<16xi32>
    %sub3A_450 = arith.constant 1 : i32
    %sub3A_451 = vector.broadcast %sub3A_450 : i32 to vector<16xi32>
    %sub3A_452 = arith.subi %add3A_449, %sub3A_451 : vector<16xi32>
    %select_n3A_453 = arith.select %eq3A_444, %sub3A_452, %select_n3A_439 : vector<16xi1>, vector<16xi32>
    %all_reduce_population_count3A_454 = tpu.all_reduce %eq3A_444 {dim = 0 : i64, kind = #tpu.reduction_kind<sum>} : vector<16xi1> -> vector<16xi32>
    %add3A_455 = arith.addi %add3A_341, %all_reduce_population_count3A_454 : vector<16xi32>
    %get3A_456 = arith.constant 0 : index
    %get3A_457 = tpu.vector_load %arg11[%get3A_456] {strides = array<i32>} : memref<64xi32, #tpu.memory_space<vmem>>, vector<16xi32>,
    %eq3A_458 = arith.constant 0 : i32
    %eq3A_459 = vector.broadcast %eq3A_458 : i32 to vector<16xi32>
    %eq3A_460 = arith.cmpi eq, %get3A_457, %eq3A_459 : vector<16xi32>
    %select_n3A_461 = arith.select %eq3A_460, %broadcast_in_dim3A_5, %broadcast_in_dim3A_3 : vector<16xi1>, vector<16xi32>
    %broadcast_in_dim3A_462 = arith.constant true
    %broadcast_in_dim3A_463 = vector.broadcast %broadcast_in_dim3A_462 : i1 to vector<16xi1>
    %masked_cumsum3A_464 = tpu.scan <sum>, %select_n3A_461 masked %broadcast_in_dim3A_463 : vector<16xi32>, vector<16xi1> -> vector<16xi32>
    %add3A_465 = arith.addi %add3A_357, %masked_cumsum3A_464 : vector<16xi32>
    %sub3A_466 = arith.constant 1 : i32
    %sub3A_467 = vector.broadcast %sub3A_466 : i32 to vector<16xi32>
    %sub3A_468 = arith.subi %add3A_465, %sub3A_467 : vector<16xi32>
    %select_n3A_469 = arith.select %eq3A_460, %sub3A_468, %broadcast_in_dim3A_3 : vector<16xi1>, vector<16xi32>
    %all_reduce_population_count3A_470 = tpu.all_reduce %eq3A_460 {dim = 0 : i64, kind = #tpu.reduction_kind<sum>} : vector<16xi1> -> vector<16xi32>
    %add3A_471 = arith.addi %add3A_357, %all_reduce_population_count3A_470 : vector<16xi32>
    %eq3A_472 = arith.constant 1 : i32
    %eq3A_473 = vector.broadcast %eq3A_472 : i32 to vector<16xi32>
    %eq3A_474 = arith.cmpi eq, %get3A_457, %eq3A_473 : vector<16xi32>
    %select_n3A_475 = arith.select %eq3A_474, %broadcast_in_dim3A_5, %broadcast_in_dim3A_3 : vector<16xi1>, vector<16xi32>
    %broadcast_in_dim3A_476 = arith.constant true
    %broadcast_in_dim3A_477 = vector.broadcast %broadcast_in_dim3A_476 : i1 to vector<16xi1>
    %masked_cumsum3A_478 = tpu.scan <sum>, %select_n3A_475 masked %broadcast_in_dim3A_477 : vector<16xi32>, vector<16xi1> -> vector<16xi32>
    %add3A_479 = arith.addi %add3A_371, %masked_cumsum3A_478 : vector<16xi32>
    %sub3A_480 = arith.constant 1 : i32
    %sub3A_481 = vector.broadcast %sub3A_480 : i32 to vector<16xi32>
    %sub3A_482 = arith.subi %add3A_479, %sub3A_481 : vector<16xi32>
    %select_n3A_483 = arith.select %eq3A_474, %sub3A_482, %select_n3A_469 : vector<16xi1>, vector<16xi32>
    %all_reduce_population_count3A_484 = tpu.all_reduce %eq3A_474 {dim = 0 : i64, kind = #tpu.reduction_kind<sum>} : vector<16xi1> -> vector<16xi32>
    %add3A_485 = arith.addi %add3A_371, %all_reduce_population_count3A_484 : vector<16xi32>
    %eq3A_486 = arith.constant 2 : i32
    %eq3A_487 = vector.broadcast %eq3A_486 : i32 to vector<16xi32>
    %eq3A_488 = arith.cmpi eq, %get3A_457, %eq3A_487 : vector<16xi32>
    %select_n3A_489 = arith.select %eq3A_488, %broadcast_in_dim3A_5, %broadcast_in_dim3A_3 : vector<16xi1>, vector<16xi32>
    %broadcast_in_dim3A_490 = arith.constant true
    %broadcast_in_dim3A_491 = vector.broadcast %broadcast_in_dim3A_490 : i1 to vector<16xi1>
    %masked_cumsum3A_492 = tpu.scan <sum>, %select_n3A_489 masked %broadcast_in_dim3A_491 : vector<16xi32>, vector<16xi1> -> vector<16xi32>
    %add3A_493 = arith.addi %add3A_385, %masked_cumsum3A_492 : vector<16xi32>
    %sub3A_494 = arith.constant 1 : i32
    %sub3A_495 = vector.broadcast %sub3A_494 : i32 to vector<16xi32>
    %sub3A_496 = arith.subi %add3A_493, %sub3A_495 : vector<16xi32>
    %select_n3A_497 = arith.select %eq3A_488, %sub3A_496, %select_n3A_483 : vector<16xi1>, vector<16xi32>
    %all_reduce_population_count3A_498 = tpu.all_reduce %eq3A_488 {dim = 0 : i64, kind = #tpu.reduction_kind<sum>} : vector<16xi1> -> vector<16xi32>
    %add3A_499 = arith.addi %add3A_385, %all_reduce_population_count3A_498 : vector<16xi32>
    %eq3A_500 = arith.constant 3 : i32
    %eq3A_501 = vector.broadcast %eq3A_500 : i32 to vector<16xi32>
    %eq3A_502 = arith.cmpi eq, %get3A_457, %eq3A_501 : vector<16xi32>
    %select_n3A_503 = arith.select %eq3A_502, %broadcast_in_dim3A_5, %broadcast_in_dim3A_3 : vector<16xi1>, vector<16xi32>
    %broadcast_in_dim3A_504 = arith.constant true
    %broadcast_in_dim3A_505 = vector.broadcast %broadcast_in_dim3A_504 : i1 to vector<16xi1>
    %masked_cumsum3A_506 = tpu.scan <sum>, %select_n3A_503 masked %broadcast_in_dim3A_505 : vector<16xi32>, vector<16xi1> -> vector<16xi32>
    %add3A_507 = arith.addi %add3A_399, %masked_cumsum3A_506 : vector<16xi32>
    %sub3A_508 = arith.constant 1 : i32
    %sub3A_509 = vector.broadcast %sub3A_508 : i32 to vector<16xi32>
    %sub3A_510 = arith.subi %add3A_507, %sub3A_509 : vector<16xi32>
    %select_n3A_511 = arith.select %eq3A_502, %sub3A_510, %select_n3A_497 : vector<16xi1>, vector<16xi32>
    %all_reduce_population_count3A_512 = tpu.all_reduce %eq3A_502 {dim = 0 : i64, kind = #tpu.reduction_kind<sum>} : vector<16xi1> -> vector<16xi32>
    %add3A_513 = arith.addi %add3A_399, %all_reduce_population_count3A_512 : vector<16xi32>
    %eq3A_514 = arith.constant 4 : i32
    %eq3A_515 = vector.broadcast %eq3A_514 : i32 to vector<16xi32>
    %eq3A_516 = arith.cmpi eq, %get3A_457, %eq3A_515 : vector<16xi32>
    %select_n3A_517 = arith.select %eq3A_516, %broadcast_in_dim3A_5, %broadcast_in_dim3A_3 : vector<16xi1>, vector<16xi32>
    %broadcast_in_dim3A_518 = arith.constant true
    %broadcast_in_dim3A_519 = vector.broadcast %broadcast_in_dim3A_518 : i1 to vector<16xi1>
    %masked_cumsum3A_520 = tpu.scan <sum>, %select_n3A_517 masked %broadcast_in_dim3A_519 : vector<16xi32>, vector<16xi1> -> vector<16xi32>
    %add3A_521 = arith.addi %add3A_413, %masked_cumsum3A_520 : vector<16xi32>
    %sub3A_522 = arith.constant 1 : i32
    %sub3A_523 = vector.broadcast %sub3A_522 : i32 to vector<16xi32>
    %sub3A_524 = arith.subi %add3A_521, %sub3A_523 : vector<16xi32>
    %select_n3A_525 = arith.select %eq3A_516, %sub3A_524, %select_n3A_511 : vector<16xi1>, vector<16xi32>
    %all_reduce_population_count3A_526 = tpu.all_reduce %eq3A_516 {dim = 0 : i64, kind = #tpu.reduction_kind<sum>} : vector<16xi1> -> vector<16xi32>
    %add3A_527 = arith.addi %add3A_413, %all_reduce_population_count3A_526 : vector<16xi32>
    %eq3A_528 = arith.constant 5 : i32
    %eq3A_529 = vector.broadcast %eq3A_528 : i32 to vector<16xi32>
    %eq3A_530 = arith.cmpi eq, %get3A_457, %eq3A_529 : vector<16xi32>
    %select_n3A_531 = arith.select %eq3A_530, %broadcast_in_dim3A_5, %broadcast_in_dim3A_3 : vector<16xi1>, vector<16xi32>
    %broadcast_in_dim3A_532 = arith.constant true
    %broadcast_in_dim3A_533 = vector.broadcast %broadcast_in_dim3A_532 : i1 to vector<16xi1>
    %masked_cumsum3A_534 = tpu.scan <sum>, %select_n3A_531 masked %broadcast_in_dim3A_533 : vector<16xi32>, vector<16xi1> -> vector<16xi32>
    %add3A_535 = arith.addi %add3A_427, %masked_cumsum3A_534 : vector<16xi32>
    %sub3A_536 = arith.constant 1 : i32
    %sub3A_537 = vector.broadcast %sub3A_536 : i32 to vector<16xi32>
    %sub3A_538 = arith.subi %add3A_535, %sub3A_537 : vector<16xi32>
    %select_n3A_539 = arith.select %eq3A_530, %sub3A_538, %select_n3A_525 : vector<16xi1>, vector<16xi32>
    %all_reduce_population_count3A_540 = tpu.all_reduce %eq3A_530 {dim = 0 : i64, kind = #tpu.reduction_kind<sum>} : vector<16xi1> -> vector<16xi32>
    %add3A_541 = arith.addi %add3A_427, %all_reduce_population_count3A_540 : vector<16xi32>
    %eq3A_542 = arith.constant 6 : i32
    %eq3A_543 = vector.broadcast %eq3A_542 : i32 to vector<16xi32>
    %eq3A_544 = arith.cmpi eq, %get3A_457, %eq3A_543 : vector<16xi32>
    %select_n3A_545 = arith.select %eq3A_544, %broadcast_in_dim3A_5, %broadcast_in_dim3A_3 : vector<16xi1>, vector<16xi32>
    %broadcast_in_dim3A_546 = arith.constant true
    %broadcast_in_dim3A_547 = vector.broadcast %broadcast_in_dim3A_546 : i1 to vector<16xi1>
    %masked_cumsum3A_548 = tpu.scan <sum>, %select_n3A_545 masked %broadcast_in_dim3A_547 : vector<16xi32>, vector<16xi1> -> vector<16xi32>
    %add3A_549 = arith.addi %add3A_441, %masked_cumsum3A_548 : vector<16xi32>
    %sub3A_550 = arith.constant 1 : i32
    %sub3A_551 = vector.broadcast %sub3A_550 : i32 to vector<16xi32>
    %sub3A_552 = arith.subi %add3A_549, %sub3A_551 : vector<16xi32>
    %select_n3A_553 = arith.select %eq3A_544, %sub3A_552, %select_n3A_539 : vector<16xi1>, vector<16xi32>
    %all_reduce_population_count3A_554 = tpu.all_reduce %eq3A_544 {dim = 0 : i64, kind = #tpu.reduction_kind<sum>} : vector<16xi1> -> vector<16xi32>
    %add3A_555 = arith.addi %add3A_441, %all_reduce_population_count3A_554 : vector<16xi32>
    %eq3A_556 = arith.constant 7 : i32
    %eq3A_557 = vector.broadcast %eq3A_556 : i32 to vector<16xi32>
    %eq3A_558 = arith.cmpi eq, %get3A_457, %eq3A_557 : vector<16xi32>
    %select_n3A_559 = arith.select %eq3A_558, %broadcast_in_dim3A_5, %broadcast_in_dim3A_3 : vector<16xi1>, vector<16xi32>
    %broadcast_in_dim3A_560 = arith.constant true
    %broadcast_in_dim3A_561 = vector.broadcast %broadcast_in_dim3A_560 : i1 to vector<16xi1>
    %masked_cumsum3A_562 = tpu.scan <sum>, %select_n3A_559 masked %broadcast_in_dim3A_561 : vector<16xi32>, vector<16xi1> -> vector<16xi32>
    %add3A_563 = arith.addi %add3A_455, %masked_cumsum3A_562 : vector<16xi32>
    %sub3A_564 = arith.constant 1 : i32
    %sub3A_565 = vector.broadcast %sub3A_564 : i32 to vector<16xi32>
    %sub3A_566 = arith.subi %add3A_563, %sub3A_565 : vector<16xi32>
    %select_n3A_567 = arith.select %eq3A_558, %sub3A_566, %select_n3A_553 : vector<16xi1>, vector<16xi32>
    %all_reduce_population_count3A_568 = tpu.all_reduce %eq3A_558 {dim = 0 : i64, kind = #tpu.reduction_kind<sum>} : vector<16xi1> -> vector<16xi32>
    %add3A_569 = arith.addi %add3A_455, %all_reduce_population_count3A_568 : vector<16xi32>
    %get3A_570 = arith.constant 16 : index
    %get3A_571 = tpu.vector_load %arg11[%get3A_570] {strides = array<i32>} : memref<64xi32, #tpu.memory_space<vmem>>, vector<16xi32>,
    %eq3A_572 = arith.constant 0 : i32
    %eq3A_573 = vector.broadcast %eq3A_572 : i32 to vector<16xi32>
    %eq3A_574 = arith.cmpi eq, %get3A_571, %eq3A_573 : vector<16xi32>
    %select_n3A_575 = arith.select %eq3A_574, %broadcast_in_dim3A_5, %broadcast_in_dim3A_3 : vector<16xi1>, vector<16xi32>
    %broadcast_in_dim3A_576 = arith.constant true
    %broadcast_in_dim3A_577 = vector.broadcast %broadcast_in_dim3A_576 : i1 to vector<16xi1>
    %masked_cumsum3A_578 = tpu.scan <sum>, %select_n3A_575 masked %broadcast_in_dim3A_577 : vector<16xi32>, vector<16xi1> -> vector<16xi32>
    %add3A_579 = arith.addi %add3A_471, %masked_cumsum3A_578 : vector<16xi32>
    %sub3A_580 = arith.constant 1 : i32
    %sub3A_581 = vector.broadcast %sub3A_580 : i32 to vector<16xi32>
    %sub3A_582 = arith.subi %add3A_579, %sub3A_581 : vector<16xi32>
    %select_n3A_583 = arith.select %eq3A_574, %sub3A_582, %broadcast_in_dim3A_3 : vector<16xi1>, vector<16xi32>
    %all_reduce_population_count3A_584 = tpu.all_reduce %eq3A_574 {dim = 0 : i64, kind = #tpu.reduction_kind<sum>} : vector<16xi1> -> vector<16xi32>
    %add3A_585 = arith.addi %add3A_471, %all_reduce_population_count3A_584 : vector<16xi32>
    %eq3A_586 = arith.constant 1 : i32
    %eq3A_587 = vector.broadcast %eq3A_586 : i32 to vector<16xi32>
    %eq3A_588 = arith.cmpi eq, %get3A_571, %eq3A_587 : vector<16xi32>
    %select_n3A_589 = arith.select %eq3A_588, %broadcast_in_dim3A_5, %broadcast_in_dim3A_3 : vector<16xi1>, vector<16xi32>
    %broadcast_in_dim3A_590 = arith.constant true
    %broadcast_in_dim3A_591 = vector.broadcast %broadcast_in_dim3A_590 : i1 to vector<16xi1>
    %masked_cumsum3A_592 = tpu.scan <sum>, %select_n3A_589 masked %broadcast_in_dim3A_591 : vector<16xi32>, vector<16xi1> -> vector<16xi32>
    %add3A_593 = arith.addi %add3A_485, %masked_cumsum3A_592 : vector<16xi32>
    %sub3A_594 = arith.constant 1 : i32
    %sub3A_595 = vector.broadcast %sub3A_594 : i32 to vector<16xi32>
    %sub3A_596 = arith.subi %add3A_593, %sub3A_595 : vector<16xi32>
    %select_n3A_597 = arith.select %eq3A_588, %sub3A_596, %select_n3A_583 : vector<16xi1>, vector<16xi32>
    %all_reduce_population_count3A_598 = tpu.all_reduce %eq3A_588 {dim = 0 : i64, kind = #tpu.reduction_kind<sum>} : vector<16xi1> -> vector<16xi32>
    %add3A_599 = arith.addi %add3A_485, %all_reduce_population_count3A_598 : vector<16xi32>
    %eq3A_600 = arith.constant 2 : i32
    %eq3A_601 = vector.broadcast %eq3A_600 : i32 to vector<16xi32>
    %eq3A_602 = arith.cmpi eq, %get3A_571, %eq3A_601 : vector<16xi32>
    %select_n3A_603 = arith.select %eq3A_602, %broadcast_in_dim3A_5, %broadcast_in_dim3A_3 : vector<16xi1>, vector<16xi32>
    %broadcast_in_dim3A_604 = arith.constant true
    %broadcast_in_dim3A_605 = vector.broadcast %broadcast_in_dim3A_604 : i1 to vector<16xi1>
    %masked_cumsum3A_606 = tpu.scan <sum>, %select_n3A_603 masked %broadcast_in_dim3A_605 : vector<16xi32>, vector<16xi1> -> vector<16xi32>
    %add3A_607 = arith.addi %add3A_499, %masked_cumsum3A_606 : vector<16xi32>
    %sub3A_608 = arith.constant 1 : i32
    %sub3A_609 = vector.broadcast %sub3A_608 : i32 to vector<16xi32>
    %sub3A_610 = arith.subi %add3A_607, %sub3A_609 : vector<16xi32>
    %select_n3A_611 = arith.select %eq3A_602, %sub3A_610, %select_n3A_597 : vector<16xi1>, vector<16xi32>
    %all_reduce_population_count3A_612 = tpu.all_reduce %eq3A_602 {dim = 0 : i64, kind = #tpu.reduction_kind<sum>} : vector<16xi1> -> vector<16xi32>
    %add3A_613 = arith.addi %add3A_499, %all_reduce_population_count3A_612 : vector<16xi32>
    %eq3A_614 = arith.constant 3 : i32
    %eq3A_615 = vector.broadcast %eq3A_614 : i32 to vector<16xi32>
    %eq3A_616 = arith.cmpi eq, %get3A_571, %eq3A_615 : vector<16xi32>
    %select_n3A_617 = arith.select %eq3A_616, %broadcast_in_dim3A_5, %broadcast_in_dim3A_3 : vector<16xi1>, vector<16xi32>
    %broadcast_in_dim3A_618 = arith.constant true
    %broadcast_in_dim3A_619 = vector.broadcast %broadcast_in_dim3A_618 : i1 to vector<16xi1>
    %masked_cumsum3A_620 = tpu.scan <sum>, %select_n3A_617 masked %broadcast_in_dim3A_619 : vector<16xi32>, vector<16xi1> -> vector<16xi32>
    %add3A_621 = arith.addi %add3A_513, %masked_cumsum3A_620 : vector<16xi32>
    %sub3A_622 = arith.constant 1 : i32
    %sub3A_623 = vector.broadcast %sub3A_622 : i32 to vector<16xi32>
    %sub3A_624 = arith.subi %add3A_621, %sub3A_623 : vector<16xi32>
    %select_n3A_625 = arith.select %eq3A_616, %sub3A_624, %select_n3A_611 : vector<16xi1>, vector<16xi32>
    %all_reduce_population_count3A_626 = tpu.all_reduce %eq3A_616 {dim = 0 : i64, kind = #tpu.reduction_kind<sum>} : vector<16xi1> -> vector<16xi32>
    %add3A_627 = arith.addi %add3A_513, %all_reduce_population_count3A_626 : vector<16xi32>
    %eq3A_628 = arith.constant 4 : i32
    %eq3A_629 = vector.broadcast %eq3A_628 : i32 to vector<16xi32>
    %eq3A_630 = arith.cmpi eq, %get3A_571, %eq3A_629 : vector<16xi32>
    %select_n3A_631 = arith.select %eq3A_630, %broadcast_in_dim3A_5, %broadcast_in_dim3A_3 : vector<16xi1>, vector<16xi32>
    %broadcast_in_dim3A_632 = arith.constant true
    %broadcast_in_dim3A_633 = vector.broadcast %broadcast_in_dim3A_632 : i1 to vector<16xi1>
    %masked_cumsum3A_634 = tpu.scan <sum>, %select_n3A_631 masked %broadcast_in_dim3A_633 : vector<16xi32>, vector<16xi1> -> vector<16xi32>
    %add3A_635 = arith.addi %add3A_527, %masked_cumsum3A_634 : vector<16xi32>
    %sub3A_636 = arith.constant 1 : i32
    %sub3A_637 = vector.broadcast %sub3A_636 : i32 to vector<16xi32>
    %sub3A_638 = arith.subi %add3A_635, %sub3A_637 : vector<16xi32>
    %select_n3A_639 = arith.select %eq3A_630, %sub3A_638, %select_n3A_625 : vector<16xi1>, vector<16xi32>
    %all_reduce_population_count3A_640 = tpu.all_reduce %eq3A_630 {dim = 0 : i64, kind = #tpu.reduction_kind<sum>} : vector<16xi1> -> vector<16xi32>
    %add3A_641 = arith.addi %add3A_527, %all_reduce_population_count3A_640 : vector<16xi32>
    %eq3A_642 = arith.constant 5 : i32
    %eq3A_643 = vector.broadcast %eq3A_642 : i32 to vector<16xi32>
    %eq3A_644 = arith.cmpi eq, %get3A_571, %eq3A_643 : vector<16xi32>
    %select_n3A_645 = arith.select %eq3A_644, %broadcast_in_dim3A_5, %broadcast_in_dim3A_3 : vector<16xi1>, vector<16xi32>
    %broadcast_in_dim3A_646 = arith.constant true
    %broadcast_in_dim3A_647 = vector.broadcast %broadcast_in_dim3A_646 : i1 to vector<16xi1>
    %masked_cumsum3A_648 = tpu.scan <sum>, %select_n3A_645 masked %broadcast_in_dim3A_647 : vector<16xi32>, vector<16xi1> -> vector<16xi32>
    %add3A_649 = arith.addi %add3A_541, %masked_cumsum3A_648 : vector<16xi32>
    %sub3A_650 = arith.constant 1 : i32
    %sub3A_651 = vector.broadcast %sub3A_650 : i32 to vector<16xi32>
    %sub3A_652 = arith.subi %add3A_649, %sub3A_651 : vector<16xi32>
    %select_n3A_653 = arith.select %eq3A_644, %sub3A_652, %select_n3A_639 : vector<16xi1>, vector<16xi32>
    %all_reduce_population_count3A_654 = tpu.all_reduce %eq3A_644 {dim = 0 : i64, kind = #tpu.reduction_kind<sum>} : vector<16xi1> -> vector<16xi32>
    %add3A_655 = arith.addi %add3A_541, %all_reduce_population_count3A_654 : vector<16xi32>
    %eq3A_656 = arith.constant 6 : i32
    %eq3A_657 = vector.broadcast %eq3A_656 : i32 to vector<16xi32>
    %eq3A_658 = arith.cmpi eq, %get3A_571, %eq3A_657 : vector<16xi32>
    %select_n3A_659 = arith.select %eq3A_658, %broadcast_in_dim3A_5, %broadcast_in_dim3A_3 : vector<16xi1>, vector<16xi32>
    %broadcast_in_dim3A_660 = arith.constant true
    %broadcast_in_dim3A_661 = vector.broadcast %broadcast_in_dim3A_660 : i1 to vector<16xi1>
    %masked_cumsum3A_662 = tpu.scan <sum>, %select_n3A_659 masked %broadcast_in_dim3A_661 : vector<16xi32>, vector<16xi1> -> vector<16xi32>
    %add3A_663 = arith.addi %add3A_555, %masked_cumsum3A_662 : vector<16xi32>
    %sub3A_664 = arith.constant 1 : i32
    %sub3A_665 = vector.broadcast %sub3A_664 : i32 to vector<16xi32>
    %sub3A_666 = arith.subi %add3A_663, %sub3A_665 : vector<16xi32>
    %select_n3A_667 = arith.select %eq3A_658, %sub3A_666, %select_n3A_653 : vector<16xi1>, vector<16xi32>
    %all_reduce_population_count3A_668 = tpu.all_reduce %eq3A_658 {dim = 0 : i64, kind = #tpu.reduction_kind<sum>} : vector<16xi1> -> vector<16xi32>
    %add3A_669 = arith.addi %add3A_555, %all_reduce_population_count3A_668 : vector<16xi32>
    %eq3A_670 = arith.constant 7 : i32
    %eq3A_671 = vector.broadcast %eq3A_670 : i32 to vector<16xi32>
    %eq3A_672 = arith.cmpi eq, %get3A_571, %eq3A_671 : vector<16xi32>
    %select_n3A_673 = arith.select %eq3A_672, %broadcast_in_dim3A_5, %broadcast_in_dim3A_3 : vector<16xi1>, vector<16xi32>
    %broadcast_in_dim3A_674 = arith.constant true
    %broadcast_in_dim3A_675 = vector.broadcast %broadcast_in_dim3A_674 : i1 to vector<16xi1>
    %masked_cumsum3A_676 = tpu.scan <sum>, %select_n3A_673 masked %broadcast_in_dim3A_675 : vector<16xi32>, vector<16xi1> -> vector<16xi32>
    %add3A_677 = arith.addi %add3A_569, %masked_cumsum3A_676 : vector<16xi32>
    %sub3A_678 = arith.constant 1 : i32
    %sub3A_679 = vector.broadcast %sub3A_678 : i32 to vector<16xi32>
    %sub3A_680 = arith.subi %add3A_677, %sub3A_679 : vector<16xi32>
    %select_n3A_681 = arith.select %eq3A_672, %sub3A_680, %select_n3A_667 : vector<16xi1>, vector<16xi32>
    %all_reduce_population_count3A_682 = tpu.all_reduce %eq3A_672 {dim = 0 : i64, kind = #tpu.reduction_kind<sum>} : vector<16xi1> -> vector<16xi32>
    %add3A_683 = arith.addi %add3A_569, %all_reduce_population_count3A_682 : vector<16xi32>
    %get3A_684 = arith.constant 32 : index
    %get3A_685 = tpu.vector_load %arg11[%get3A_684] {strides = array<i32>} : memref<64xi32, #tpu.memory_space<vmem>>, vector<16xi32>,
    %eq3A_686 = arith.constant 0 : i32
    %eq3A_687 = vector.broadcast %eq3A_686 : i32 to vector<16xi32>
    %eq3A_688 = arith.cmpi eq, %get3A_685, %eq3A_687 : vector<16xi32>
    %select_n3A_689 = arith.select %eq3A_688, %broadcast_in_dim3A_5, %broadcast_in_dim3A_3 : vector<16xi1>, vector<16xi32>
    %broadcast_in_dim3A_690 = arith.constant true
    %broadcast_in_dim3A_691 = vector.broadcast %broadcast_in_dim3A_690 : i1 to vector<16xi1>
    %masked_cumsum3A_692 = tpu.scan <sum>, %select_n3A_689 masked %broadcast_in_dim3A_691 : vector<16xi32>, vector<16xi1> -> vector<16xi32>
    %add3A_693 = arith.addi %add3A_585, %masked_cumsum3A_692 : vector<16xi32>
    %sub3A_694 = arith.constant 1 : i32
    %sub3A_695 = vector.broadcast %sub3A_694 : i32 to vector<16xi32>
    %sub3A_696 = arith.subi %add3A_693, %sub3A_695 : vector<16xi32>
    %select_n3A_697 = arith.select %eq3A_688, %sub3A_696, %broadcast_in_dim3A_3 : vector<16xi1>, vector<16xi32>
    %all_reduce_population_count3A_698 = tpu.all_reduce %eq3A_688 {dim = 0 : i64, kind = #tpu.reduction_kind<sum>} : vector<16xi1> -> vector<16xi32>
    %add3A_699 = arith.addi %add3A_585, %all_reduce_population_count3A_698 : vector<16xi32>
    %eq3A_700 = arith.constant 1 : i32
    %eq3A_701 = vector.broadcast %eq3A_700 : i32 to vector<16xi32>
    %eq3A_702 = arith.cmpi eq, %get3A_685, %eq3A_701 : vector<16xi32>
    %select_n3A_703 = arith.select %eq3A_702, %broadcast_in_dim3A_5, %broadcast_in_dim3A_3 : vector<16xi1>, vector<16xi32>
    %broadcast_in_dim3A_704 = arith.constant true
    %broadcast_in_dim3A_705 = vector.broadcast %broadcast_in_dim3A_704 : i1 to vector<16xi1>
    %masked_cumsum3A_706 = tpu.scan <sum>, %select_n3A_703 masked %broadcast_in_dim3A_705 : vector<16xi32>, vector<16xi1> -> vector<16xi32>
    %add3A_707 = arith.addi %add3A_599, %masked_cumsum3A_706 : vector<16xi32>
    %sub3A_708 = arith.constant 1 : i32
    %sub3A_709 = vector.broadcast %sub3A_708 : i32 to vector<16xi32>
    %sub3A_710 = arith.subi %add3A_707, %sub3A_709 : vector<16xi32>
    %select_n3A_711 = arith.select %eq3A_702, %sub3A_710, %select_n3A_697 : vector<16xi1>, vector<16xi32>
    %all_reduce_population_count3A_712 = tpu.all_reduce %eq3A_702 {dim = 0 : i64, kind = #tpu.reduction_kind<sum>} : vector<16xi1> -> vector<16xi32>
    %add3A_713 = arith.addi %add3A_599, %all_reduce_population_count3A_712 : vector<16xi32>
    %eq3A_714 = arith.constant 2 : i32
    %eq3A_715 = vector.broadcast %eq3A_714 : i32 to vector<16xi32>
    %eq3A_716 = arith.cmpi eq, %get3A_685, %eq3A_715 : vector<16xi32>
    %select_n3A_717 = arith.select %eq3A_716, %broadcast_in_dim3A_5, %broadcast_in_dim3A_3 : vector<16xi1>, vector<16xi32>
    %broadcast_in_dim3A_718 = arith.constant true
    %broadcast_in_dim3A_719 = vector.broadcast %broadcast_in_dim3A_718 : i1 to vector<16xi1>
    %masked_cumsum3A_720 = tpu.scan <sum>, %select_n3A_717 masked %broadcast_in_dim3A_719 : vector<16xi32>, vector<16xi1> -> vector<16xi32>
    %add3A_721 = arith.addi %add3A_613, %masked_cumsum3A_720 : vector<16xi32>
    %sub3A_722 = arith.constant 1 : i32
    %sub3A_723 = vector.broadcast %sub3A_722 : i32 to vector<16xi32>
    %sub3A_724 = arith.subi %add3A_721, %sub3A_723 : vector<16xi32>
    %select_n3A_725 = arith.select %eq3A_716, %sub3A_724, %select_n3A_711 : vector<16xi1>, vector<16xi32>
    %all_reduce_population_count3A_726 = tpu.all_reduce %eq3A_716 {dim = 0 : i64, kind = #tpu.reduction_kind<sum>} : vector<16xi1> -> vector<16xi32>
    %add3A_727 = arith.addi %add3A_613, %all_reduce_population_count3A_726 : vector<16xi32>
    %eq3A_728 = arith.constant 3 : i32
    %eq3A_729 = vector.broadcast %eq3A_728 : i32 to vector<16xi32>
    %eq3A_730 = arith.cmpi eq, %get3A_685, %eq3A_729 : vector<16xi32>
    %select_n3A_731 = arith.select %eq3A_730, %broadcast_in_dim3A_5, %broadcast_in_dim3A_3 : vector<16xi1>, vector<16xi32>
    %broadcast_in_dim3A_732 = arith.constant true
    %broadcast_in_dim3A_733 = vector.broadcast %broadcast_in_dim3A_732 : i1 to vector<16xi1>
    %masked_cumsum3A_734 = tpu.scan <sum>, %select_n3A_731 masked %broadcast_in_dim3A_733 : vector<16xi32>, vector<16xi1> -> vector<16xi32>
    %add3A_735 = arith.addi %add3A_627, %masked_cumsum3A_734 : vector<16xi32>
    %sub3A_736 = arith.constant 1 : i32
    %sub3A_737 = vector.broadcast %sub3A_736 : i32 to vector<16xi32>
    %sub3A_738 = arith.subi %add3A_735, %sub3A_737 : vector<16xi32>
    %select_n3A_739 = arith.select %eq3A_730, %sub3A_738, %select_n3A_725 : vector<16xi1>, vector<16xi32>
    %all_reduce_population_count3A_740 = tpu.all_reduce %eq3A_730 {dim = 0 : i64, kind = #tpu.reduction_kind<sum>} : vector<16xi1> -> vector<16xi32>
    %add3A_741 = arith.addi %add3A_627, %all_reduce_population_count3A_740 : vector<16xi32>
    %eq3A_742 = arith.constant 4 : i32
    %eq3A_743 = vector.broadcast %eq3A_742 : i32 to vector<16xi32>
    %eq3A_744 = arith.cmpi eq, %get3A_685, %eq3A_743 : vector<16xi32>
    %select_n3A_745 = arith.select %eq3A_744, %broadcast_in_dim3A_5, %broadcast_in_dim3A_3 : vector<16xi1>, vector<16xi32>
    %broadcast_in_dim3A_746 = arith.constant true
    %broadcast_in_dim3A_747 = vector.broadcast %broadcast_in_dim3A_746 : i1 to vector<16xi1>
    %masked_cumsum3A_748 = tpu.scan <sum>, %select_n3A_745 masked %broadcast_in_dim3A_747 : vector<16xi32>, vector<16xi1> -> vector<16xi32>
    %add3A_749 = arith.addi %add3A_641, %masked_cumsum3A_748 : vector<16xi32>
    %sub3A_750 = arith.constant 1 : i32
    %sub3A_751 = vector.broadcast %sub3A_750 : i32 to vector<16xi32>
    %sub3A_752 = arith.subi %add3A_749, %sub3A_751 : vector<16xi32>
    %select_n3A_753 = arith.select %eq3A_744, %sub3A_752, %select_n3A_739 : vector<16xi1>, vector<16xi32>
    %all_reduce_population_count3A_754 = tpu.all_reduce %eq3A_744 {dim = 0 : i64, kind = #tpu.reduction_kind<sum>} : vector<16xi1> -> vector<16xi32>
    %add3A_755 = arith.addi %add3A_641, %all_reduce_population_count3A_754 : vector<16xi32>
    %eq3A_756 = arith.constant 5 : i32
    %eq3A_757 = vector.broadcast %eq3A_756 : i32 to vector<16xi32>
    %eq3A_758 = arith.cmpi eq, %get3A_685, %eq3A_757 : vector<16xi32>
    %select_n3A_759 = arith.select %eq3A_758, %broadcast_in_dim3A_5, %broadcast_in_dim3A_3 : vector<16xi1>, vector<16xi32>
    %broadcast_in_dim3A_760 = arith.constant true
    %broadcast_in_dim3A_761 = vector.broadcast %broadcast_in_dim3A_760 : i1 to vector<16xi1>
    %masked_cumsum3A_762 = tpu.scan <sum>, %select_n3A_759 masked %broadcast_in_dim3A_761 : vector<16xi32>, vector<16xi1> -> vector<16xi32>
    %add3A_763 = arith.addi %add3A_655, %masked_cumsum3A_762 : vector<16xi32>
    %sub3A_764 = arith.constant 1 : i32
    %sub3A_765 = vector.broadcast %sub3A_764 : i32 to vector<16xi32>
    %sub3A_766 = arith.subi %add3A_763, %sub3A_765 : vector<16xi32>
    %select_n3A_767 = arith.select %eq3A_758, %sub3A_766, %select_n3A_753 : vector<16xi1>, vector<16xi32>
    %all_reduce_population_count3A_768 = tpu.all_reduce %eq3A_758 {dim = 0 : i64, kind = #tpu.reduction_kind<sum>} : vector<16xi1> -> vector<16xi32>
    %add3A_769 = arith.addi %add3A_655, %all_reduce_population_count3A_768 : vector<16xi32>
    %eq3A_770 = arith.constant 6 : i32
    %eq3A_771 = vector.broadcast %eq3A_770 : i32 to vector<16xi32>
    %eq3A_772 = arith.cmpi eq, %get3A_685, %eq3A_771 : vector<16xi32>
    %select_n3A_773 = arith.select %eq3A_772, %broadcast_in_dim3A_5, %broadcast_in_dim3A_3 : vector<16xi1>, vector<16xi32>
    %broadcast_in_dim3A_774 = arith.constant true
    %broadcast_in_dim3A_775 = vector.broadcast %broadcast_in_dim3A_774 : i1 to vector<16xi1>
    %masked_cumsum3A_776 = tpu.scan <sum>, %select_n3A_773 masked %broadcast_in_dim3A_775 : vector<16xi32>, vector<16xi1> -> vector<16xi32>
    %add3A_777 = arith.addi %add3A_669, %masked_cumsum3A_776 : vector<16xi32>
    %sub3A_778 = arith.constant 1 : i32
    %sub3A_779 = vector.broadcast %sub3A_778 : i32 to vector<16xi32>
    %sub3A_780 = arith.subi %add3A_777, %sub3A_779 : vector<16xi32>
    %select_n3A_781 = arith.select %eq3A_772, %sub3A_780, %select_n3A_767 : vector<16xi1>, vector<16xi32>
    %all_reduce_population_count3A_782 = tpu.all_reduce %eq3A_772 {dim = 0 : i64, kind = #tpu.reduction_kind<sum>} : vector<16xi1> -> vector<16xi32>
    %add3A_783 = arith.addi %add3A_669, %all_reduce_population_count3A_782 : vector<16xi32>
    %eq3A_784 = arith.constant 7 : i32
    %eq3A_785 = vector.broadcast %eq3A_784 : i32 to vector<16xi32>
    %eq3A_786 = arith.cmpi eq, %get3A_685, %eq3A_785 : vector<16xi32>
    %select_n3A_787 = arith.select %eq3A_786, %broadcast_in_dim3A_5, %broadcast_in_dim3A_3 : vector<16xi1>, vector<16xi32>
    %broadcast_in_dim3A_788 = arith.constant true
    %broadcast_in_dim3A_789 = vector.broadcast %broadcast_in_dim3A_788 : i1 to vector<16xi1>
    %masked_cumsum3A_790 = tpu.scan <sum>, %select_n3A_787 masked %broadcast_in_dim3A_789 : vector<16xi32>, vector<16xi1> -> vector<16xi32>
    %add3A_791 = arith.addi %add3A_683, %masked_cumsum3A_790 : vector<16xi32>
    %sub3A_792 = arith.constant 1 : i32
    %sub3A_793 = vector.broadcast %sub3A_792 : i32 to vector<16xi32>
    %sub3A_794 = arith.subi %add3A_791, %sub3A_793 : vector<16xi32>
    %select_n3A_795 = arith.select %eq3A_786, %sub3A_794, %select_n3A_781 : vector<16xi1>, vector<16xi32>
    %all_reduce_population_count3A_796 = tpu.all_reduce %eq3A_786 {dim = 0 : i64, kind = #tpu.reduction_kind<sum>} : vector<16xi1> -> vector<16xi32>
    %add3A_797 = arith.addi %add3A_683, %all_reduce_population_count3A_796 : vector<16xi32>
    %get3A_798 = arith.constant 48 : index
    %get3A_799 = tpu.vector_load %arg11[%get3A_798] {strides = array<i32>} : memref<64xi32, #tpu.memory_space<vmem>>, vector<16xi32>,
    %eq3A_800 = arith.constant 0 : i32
    %eq3A_801 = vector.broadcast %eq3A_800 : i32 to vector<16xi32>
    %eq3A_802 = arith.cmpi eq, %get3A_799, %eq3A_801 : vector<16xi32>
    %select_n3A_803 = arith.select %eq3A_802, %broadcast_in_dim3A_5, %broadcast_in_dim3A_3 : vector<16xi1>, vector<16xi32>
    %broadcast_in_dim3A_804 = arith.constant true
    %broadcast_in_dim3A_805 = vector.broadcast %broadcast_in_dim3A_804 : i1 to vector<16xi1>
    %masked_cumsum3A_806 = tpu.scan <sum>, %select_n3A_803 masked %broadcast_in_dim3A_805 : vector<16xi32>, vector<16xi1> -> vector<16xi32>
    %add3A_807 = arith.addi %add3A_699, %masked_cumsum3A_806 : vector<16xi32>
    %sub3A_808 = arith.constant 1 : i32
    %sub3A_809 = vector.broadcast %sub3A_808 : i32 to vector<16xi32>
    %sub3A_810 = arith.subi %add3A_807, %sub3A_809 : vector<16xi32>
    %select_n3A_811 = arith.select %eq3A_802, %sub3A_810, %broadcast_in_dim3A_3 : vector<16xi1>, vector<16xi32>
    %all_reduce_population_count3A_812 = tpu.all_reduce %eq3A_802 {dim = 0 : i64, kind = #tpu.reduction_kind<sum>} : vector<16xi1> -> vector<16xi32>
    %add3A_813 = arith.addi %add3A_699, %all_reduce_population_count3A_812 : vector<16xi32>
    %eq3A_814 = arith.constant 1 : i32
    %eq3A_815 = vector.broadcast %eq3A_814 : i32 to vector<16xi32>
    %eq3A_816 = arith.cmpi eq, %get3A_799, %eq3A_815 : vector<16xi32>
    %select_n3A_817 = arith.select %eq3A_816, %broadcast_in_dim3A_5, %broadcast_in_dim3A_3 : vector<16xi1>, vector<16xi32>
    %broadcast_in_dim3A_818 = arith.constant true
    %broadcast_in_dim3A_819 = vector.broadcast %broadcast_in_dim3A_818 : i1 to vector<16xi1>
    %masked_cumsum3A_820 = tpu.scan <sum>, %select_n3A_817 masked %broadcast_in_dim3A_819 : vector<16xi32>, vector<16xi1> -> vector<16xi32>
    %add3A_821 = arith.addi %add3A_713, %masked_cumsum3A_820 : vector<16xi32>
    %sub3A_822 = arith.constant 1 : i32
    %sub3A_823 = vector.broadcast %sub3A_822 : i32 to vector<16xi32>
    %sub3A_824 = arith.subi %add3A_821, %sub3A_823 : vector<16xi32>
    %select_n3A_825 = arith.select %eq3A_816, %sub3A_824, %select_n3A_811 : vector<16xi1>, vector<16xi32>
    %all_reduce_population_count3A_826 = tpu.all_reduce %eq3A_816 {dim = 0 : i64, kind = #tpu.reduction_kind<sum>} : vector<16xi1> -> vector<16xi32>
    %add3A_827 = arith.addi %add3A_713, %all_reduce_population_count3A_826 : vector<16xi32>
    %eq3A_828 = arith.constant 2 : i32
    %eq3A_829 = vector.broadcast %eq3A_828 : i32 to vector<16xi32>
    %eq3A_830 = arith.cmpi eq, %get3A_799, %eq3A_829 : vector<16xi32>
    %select_n3A_831 = arith.select %eq3A_830, %broadcast_in_dim3A_5, %broadcast_in_dim3A_3 : vector<16xi1>, vector<16xi32>
    %broadcast_in_dim3A_832 = arith.constant true
    %broadcast_in_dim3A_833 = vector.broadcast %broadcast_in_dim3A_832 : i1 to vector<16xi1>
    %masked_cumsum3A_834 = tpu.scan <sum>, %select_n3A_831 masked %broadcast_in_dim3A_833 : vector<16xi32>, vector<16xi1> -> vector<16xi32>
    %add3A_835 = arith.addi %add3A_727, %masked_cumsum3A_834 : vector<16xi32>
    %sub3A_836 = arith.constant 1 : i32
    %sub3A_837 = vector.broadcast %sub3A_836 : i32 to vector<16xi32>
    %sub3A_838 = arith.subi %add3A_835, %sub3A_837 : vector<16xi32>
    %select_n3A_839 = arith.select %eq3A_830, %sub3A_838, %select_n3A_825 : vector<16xi1>, vector<16xi32>
    %all_reduce_population_count3A_840 = tpu.all_reduce %eq3A_830 {dim = 0 : i64, kind = #tpu.reduction_kind<sum>} : vector<16xi1> -> vector<16xi32>
    %add3A_841 = arith.addi %add3A_727, %all_reduce_population_count3A_840 : vector<16xi32>
    %eq3A_842 = arith.constant 3 : i32
    %eq3A_843 = vector.broadcast %eq3A_842 : i32 to vector<16xi32>
    %eq3A_844 = arith.cmpi eq, %get3A_799, %eq3A_843 : vector<16xi32>
    %select_n3A_845 = arith.select %eq3A_844, %broadcast_in_dim3A_5, %broadcast_in_dim3A_3 : vector<16xi1>, vector<16xi32>
    %broadcast_in_dim3A_846 = arith.constant true
    %broadcast_in_dim3A_847 = vector.broadcast %broadcast_in_dim3A_846 : i1 to vector<16xi1>
    %masked_cumsum3A_848 = tpu.scan <sum>, %select_n3A_845 masked %broadcast_in_dim3A_847 : vector<16xi32>, vector<16xi1> -> vector<16xi32>
    %add3A_849 = arith.addi %add3A_741, %masked_cumsum3A_848 : vector<16xi32>
    %sub3A_850 = arith.constant 1 : i32
    %sub3A_851 = vector.broadcast %sub3A_850 : i32 to vector<16xi32>
    %sub3A_852 = arith.subi %add3A_849, %sub3A_851 : vector<16xi32>
    %select_n3A_853 = arith.select %eq3A_844, %sub3A_852, %select_n3A_839 : vector<16xi1>, vector<16xi32>
    %all_reduce_population_count3A_854 = tpu.all_reduce %eq3A_844 {dim = 0 : i64, kind = #tpu.reduction_kind<sum>} : vector<16xi1> -> vector<16xi32>
    %add3A_855 = arith.addi %add3A_741, %all_reduce_population_count3A_854 : vector<16xi32>
    %eq3A_856 = arith.constant 4 : i32
    %eq3A_857 = vector.broadcast %eq3A_856 : i32 to vector<16xi32>
    %eq3A_858 = arith.cmpi eq, %get3A_799, %eq3A_857 : vector<16xi32>
    %select_n3A_859 = arith.select %eq3A_858, %broadcast_in_dim3A_5, %broadcast_in_dim3A_3 : vector<16xi1>, vector<16xi32>
    %broadcast_in_dim3A_860 = arith.constant true
    %broadcast_in_dim3A_861 = vector.broadcast %broadcast_in_dim3A_860 : i1 to vector<16xi1>
    %masked_cumsum3A_862 = tpu.scan <sum>, %select_n3A_859 masked %broadcast_in_dim3A_861 : vector<16xi32>, vector<16xi1> -> vector<16xi32>
    %add3A_863 = arith.addi %add3A_755, %masked_cumsum3A_862 : vector<16xi32>
    %sub3A_864 = arith.constant 1 : i32
    %sub3A_865 = vector.broadcast %sub3A_864 : i32 to vector<16xi32>
    %sub3A_866 = arith.subi %add3A_863, %sub3A_865 : vector<16xi32>
    %select_n3A_867 = arith.select %eq3A_858, %sub3A_866, %select_n3A_853 : vector<16xi1>, vector<16xi32>
    %all_reduce_population_count3A_868 = tpu.all_reduce %eq3A_858 {dim = 0 : i64, kind = #tpu.reduction_kind<sum>} : vector<16xi1> -> vector<16xi32>
    %add3A_869 = arith.addi %add3A_755, %all_reduce_population_count3A_868 : vector<16xi32>
    %eq3A_870 = arith.constant 5 : i32
    %eq3A_871 = vector.broadcast %eq3A_870 : i32 to vector<16xi32>
    %eq3A_872 = arith.cmpi eq, %get3A_799, %eq3A_871 : vector<16xi32>
    %select_n3A_873 = arith.select %eq3A_872, %broadcast_in_dim3A_5, %broadcast_in_dim3A_3 : vector<16xi1>, vector<16xi32>
    %broadcast_in_dim3A_874 = arith.constant true
    %broadcast_in_dim3A_875 = vector.broadcast %broadcast_in_dim3A_874 : i1 to vector<16xi1>
    %masked_cumsum3A_876 = tpu.scan <sum>, %select_n3A_873 masked %broadcast_in_dim3A_875 : vector<16xi32>, vector<16xi1> -> vector<16xi32>
    %add3A_877 = arith.addi %add3A_769, %masked_cumsum3A_876 : vector<16xi32>
    %sub3A_878 = arith.constant 1 : i32
    %sub3A_879 = vector.broadcast %sub3A_878 : i32 to vector<16xi32>
    %sub3A_880 = arith.subi %add3A_877, %sub3A_879 : vector<16xi32>
    %select_n3A_881 = arith.select %eq3A_872, %sub3A_880, %select_n3A_867 : vector<16xi1>, vector<16xi32>
    %all_reduce_population_count3A_882 = tpu.all_reduce %eq3A_872 {dim = 0 : i64, kind = #tpu.reduction_kind<sum>} : vector<16xi1> -> vector<16xi32>
    %add3A_883 = arith.addi %add3A_769, %all_reduce_population_count3A_882 : vector<16xi32>
    %eq3A_884 = arith.constant 6 : i32
    %eq3A_885 = vector.broadcast %eq3A_884 : i32 to vector<16xi32>
    %eq3A_886 = arith.cmpi eq, %get3A_799, %eq3A_885 : vector<16xi32>
    %select_n3A_887 = arith.select %eq3A_886, %broadcast_in_dim3A_5, %broadcast_in_dim3A_3 : vector<16xi1>, vector<16xi32>
    %broadcast_in_dim3A_888 = arith.constant true
    %broadcast_in_dim3A_889 = vector.broadcast %broadcast_in_dim3A_888 : i1 to vector<16xi1>
    %masked_cumsum3A_890 = tpu.scan <sum>, %select_n3A_887 masked %broadcast_in_dim3A_889 : vector<16xi32>, vector<16xi1> -> vector<16xi32>
    %add3A_891 = arith.addi %add3A_783, %masked_cumsum3A_890 : vector<16xi32>
    %sub3A_892 = arith.constant 1 : i32
    %sub3A_893 = vector.broadcast %sub3A_892 : i32 to vector<16xi32>
    %sub3A_894 = arith.subi %add3A_891, %sub3A_893 : vector<16xi32>
    %select_n3A_895 = arith.select %eq3A_886, %sub3A_894, %select_n3A_881 : vector<16xi1>, vector<16xi32>
    %all_reduce_population_count3A_896 = tpu.all_reduce %eq3A_886 {dim = 0 : i64, kind = #tpu.reduction_kind<sum>} : vector<16xi1> -> vector<16xi32>
    %add3A_897 = arith.addi %add3A_783, %all_reduce_population_count3A_896 : vector<16xi32>
    %eq3A_898 = arith.constant 7 : i32
    %eq3A_899 = vector.broadcast %eq3A_898 : i32 to vector<16xi32>
    %eq3A_900 = arith.cmpi eq, %get3A_799, %eq3A_899 : vector<16xi32>
    %select_n3A_901 = arith.select %eq3A_900, %broadcast_in_dim3A_5, %broadcast_in_dim3A_3 : vector<16xi1>, vector<16xi32>
    %broadcast_in_dim3A_902 = arith.constant true
    %broadcast_in_dim3A_903 = vector.broadcast %broadcast_in_dim3A_902 : i1 to vector<16xi1>
    %masked_cumsum3A_904 = tpu.scan <sum>, %select_n3A_901 masked %broadcast_in_dim3A_903 : vector<16xi32>, vector<16xi1> -> vector<16xi32>
    %add3A_905 = arith.addi %add3A_797, %masked_cumsum3A_904 : vector<16xi32>
    %sub3A_906 = arith.constant 1 : i32
    %sub3A_907 = vector.broadcast %sub3A_906 : i32 to vector<16xi32>
    %sub3A_908 = arith.subi %add3A_905, %sub3A_907 : vector<16xi32>
    %select_n3A_909 = arith.select %eq3A_900, %sub3A_908, %select_n3A_895 : vector<16xi1>, vector<16xi32>
    %all_reduce_population_count3A_910 = tpu.all_reduce %eq3A_900 {dim = 0 : i64, kind = #tpu.reduction_kind<sum>} : vector<16xi1> -> vector<16xi32>
    %add3A_911 = arith.addi %add3A_797, %all_reduce_population_count3A_910 : vector<16xi32>
    %eq3A_912 = arith.constant 0 : i32
    %eq3A_913 = vector.broadcast %eq3A_912 : i32 to vector<16xi32>
    %eq3A_914 = arith.cmpi eq, %iota3A, %eq3A_913 : vector<16xi32>
    %select_n3A_915 = arith.select %eq3A_914, %add3A_813, %broadcast_in_dim3A_3 : vector<16xi1>, vector<16xi32>
    %add3A_916 = arith.addi %broadcast_in_dim3A_3, %select_n3A_915 : vector<16xi32>
    %eq3A_917 = arith.constant 1 : i32
    %eq3A_918 = vector.broadcast %eq3A_917 : i32 to vector<16xi32>
    %eq3A_919 = arith.cmpi eq, %iota3A, %eq3A_918 : vector<16xi32>
    %select_n3A_920 = arith.select %eq3A_919, %add3A_827, %broadcast_in_dim3A_3 : vector<16xi1>, vector<16xi32>
    %add3A_921 = arith.addi %add3A_916, %select_n3A_920 : vector<16xi32>
    %eq3A_922 = arith.constant 2 : i32
    %eq3A_923 = vector.broadcast %eq3A_922 : i32 to vector<16xi32>
    %eq3A_924 = arith.cmpi eq, %iota3A, %eq3A_923 : vector<16xi32>
    %select_n3A_925 = arith.select %eq3A_924, %add3A_841, %broadcast_in_dim3A_3 : vector<16xi1>, vector<16xi32>
    %add3A_926 = arith.addi %add3A_921, %select_n3A_925 : vector<16xi32>
    %eq3A_927 = arith.constant 3 : i32
    %eq3A_928 = vector.broadcast %eq3A_927 : i32 to vector<16xi32>
    %eq3A_929 = arith.cmpi eq, %iota3A, %eq3A_928 : vector<16xi32>
    %select_n3A_930 = arith.select %eq3A_929, %add3A_855, %broadcast_in_dim3A_3 : vector<16xi1>, vector<16xi32>
    %add3A_931 = arith.addi %add3A_926, %select_n3A_930 : vector<16xi32>
    %eq3A_932 = arith.constant 4 : i32
    %eq3A_933 = vector.broadcast %eq3A_932 : i32 to vector<16xi32>
    %eq3A_934 = arith.cmpi eq, %iota3A, %eq3A_933 : vector<16xi32>
    %select_n3A_935 = arith.select %eq3A_934, %add3A_869, %broadcast_in_dim3A_3 : vector<16xi1>, vector<16xi32>
    %add3A_936 = arith.addi %add3A_931, %select_n3A_935 : vector<16xi32>
    %eq3A_937 = arith.constant 5 : i32
    %eq3A_938 = vector.broadcast %eq3A_937 : i32 to vector<16xi32>
    %eq3A_939 = arith.cmpi eq, %iota3A, %eq3A_938 : vector<16xi32>
    %select_n3A_940 = arith.select %eq3A_939, %add3A_883, %broadcast_in_dim3A_3 : vector<16xi1>, vector<16xi32>
    %add3A_941 = arith.addi %add3A_936, %select_n3A_940 : vector<16xi32>
    %eq3A_942 = arith.constant 6 : i32
    %eq3A_943 = vector.broadcast %eq3A_942 : i32 to vector<16xi32>
    %eq3A_944 = arith.cmpi eq, %iota3A, %eq3A_943 : vector<16xi32>
    %select_n3A_945 = arith.select %eq3A_944, %add3A_897, %broadcast_in_dim3A_3 : vector<16xi1>, vector<16xi32>
    %add3A_946 = arith.addi %add3A_941, %select_n3A_945 : vector<16xi32>
    %eq3A_947 = arith.constant 7 : i32
    %eq3A_948 = vector.broadcast %eq3A_947 : i32 to vector<16xi32>
    %eq3A_949 = arith.cmpi eq, %iota3A, %eq3A_948 : vector<16xi32>
    %select_n3A_950 = arith.select %eq3A_949, %add3A_911, %broadcast_in_dim3A_3 : vector<16xi1>, vector<16xi32>
    %add3A_951 = arith.addi %add3A_946, %select_n3A_950 : vector<16xi32>
    %swap3A = arith.constant 0 : index
    %swap3A_952 = tpu.vector_load %arg15[%swap3A] {strides = array<i32>} : memref<16xi32, #tpu.memory_space<vmem>>, vector<16xi32>,
    tpu.vector_store %arg15[%swap3A], %add3A_951 {strides = array<i32>} : memref<16xi32, #tpu.memory_space<vmem>>, vector<16xi32>,
    "tpu.region"() ({
      %run_scoped3A = tpu.sem_alloc : memref<!tpu.dma_semaphore, #tpu.memory_space<semaphore_mem>>
      %dma_start3A_1643 = arith.constant 0 : i32
      %dma_start3A_1644 = tpu.memref_slice %arg17[%arg1, %dma_start3A_1643] : memref<16x16xi32, #tpu.memory_space<vmem_shared>> -> memref<1x16xi32, #tpu.memory_space<vmem_shared>>
      %dma_start3A_1645 = tpu.memref_squeeze %dma_start3A_1644 : memref<1x16xi32, #tpu.memory_space<vmem_shared>> -> memref<16xi32, #tpu.memory_space<vmem_shared>>
      %dma_start3A_1646 = arith.constant 0 : i32
      %dma_start3A_1647 = tpu.memref_slice %arg17[%arg1, %dma_start3A_1646] : memref<16x16xi32, #tpu.memory_space<vmem_shared>> -> memref<1x16xi32, #tpu.memory_space<vmem_shared>>
      %dma_start3A_1648 = tpu.memref_squeeze %dma_start3A_1647 : memref<1x16xi32, #tpu.memory_space<vmem_shared>> -> memref<16xi32, #tpu.memory_space<vmem_shared>>
      tpu.enqueue_dma source(%arg15 : memref<16xi32, #tpu.memory_space<vmem>>) target(%dma_start3A_1648 : memref<16xi32, #tpu.memory_space<vmem_shared>>) target_semaphore(%run_scoped3A : memref<!tpu.dma_semaphore, #tpu.memory_space<semaphore_mem>>)
      %dma_wait3A_1649 = arith.constant 0 : i32
      %dma_wait3A_1650 = tpu.memref_slice %arg17[%arg1, %dma_wait3A_1649] : memref<16x16xi32, #tpu.memory_space<vmem_shared>> -> memref<1x16xi32, #tpu.memory_space<vmem_shared>>
      %dma_wait3A_1651 = tpu.memref_squeeze %dma_wait3A_1650 : memref<1x16xi32, #tpu.memory_space<vmem_shared>> -> memref<16xi32, #tpu.memory_space<vmem_shared>>
      %dma_wait3A_1652 = arith.constant 0 : i32
      %dma_wait3A_1653 = tpu.memref_slice %arg17[%arg1, %dma_wait3A_1652] : memref<16x16xi32, #tpu.memory_space<vmem_shared>> -> memref<1x16xi32, #tpu.memory_space<vmem_shared>>
      %dma_wait3A_1654 = tpu.memref_squeeze %dma_wait3A_1653 : memref<1x16xi32, #tpu.memory_space<vmem_shared>> -> memref<16xi32, #tpu.memory_space<vmem_shared>>
      tpu.wait_dma2 semaphore(%run_scoped3A : memref<!tpu.dma_semaphore, #tpu.memory_space<semaphore_mem>>) src(%arg15 : memref<16xi32, #tpu.memory_space<vmem>>) dst(%dma_wait3A_1654 : memref<16xi32, #tpu.memory_space<vmem_shared>>)
      tpu.yield
    }) : () -> ()
    %barrier3A = arith.constant 0 : index
    tpu.barrier barrier_id(%barrier3A)
    "tpu.region"() ({
      %run_scoped3A = tpu.sem_alloc : memref<!tpu.dma_semaphore, #tpu.memory_space<semaphore_mem>>
      tpu.enqueue_dma source(%arg17 : memref<16x16xi32, #tpu.memory_space<vmem_shared>>) target(%arg16 : memref<16x16xi32, #tpu.memory_space<vmem>>) target_semaphore(%run_scoped3A : memref<!tpu.dma_semaphore, #tpu.memory_space<semaphore_mem>>)
      tpu.wait_dma2 semaphore(%run_scoped3A : memref<!tpu.dma_semaphore, #tpu.memory_space<semaphore_mem>>) src(%arg17 : memref<16x16xi32, #tpu.memory_space<vmem_shared>>) dst(%arg16 : memref<16x16xi32, #tpu.memory_space<vmem>>)
      tpu.yield
    }) : () -> ()
    %get3A_953 = arith.constant 0 : i32
    %get3A_954 = arith.index_cast %get3A_953 : i32 to index
    %get3A_955 = arith.constant 0 : index
    %get3A_956 = tpu.vector_load %arg16[%get3A_954, %get3A_955] {strides = array<i32>} : memref<16x16xi32, #tpu.memory_space<vmem>>, vector<16xi32>,
    %add3A_957 = arith.addi %broadcast_in_dim3A_3, %get3A_956 : vector<16xi32>
    %lt3A = arith.constant 0 : i32
    %lt3A_958 = arith.cmpi slt, %lt3A, %arg1 : i32
    %convert_element_type3A = arith.extui %lt3A_958 : i1 to i32
    %broadcast_in_dim3A_959 = vector.broadcast %convert_element_type3A : i32 to vector<16xi32>
    %mul3A_960 = arith.muli %get3A_956, %broadcast_in_dim3A_959 : vector<16xi32>
    %add3A_961 = arith.addi %broadcast_in_dim3A_3, %mul3A_960 : vector<16xi32>
    %get3A_962 = arith.constant 1 : i32
    %get3A_963 = arith.index_cast %get3A_962 : i32 to index
    %get3A_964 = arith.constant 0 : index
    %get3A_965 = tpu.vector_load %arg16[%get3A_963, %get3A_964] {strides = array<i32>} : memref<16x16xi32, #tpu.memory_space<vmem>>, vector<16xi32>,
    %add3A_966 = arith.addi %add3A_957, %get3A_965 : vector<16xi32>
    %lt3A_967 = arith.constant 1 : i32
    %lt3A_968 = arith.cmpi slt, %lt3A_967, %arg1 : i32
    %convert_element_type3A_969 = arith.extui %lt3A_968 : i1 to i32
    %broadcast_in_dim3A_970 = vector.broadcast %convert_element_type3A_969 : i32 to vector<16xi32>
    %mul3A_971 = arith.muli %get3A_965, %broadcast_in_dim3A_970 : vector<16xi32>
    %add3A_972 = arith.addi %add3A_961, %mul3A_971 : vector<16xi32>
    %get3A_973 = arith.constant 2 : i32
    %get3A_974 = arith.index_cast %get3A_973 : i32 to index
    %get3A_975 = arith.constant 0 : index
    %get3A_976 = tpu.vector_load %arg16[%get3A_974, %get3A_975] {strides = array<i32>} : memref<16x16xi32, #tpu.memory_space<vmem>>, vector<16xi32>,
    %add3A_977 = arith.addi %add3A_966, %get3A_976 : vector<16xi32>
    %lt3A_978 = arith.constant 2 : i32
    %lt3A_979 = arith.cmpi slt, %lt3A_978, %arg1 : i32
    %convert_element_type3A_980 = arith.extui %lt3A_979 : i1 to i32
    %broadcast_in_dim3A_981 = vector.broadcast %convert_element_type3A_980 : i32 to vector<16xi32>
    %mul3A_982 = arith.muli %get3A_976, %broadcast_in_dim3A_981 : vector<16xi32>
    %add3A_983 = arith.addi %add3A_972, %mul3A_982 : vector<16xi32>
    %get3A_984 = arith.constant 3 : i32
    %get3A_985 = arith.index_cast %get3A_984 : i32 to index
    %get3A_986 = arith.constant 0 : index
    %get3A_987 = tpu.vector_load %arg16[%get3A_985, %get3A_986] {strides = array<i32>} : memref<16x16xi32, #tpu.memory_space<vmem>>, vector<16xi32>,
    %add3A_988 = arith.addi %add3A_977, %get3A_987 : vector<16xi32>
    %lt3A_989 = arith.constant 3 : i32
    %lt3A_990 = arith.cmpi slt, %lt3A_989, %arg1 : i32
    %convert_element_type3A_991 = arith.extui %lt3A_990 : i1 to i32
    %broadcast_in_dim3A_992 = vector.broadcast %convert_element_type3A_991 : i32 to vector<16xi32>
    %mul3A_993 = arith.muli %get3A_987, %broadcast_in_dim3A_992 : vector<16xi32>
    %add3A_994 = arith.addi %add3A_983, %mul3A_993 : vector<16xi32>
    %get3A_995 = arith.constant 4 : i32
    %get3A_996 = arith.index_cast %get3A_995 : i32 to index
    %get3A_997 = arith.constant 0 : index
    %get3A_998 = tpu.vector_load %arg16[%get3A_996, %get3A_997] {strides = array<i32>} : memref<16x16xi32, #tpu.memory_space<vmem>>, vector<16xi32>,
    %add3A_999 = arith.addi %add3A_988, %get3A_998 : vector<16xi32>
    %lt3A_1000 = arith.constant 4 : i32
    %lt3A_1001 = arith.cmpi slt, %lt3A_1000, %arg1 : i32
    %convert_element_type3A_1002 = arith.extui %lt3A_1001 : i1 to i32
    %broadcast_in_dim3A_1003 = vector.broadcast %convert_element_type3A_1002 : i32 to vector<16xi32>
    %mul3A_1004 = arith.muli %get3A_998, %broadcast_in_dim3A_1003 : vector<16xi32>
    %add3A_1005 = arith.addi %add3A_994, %mul3A_1004 : vector<16xi32>
    %get3A_1006 = arith.constant 5 : i32
    %get3A_1007 = arith.index_cast %get3A_1006 : i32 to index
    %get3A_1008 = arith.constant 0 : index
    %get3A_1009 = tpu.vector_load %arg16[%get3A_1007, %get3A_1008] {strides = array<i32>} : memref<16x16xi32, #tpu.memory_space<vmem>>, vector<16xi32>,
    %add3A_1010 = arith.addi %add3A_999, %get3A_1009 : vector<16xi32>
    %lt3A_1011 = arith.constant 5 : i32
    %lt3A_1012 = arith.cmpi slt, %lt3A_1011, %arg1 : i32
    %convert_element_type3A_1013 = arith.extui %lt3A_1012 : i1 to i32
    %broadcast_in_dim3A_1014 = vector.broadcast %convert_element_type3A_1013 : i32 to vector<16xi32>
    %mul3A_1015 = arith.muli %get3A_1009, %broadcast_in_dim3A_1014 : vector<16xi32>
    %add3A_1016 = arith.addi %add3A_1005, %mul3A_1015 : vector<16xi32>
    %get3A_1017 = arith.constant 6 : i32
    %get3A_1018 = arith.index_cast %get3A_1017 : i32 to index
    %get3A_1019 = arith.constant 0 : index
    %get3A_1020 = tpu.vector_load %arg16[%get3A_1018, %get3A_1019] {strides = array<i32>} : memref<16x16xi32, #tpu.memory_space<vmem>>, vector<16xi32>,
    %add3A_1021 = arith.addi %add3A_1010, %get3A_1020 : vector<16xi32>
    %lt3A_1022 = arith.constant 6 : i32
    %lt3A_1023 = arith.cmpi slt, %lt3A_1022, %arg1 : i32
    %convert_element_type3A_1024 = arith.extui %lt3A_1023 : i1 to i32
    %broadcast_in_dim3A_1025 = vector.broadcast %convert_element_type3A_1024 : i32 to vector<16xi32>
    %mul3A_1026 = arith.muli %get3A_1020, %broadcast_in_dim3A_1025 : vector<16xi32>
    %add3A_1027 = arith.addi %add3A_1016, %mul3A_1026 : vector<16xi32>
    %get3A_1028 = arith.constant 7 : i32
    %get3A_1029 = arith.index_cast %get3A_1028 : i32 to index
    %get3A_1030 = arith.constant 0 : index
    %get3A_1031 = tpu.vector_load %arg16[%get3A_1029, %get3A_1030] {strides = array<i32>} : memref<16x16xi32, #tpu.memory_space<vmem>>, vector<16xi32>,
    %add3A_1032 = arith.addi %add3A_1021, %get3A_1031 : vector<16xi32>
    %lt3A_1033 = arith.constant 7 : i32
    %lt3A_1034 = arith.cmpi slt, %lt3A_1033, %arg1 : i32
    %convert_element_type3A_1035 = arith.extui %lt3A_1034 : i1 to i32
    %broadcast_in_dim3A_1036 = vector.broadcast %convert_element_type3A_1035 : i32 to vector<16xi32>
    %mul3A_1037 = arith.muli %get3A_1031, %broadcast_in_dim3A_1036 : vector<16xi32>
    %add3A_1038 = arith.addi %add3A_1027, %mul3A_1037 : vector<16xi32>
    %get3A_1039 = arith.constant 8 : i32
    %get3A_1040 = arith.index_cast %get3A_1039 : i32 to index
    %get3A_1041 = arith.constant 0 : index
    %get3A_1042 = tpu.vector_load %arg16[%get3A_1040, %get3A_1041] {strides = array<i32>} : memref<16x16xi32, #tpu.memory_space<vmem>>, vector<16xi32>,
    %add3A_1043 = arith.addi %add3A_1032, %get3A_1042 : vector<16xi32>
    %lt3A_1044 = arith.constant 8 : i32
    %lt3A_1045 = arith.cmpi slt, %lt3A_1044, %arg1 : i32
    %convert_element_type3A_1046 = arith.extui %lt3A_1045 : i1 to i32
    %broadcast_in_dim3A_1047 = vector.broadcast %convert_element_type3A_1046 : i32 to vector<16xi32>
    %mul3A_1048 = arith.muli %get3A_1042, %broadcast_in_dim3A_1047 : vector<16xi32>
    %add3A_1049 = arith.addi %add3A_1038, %mul3A_1048 : vector<16xi32>
    %get3A_1050 = arith.constant 9 : i32
    %get3A_1051 = arith.index_cast %get3A_1050 : i32 to index
    %get3A_1052 = arith.constant 0 : index
    %get3A_1053 = tpu.vector_load %arg16[%get3A_1051, %get3A_1052] {strides = array<i32>} : memref<16x16xi32, #tpu.memory_space<vmem>>, vector<16xi32>,
    %add3A_1054 = arith.addi %add3A_1043, %get3A_1053 : vector<16xi32>
    %lt3A_1055 = arith.constant 9 : i32
    %lt3A_1056 = arith.cmpi slt, %lt3A_1055, %arg1 : i32
    %convert_element_type3A_1057 = arith.extui %lt3A_1056 : i1 to i32
    %broadcast_in_dim3A_1058 = vector.broadcast %convert_element_type3A_1057 : i32 to vector<16xi32>
    %mul3A_1059 = arith.muli %get3A_1053, %broadcast_in_dim3A_1058 : vector<16xi32>
    %add3A_1060 = arith.addi %add3A_1049, %mul3A_1059 : vector<16xi32>
    %get3A_1061 = arith.constant 10 : i32
    %get3A_1062 = arith.index_cast %get3A_1061 : i32 to index
    %get3A_1063 = arith.constant 0 : index
    %get3A_1064 = tpu.vector_load %arg16[%get3A_1062, %get3A_1063] {strides = array<i32>} : memref<16x16xi32, #tpu.memory_space<vmem>>, vector<16xi32>,
    %add3A_1065 = arith.addi %add3A_1054, %get3A_1064 : vector<16xi32>
    %lt3A_1066 = arith.constant 10 : i32
    %lt3A_1067 = arith.cmpi slt, %lt3A_1066, %arg1 : i32
    %convert_element_type3A_1068 = arith.extui %lt3A_1067 : i1 to i32
    %broadcast_in_dim3A_1069 = vector.broadcast %convert_element_type3A_1068 : i32 to vector<16xi32>
    %mul3A_1070 = arith.muli %get3A_1064, %broadcast_in_dim3A_1069 : vector<16xi32>
    %add3A_1071 = arith.addi %add3A_1060, %mul3A_1070 : vector<16xi32>
    %get3A_1072 = arith.constant 11 : i32
    %get3A_1073 = arith.index_cast %get3A_1072 : i32 to index
    %get3A_1074 = arith.constant 0 : index
    %get3A_1075 = tpu.vector_load %arg16[%get3A_1073, %get3A_1074] {strides = array<i32>} : memref<16x16xi32, #tpu.memory_space<vmem>>, vector<16xi32>,
    %add3A_1076 = arith.addi %add3A_1065, %get3A_1075 : vector<16xi32>
    %lt3A_1077 = arith.constant 11 : i32
    %lt3A_1078 = arith.cmpi slt, %lt3A_1077, %arg1 : i32
    %convert_element_type3A_1079 = arith.extui %lt3A_1078 : i1 to i32
    %broadcast_in_dim3A_1080 = vector.broadcast %convert_element_type3A_1079 : i32 to vector<16xi32>
    %mul3A_1081 = arith.muli %get3A_1075, %broadcast_in_dim3A_1080 : vector<16xi32>
    %add3A_1082 = arith.addi %add3A_1071, %mul3A_1081 : vector<16xi32>
    %get3A_1083 = arith.constant 12 : i32
    %get3A_1084 = arith.index_cast %get3A_1083 : i32 to index
    %get3A_1085 = arith.constant 0 : index
    %get3A_1086 = tpu.vector_load %arg16[%get3A_1084, %get3A_1085] {strides = array<i32>} : memref<16x16xi32, #tpu.memory_space<vmem>>, vector<16xi32>,
    %add3A_1087 = arith.addi %add3A_1076, %get3A_1086 : vector<16xi32>
    %lt3A_1088 = arith.constant 12 : i32
    %lt3A_1089 = arith.cmpi slt, %lt3A_1088, %arg1 : i32
    %convert_element_type3A_1090 = arith.extui %lt3A_1089 : i1 to i32
    %broadcast_in_dim3A_1091 = vector.broadcast %convert_element_type3A_1090 : i32 to vector<16xi32>
    %mul3A_1092 = arith.muli %get3A_1086, %broadcast_in_dim3A_1091 : vector<16xi32>
    %add3A_1093 = arith.addi %add3A_1082, %mul3A_1092 : vector<16xi32>
    %get3A_1094 = arith.constant 13 : i32
    %get3A_1095 = arith.index_cast %get3A_1094 : i32 to index
    %get3A_1096 = arith.constant 0 : index
    %get3A_1097 = tpu.vector_load %arg16[%get3A_1095, %get3A_1096] {strides = array<i32>} : memref<16x16xi32, #tpu.memory_space<vmem>>, vector<16xi32>,
    %add3A_1098 = arith.addi %add3A_1087, %get3A_1097 : vector<16xi32>
    %lt3A_1099 = arith.constant 13 : i32
    %lt3A_1100 = arith.cmpi slt, %lt3A_1099, %arg1 : i32
    %convert_element_type3A_1101 = arith.extui %lt3A_1100 : i1 to i32
    %broadcast_in_dim3A_1102 = vector.broadcast %convert_element_type3A_1101 : i32 to vector<16xi32>
    %mul3A_1103 = arith.muli %get3A_1097, %broadcast_in_dim3A_1102 : vector<16xi32>
    %add3A_1104 = arith.addi %add3A_1093, %mul3A_1103 : vector<16xi32>
    %get3A_1105 = arith.constant 14 : i32
    %get3A_1106 = arith.index_cast %get3A_1105 : i32 to index
    %get3A_1107 = arith.constant 0 : index
    %get3A_1108 = tpu.vector_load %arg16[%get3A_1106, %get3A_1107] {strides = array<i32>} : memref<16x16xi32, #tpu.memory_space<vmem>>, vector<16xi32>,
    %add3A_1109 = arith.addi %add3A_1098, %get3A_1108 : vector<16xi32>
    %lt3A_1110 = arith.constant 14 : i32
    %lt3A_1111 = arith.cmpi slt, %lt3A_1110, %arg1 : i32
    %convert_element_type3A_1112 = arith.extui %lt3A_1111 : i1 to i32
    %broadcast_in_dim3A_1113 = vector.broadcast %convert_element_type3A_1112 : i32 to vector<16xi32>
    %mul3A_1114 = arith.muli %get3A_1108, %broadcast_in_dim3A_1113 : vector<16xi32>
    %add3A_1115 = arith.addi %add3A_1104, %mul3A_1114 : vector<16xi32>
    %get3A_1116 = arith.constant 15 : i32
    %get3A_1117 = arith.index_cast %get3A_1116 : i32 to index
    %get3A_1118 = arith.constant 0 : index
    %get3A_1119 = tpu.vector_load %arg16[%get3A_1117, %get3A_1118] {strides = array<i32>} : memref<16x16xi32, #tpu.memory_space<vmem>>, vector<16xi32>,
    %add3A_1120 = arith.addi %add3A_1109, %get3A_1119 : vector<16xi32>
    %lt3A_1121 = arith.constant 15 : i32
    %lt3A_1122 = arith.cmpi slt, %lt3A_1121, %arg1 : i32
    %convert_element_type3A_1123 = arith.extui %lt3A_1122 : i1 to i32
    %broadcast_in_dim3A_1124 = vector.broadcast %convert_element_type3A_1123 : i32 to vector<16xi32>
    %mul3A_1125 = arith.muli %get3A_1119, %broadcast_in_dim3A_1124 : vector<16xi32>
    %add3A_1126 = arith.addi %add3A_1115, %mul3A_1125 : vector<16xi32>
    %add3A_1127 = arith.constant 127 : i32
    %add3A_1128 = vector.broadcast %add3A_1127 : i32 to vector<16xi32>
    %add3A_1129 = arith.addi %add3A_1120, %add3A_1128 : vector<16xi32>
    %shift_right_arithmetic3A = arith.constant 7 : i32
    %shift_right_arithmetic3A_1130 = vector.broadcast %shift_right_arithmetic3A : i32 to vector<16xi32>
    %shift_right_arithmetic3A_1131 = arith.shrsi %add3A_1129, %shift_right_arithmetic3A_1130 : vector<16xi32>
    %shift_left3A = arith.constant 7 : i32
    %shift_left3A_1132 = vector.broadcast %shift_left3A : i32 to vector<16xi32>
    %shift_left3A_1133 = arith.shli %shift_right_arithmetic3A_1131, %shift_left3A_1132 : vector<16xi32>
    %broadcast_in_dim3A_1134 = arith.constant true
    %broadcast_in_dim3A_1135 = vector.broadcast %broadcast_in_dim3A_1134 : i1 to vector<16xi1>
    %masked_cumsum3A_1136 = tpu.scan <sum>, %shift_left3A_1133 masked %broadcast_in_dim3A_1135 : vector<16xi32>, vector<16xi1> -> vector<16xi32>
    %sub3A_1137 = arith.subi %masked_cumsum3A_1136, %shift_left3A_1133 : vector<16xi32>
    %add3A_1138 = arith.addi %sub3A_1137, %add3A_1126 : vector<16xi32>
    %eq3A_1139 = arith.constant 0 : i32
    %eq3A_1140 = vector.broadcast %eq3A_1139 : i32 to vector<16xi32>
    %eq3A_1141 = arith.cmpi eq, %iota3A, %eq3A_1140 : vector<16xi32>
    %select_n3A_1142 = arith.select %eq3A_1141, %add3A_1138, %broadcast_in_dim3A_3 : vector<16xi1>, vector<16xi32>
    %reduce_sum3A = arith.constant true
    %reduce_sum3A_1143 = vector.broadcast %reduce_sum3A : i1 to vector<16xi1>
    %reduce_sum3A_1144 = tpu.scan <sum>, %select_n3A_1142 masked %reduce_sum3A_1143 : vector<16xi32>, vector<16xi1> -> vector<16xi32>
    %reduce_sum3A_1145 = vector.extract %reduce_sum3A_1144[15] : i32 from vector<16xi32>
    %eq3A_1146 = arith.constant 1 : i32
    %eq3A_1147 = vector.broadcast %eq3A_1146 : i32 to vector<16xi32>
    %eq3A_1148 = arith.cmpi eq, %iota3A, %eq3A_1147 : vector<16xi32>
    %select_n3A_1149 = arith.select %eq3A_1148, %add3A_1138, %broadcast_in_dim3A_3 : vector<16xi1>, vector<16xi32>
    %reduce_sum3A_1150 = arith.constant true
    %reduce_sum3A_1151 = vector.broadcast %reduce_sum3A_1150 : i1 to vector<16xi1>
    %reduce_sum3A_1152 = tpu.scan <sum>, %select_n3A_1149 masked %reduce_sum3A_1151 : vector<16xi32>, vector<16xi1> -> vector<16xi32>
    %reduce_sum3A_1153 = vector.extract %reduce_sum3A_1152[15] : i32 from vector<16xi32>
    %eq3A_1154 = arith.constant 2 : i32
    %eq3A_1155 = vector.broadcast %eq3A_1154 : i32 to vector<16xi32>
    %eq3A_1156 = arith.cmpi eq, %iota3A, %eq3A_1155 : vector<16xi32>
    %select_n3A_1157 = arith.select %eq3A_1156, %add3A_1138, %broadcast_in_dim3A_3 : vector<16xi1>, vector<16xi32>
    %reduce_sum3A_1158 = arith.constant true
    %reduce_sum3A_1159 = vector.broadcast %reduce_sum3A_1158 : i1 to vector<16xi1>
    %reduce_sum3A_1160 = tpu.scan <sum>, %select_n3A_1157 masked %reduce_sum3A_1159 : vector<16xi32>, vector<16xi1> -> vector<16xi32>
    %reduce_sum3A_1161 = vector.extract %reduce_sum3A_1160[15] : i32 from vector<16xi32>
    %eq3A_1162 = arith.constant 3 : i32
    %eq3A_1163 = vector.broadcast %eq3A_1162 : i32 to vector<16xi32>
    %eq3A_1164 = arith.cmpi eq, %iota3A, %eq3A_1163 : vector<16xi32>
    %select_n3A_1165 = arith.select %eq3A_1164, %add3A_1138, %broadcast_in_dim3A_3 : vector<16xi1>, vector<16xi32>
    %reduce_sum3A_1166 = arith.constant true
    %reduce_sum3A_1167 = vector.broadcast %reduce_sum3A_1166 : i1 to vector<16xi1>
    %reduce_sum3A_1168 = tpu.scan <sum>, %select_n3A_1165 masked %reduce_sum3A_1167 : vector<16xi32>, vector<16xi1> -> vector<16xi32>
    %reduce_sum3A_1169 = vector.extract %reduce_sum3A_1168[15] : i32 from vector<16xi32>
    %eq3A_1170 = arith.constant 4 : i32
    %eq3A_1171 = vector.broadcast %eq3A_1170 : i32 to vector<16xi32>
    %eq3A_1172 = arith.cmpi eq, %iota3A, %eq3A_1171 : vector<16xi32>
    %select_n3A_1173 = arith.select %eq3A_1172, %add3A_1138, %broadcast_in_dim3A_3 : vector<16xi1>, vector<16xi32>
    %reduce_sum3A_1174 = arith.constant true
    %reduce_sum3A_1175 = vector.broadcast %reduce_sum3A_1174 : i1 to vector<16xi1>
    %reduce_sum3A_1176 = tpu.scan <sum>, %select_n3A_1173 masked %reduce_sum3A_1175 : vector<16xi32>, vector<16xi1> -> vector<16xi32>
    %reduce_sum3A_1177 = vector.extract %reduce_sum3A_1176[15] : i32 from vector<16xi32>
    %eq3A_1178 = arith.constant 5 : i32
    %eq3A_1179 = vector.broadcast %eq3A_1178 : i32 to vector<16xi32>
    %eq3A_1180 = arith.cmpi eq, %iota3A, %eq3A_1179 : vector<16xi32>
    %select_n3A_1181 = arith.select %eq3A_1180, %add3A_1138, %broadcast_in_dim3A_3 : vector<16xi1>, vector<16xi32>
    %reduce_sum3A_1182 = arith.constant true
    %reduce_sum3A_1183 = vector.broadcast %reduce_sum3A_1182 : i1 to vector<16xi1>
    %reduce_sum3A_1184 = tpu.scan <sum>, %select_n3A_1181 masked %reduce_sum3A_1183 : vector<16xi32>, vector<16xi1> -> vector<16xi32>
    %reduce_sum3A_1185 = vector.extract %reduce_sum3A_1184[15] : i32 from vector<16xi32>
    %eq3A_1186 = arith.constant 6 : i32
    %eq3A_1187 = vector.broadcast %eq3A_1186 : i32 to vector<16xi32>
    %eq3A_1188 = arith.cmpi eq, %iota3A, %eq3A_1187 : vector<16xi32>
    %select_n3A_1189 = arith.select %eq3A_1188, %add3A_1138, %broadcast_in_dim3A_3 : vector<16xi1>, vector<16xi32>
    %reduce_sum3A_1190 = arith.constant true
    %reduce_sum3A_1191 = vector.broadcast %reduce_sum3A_1190 : i1 to vector<16xi1>
    %reduce_sum3A_1192 = tpu.scan <sum>, %select_n3A_1189 masked %reduce_sum3A_1191 : vector<16xi32>, vector<16xi1> -> vector<16xi32>
    %reduce_sum3A_1193 = vector.extract %reduce_sum3A_1192[15] : i32 from vector<16xi32>
    %eq3A_1194 = arith.constant 7 : i32
    %eq3A_1195 = vector.broadcast %eq3A_1194 : i32 to vector<16xi32>
    %eq3A_1196 = arith.cmpi eq, %iota3A, %eq3A_1195 : vector<16xi32>
    %select_n3A_1197 = arith.select %eq3A_1196, %add3A_1138, %broadcast_in_dim3A_3 : vector<16xi1>, vector<16xi32>
    %reduce_sum3A_1198 = arith.constant true
    %reduce_sum3A_1199 = vector.broadcast %reduce_sum3A_1198 : i1 to vector<16xi1>
    %reduce_sum3A_1200 = tpu.scan <sum>, %select_n3A_1197 masked %reduce_sum3A_1199 : vector<16xi32>, vector<16xi1> -> vector<16xi32>
    %reduce_sum3A_1201 = vector.extract %reduce_sum3A_1200[15] : i32 from vector<16xi32>
    %mul3A_1202 = arith.constant 3072 : i32
    %mul3A_1203 = arith.muli %arg0, %mul3A_1202 : i32
    %broadcast_in_dim3A_1204 = vector.broadcast %mul3A_1203 : i32 to vector<16xi32>
    %get3A_1205 = arith.constant 0 : index
    %get3A_1206 = tpu.vector_load %arg10[%get3A_1205] {strides = array<i32>} : memref<64xi32, #tpu.memory_space<vmem>>, vector<16xi32>,
    %add3A_1207 = arith.addi %select_n3A_111, %broadcast_in_dim3A_1204 : vector<16xi32>
    %eq3A_1208 = arith.constant 0 : i32
    %eq3A_1209 = vector.broadcast %eq3A_1208 : i32 to vector<16xi32>
    %eq3A_1210 = arith.cmpi eq, %get3A_1206, %eq3A_1209 : vector<16xi32>
    %broadcast_in_dim3A_1211 = vector.broadcast %reduce_sum3A_1145 : i32 to vector<16xi32>
    %select_n3A_1212 = arith.select %eq3A_1210, %broadcast_in_dim3A_1211, %broadcast_in_dim3A_3 : vector<16xi1>, vector<16xi32>
    %add3A_1213 = arith.addi %add3A_1207, %select_n3A_1212 : vector<16xi32>
    %eq3A_1214 = arith.constant 1 : i32
    %eq3A_1215 = vector.broadcast %eq3A_1214 : i32 to vector<16xi32>
    %eq3A_1216 = arith.cmpi eq, %get3A_1206, %eq3A_1215 : vector<16xi32>
    %broadcast_in_dim3A_1217 = vector.broadcast %reduce_sum3A_1153 : i32 to vector<16xi32>
    %select_n3A_1218 = arith.select %eq3A_1216, %broadcast_in_dim3A_1217, %broadcast_in_dim3A_3 : vector<16xi1>, vector<16xi32>
    %add3A_1219 = arith.addi %add3A_1213, %select_n3A_1218 : vector<16xi32>
    %eq3A_1220 = arith.constant 2 : i32
    %eq3A_1221 = vector.broadcast %eq3A_1220 : i32 to vector<16xi32>
    %eq3A_1222 = arith.cmpi eq, %get3A_1206, %eq3A_1221 : vector<16xi32>
    %broadcast_in_dim3A_1223 = vector.broadcast %reduce_sum3A_1161 : i32 to vector<16xi32>
    %select_n3A_1224 = arith.select %eq3A_1222, %broadcast_in_dim3A_1223, %broadcast_in_dim3A_3 : vector<16xi1>, vector<16xi32>
    %add3A_1225 = arith.addi %add3A_1219, %select_n3A_1224 : vector<16xi32>
    %eq3A_1226 = arith.constant 3 : i32
    %eq3A_1227 = vector.broadcast %eq3A_1226 : i32 to vector<16xi32>
    %eq3A_1228 = arith.cmpi eq, %get3A_1206, %eq3A_1227 : vector<16xi32>
    %broadcast_in_dim3A_1229 = vector.broadcast %reduce_sum3A_1169 : i32 to vector<16xi32>
    %select_n3A_1230 = arith.select %eq3A_1228, %broadcast_in_dim3A_1229, %broadcast_in_dim3A_3 : vector<16xi1>, vector<16xi32>
    %add3A_1231 = arith.addi %add3A_1225, %select_n3A_1230 : vector<16xi32>
    %eq3A_1232 = arith.constant 4 : i32
    %eq3A_1233 = vector.broadcast %eq3A_1232 : i32 to vector<16xi32>
    %eq3A_1234 = arith.cmpi eq, %get3A_1206, %eq3A_1233 : vector<16xi32>
    %broadcast_in_dim3A_1235 = vector.broadcast %reduce_sum3A_1177 : i32 to vector<16xi32>
    %select_n3A_1236 = arith.select %eq3A_1234, %broadcast_in_dim3A_1235, %broadcast_in_dim3A_3 : vector<16xi1>, vector<16xi32>
    %add3A_1237 = arith.addi %add3A_1231, %select_n3A_1236 : vector<16xi32>
    %eq3A_1238 = arith.constant 5 : i32
    %eq3A_1239 = vector.broadcast %eq3A_1238 : i32 to vector<16xi32>
    %eq3A_1240 = arith.cmpi eq, %get3A_1206, %eq3A_1239 : vector<16xi32>
    %broadcast_in_dim3A_1241 = vector.broadcast %reduce_sum3A_1185 : i32 to vector<16xi32>
    %select_n3A_1242 = arith.select %eq3A_1240, %broadcast_in_dim3A_1241, %broadcast_in_dim3A_3 : vector<16xi1>, vector<16xi32>
    %add3A_1243 = arith.addi %add3A_1237, %select_n3A_1242 : vector<16xi32>
    %eq3A_1244 = arith.constant 6 : i32
    %eq3A_1245 = vector.broadcast %eq3A_1244 : i32 to vector<16xi32>
    %eq3A_1246 = arith.cmpi eq, %get3A_1206, %eq3A_1245 : vector<16xi32>
    %broadcast_in_dim3A_1247 = vector.broadcast %reduce_sum3A_1193 : i32 to vector<16xi32>
    %select_n3A_1248 = arith.select %eq3A_1246, %broadcast_in_dim3A_1247, %broadcast_in_dim3A_3 : vector<16xi1>, vector<16xi32>
    %add3A_1249 = arith.addi %add3A_1243, %select_n3A_1248 : vector<16xi32>
    %eq3A_1250 = arith.constant 7 : i32
    %eq3A_1251 = vector.broadcast %eq3A_1250 : i32 to vector<16xi32>
    %eq3A_1252 = arith.cmpi eq, %get3A_1206, %eq3A_1251 : vector<16xi32>
    %broadcast_in_dim3A_1253 = vector.broadcast %reduce_sum3A_1201 : i32 to vector<16xi32>
    %select_n3A_1254 = arith.select %eq3A_1252, %broadcast_in_dim3A_1253, %broadcast_in_dim3A_3 : vector<16xi1>, vector<16xi32>
    %add3A_1255 = arith.addi %add3A_1249, %select_n3A_1254 : vector<16xi32>
    %swap3A_1256 = arith.constant 0 : index
    %swap3A_1257 = tpu.vector_load %arg12[%swap3A_1256] {strides = array<i32>} : memref<64xi32, #tpu.memory_space<vmem>>, vector<16xi32>,
    tpu.vector_store %arg12[%swap3A_1256], %add3A_1255 {strides = array<i32>} : memref<64xi32, #tpu.memory_space<vmem>>, vector<16xi32>,
    %get3A_1258 = arith.constant 16 : index
    %get3A_1259 = tpu.vector_load %arg10[%get3A_1258] {strides = array<i32>} : memref<64xi32, #tpu.memory_space<vmem>>, vector<16xi32>,
    %add3A_1260 = arith.addi %select_n3A_225, %broadcast_in_dim3A_1204 : vector<16xi32>
    %eq3A_1261 = arith.constant 0 : i32
    %eq3A_1262 = vector.broadcast %eq3A_1261 : i32 to vector<16xi32>
    %eq3A_1263 = arith.cmpi eq, %get3A_1259, %eq3A_1262 : vector<16xi32>
    %broadcast_in_dim3A_1264 = vector.broadcast %reduce_sum3A_1145 : i32 to vector<16xi32>
    %select_n3A_1265 = arith.select %eq3A_1263, %broadcast_in_dim3A_1264, %broadcast_in_dim3A_3 : vector<16xi1>, vector<16xi32>
    %add3A_1266 = arith.addi %add3A_1260, %select_n3A_1265 : vector<16xi32>
    %eq3A_1267 = arith.constant 1 : i32
    %eq3A_1268 = vector.broadcast %eq3A_1267 : i32 to vector<16xi32>
    %eq3A_1269 = arith.cmpi eq, %get3A_1259, %eq3A_1268 : vector<16xi32>
    %broadcast_in_dim3A_1270 = vector.broadcast %reduce_sum3A_1153 : i32 to vector<16xi32>
    %select_n3A_1271 = arith.select %eq3A_1269, %broadcast_in_dim3A_1270, %broadcast_in_dim3A_3 : vector<16xi1>, vector<16xi32>
    %add3A_1272 = arith.addi %add3A_1266, %select_n3A_1271 : vector<16xi32>
    %eq3A_1273 = arith.constant 2 : i32
    %eq3A_1274 = vector.broadcast %eq3A_1273 : i32 to vector<16xi32>
    %eq3A_1275 = arith.cmpi eq, %get3A_1259, %eq3A_1274 : vector<16xi32>
    %broadcast_in_dim3A_1276 = vector.broadcast %reduce_sum3A_1161 : i32 to vector<16xi32>
    %select_n3A_1277 = arith.select %eq3A_1275, %broadcast_in_dim3A_1276, %broadcast_in_dim3A_3 : vector<16xi1>, vector<16xi32>
    %add3A_1278 = arith.addi %add3A_1272, %select_n3A_1277 : vector<16xi32>
    %eq3A_1279 = arith.constant 3 : i32
    %eq3A_1280 = vector.broadcast %eq3A_1279 : i32 to vector<16xi32>
    %eq3A_1281 = arith.cmpi eq, %get3A_1259, %eq3A_1280 : vector<16xi32>
    %broadcast_in_dim3A_1282 = vector.broadcast %reduce_sum3A_1169 : i32 to vector<16xi32>
    %select_n3A_1283 = arith.select %eq3A_1281, %broadcast_in_dim3A_1282, %broadcast_in_dim3A_3 : vector<16xi1>, vector<16xi32>
    %add3A_1284 = arith.addi %add3A_1278, %select_n3A_1283 : vector<16xi32>
    %eq3A_1285 = arith.constant 4 : i32
    %eq3A_1286 = vector.broadcast %eq3A_1285 : i32 to vector<16xi32>
    %eq3A_1287 = arith.cmpi eq, %get3A_1259, %eq3A_1286 : vector<16xi32>
    %broadcast_in_dim3A_1288 = vector.broadcast %reduce_sum3A_1177 : i32 to vector<16xi32>
    %select_n3A_1289 = arith.select %eq3A_1287, %broadcast_in_dim3A_1288, %broadcast_in_dim3A_3 : vector<16xi1>, vector<16xi32>
    %add3A_1290 = arith.addi %add3A_1284, %select_n3A_1289 : vector<16xi32>
    %eq3A_1291 = arith.constant 5 : i32
    %eq3A_1292 = vector.broadcast %eq3A_1291 : i32 to vector<16xi32>
    %eq3A_1293 = arith.cmpi eq, %get3A_1259, %eq3A_1292 : vector<16xi32>
    %broadcast_in_dim3A_1294 = vector.broadcast %reduce_sum3A_1185 : i32 to vector<16xi32>
    %select_n3A_1295 = arith.select %eq3A_1293, %broadcast_in_dim3A_1294, %broadcast_in_dim3A_3 : vector<16xi1>, vector<16xi32>
    %add3A_1296 = arith.addi %add3A_1290, %select_n3A_1295 : vector<16xi32>
    %eq3A_1297 = arith.constant 6 : i32
    %eq3A_1298 = vector.broadcast %eq3A_1297 : i32 to vector<16xi32>
    %eq3A_1299 = arith.cmpi eq, %get3A_1259, %eq3A_1298 : vector<16xi32>
    %broadcast_in_dim3A_1300 = vector.broadcast %reduce_sum3A_1193 : i32 to vector<16xi32>
    %select_n3A_1301 = arith.select %eq3A_1299, %broadcast_in_dim3A_1300, %broadcast_in_dim3A_3 : vector<16xi1>, vector<16xi32>
    %add3A_1302 = arith.addi %add3A_1296, %select_n3A_1301 : vector<16xi32>
    %eq3A_1303 = arith.constant 7 : i32
    %eq3A_1304 = vector.broadcast %eq3A_1303 : i32 to vector<16xi32>
    %eq3A_1305 = arith.cmpi eq, %get3A_1259, %eq3A_1304 : vector<16xi32>
    %broadcast_in_dim3A_1306 = vector.broadcast %reduce_sum3A_1201 : i32 to vector<16xi32>
    %select_n3A_1307 = arith.select %eq3A_1305, %broadcast_in_dim3A_1306, %broadcast_in_dim3A_3 : vector<16xi1>, vector<16xi32>
    %add3A_1308 = arith.addi %add3A_1302, %select_n3A_1307 : vector<16xi32>
    %swap3A_1309 = arith.constant 16 : index
    %swap3A_1310 = tpu.vector_load %arg12[%swap3A_1309] {strides = array<i32>} : memref<64xi32, #tpu.memory_space<vmem>>, vector<16xi32>,
    tpu.vector_store %arg12[%swap3A_1309], %add3A_1308 {strides = array<i32>} : memref<64xi32, #tpu.memory_space<vmem>>, vector<16xi32>,
    %get3A_1311 = arith.constant 32 : index
    %get3A_1312 = tpu.vector_load %arg10[%get3A_1311] {strides = array<i32>} : memref<64xi32, #tpu.memory_space<vmem>>, vector<16xi32>,
    %add3A_1313 = arith.addi %select_n3A_339, %broadcast_in_dim3A_1204 : vector<16xi32>
    %eq3A_1314 = arith.constant 0 : i32
    %eq3A_1315 = vector.broadcast %eq3A_1314 : i32 to vector<16xi32>
    %eq3A_1316 = arith.cmpi eq, %get3A_1312, %eq3A_1315 : vector<16xi32>
    %broadcast_in_dim3A_1317 = vector.broadcast %reduce_sum3A_1145 : i32 to vector<16xi32>
    %select_n3A_1318 = arith.select %eq3A_1316, %broadcast_in_dim3A_1317, %broadcast_in_dim3A_3 : vector<16xi1>, vector<16xi32>
    %add3A_1319 = arith.addi %add3A_1313, %select_n3A_1318 : vector<16xi32>
    %eq3A_1320 = arith.constant 1 : i32
    %eq3A_1321 = vector.broadcast %eq3A_1320 : i32 to vector<16xi32>
    %eq3A_1322 = arith.cmpi eq, %get3A_1312, %eq3A_1321 : vector<16xi32>
    %broadcast_in_dim3A_1323 = vector.broadcast %reduce_sum3A_1153 : i32 to vector<16xi32>
    %select_n3A_1324 = arith.select %eq3A_1322, %broadcast_in_dim3A_1323, %broadcast_in_dim3A_3 : vector<16xi1>, vector<16xi32>
    %add3A_1325 = arith.addi %add3A_1319, %select_n3A_1324 : vector<16xi32>
    %eq3A_1326 = arith.constant 2 : i32
    %eq3A_1327 = vector.broadcast %eq3A_1326 : i32 to vector<16xi32>
    %eq3A_1328 = arith.cmpi eq, %get3A_1312, %eq3A_1327 : vector<16xi32>
    %broadcast_in_dim3A_1329 = vector.broadcast %reduce_sum3A_1161 : i32 to vector<16xi32>
    %select_n3A_1330 = arith.select %eq3A_1328, %broadcast_in_dim3A_1329, %broadcast_in_dim3A_3 : vector<16xi1>, vector<16xi32>
    %add3A_1331 = arith.addi %add3A_1325, %select_n3A_1330 : vector<16xi32>
    %eq3A_1332 = arith.constant 3 : i32
    %eq3A_1333 = vector.broadcast %eq3A_1332 : i32 to vector<16xi32>
    %eq3A_1334 = arith.cmpi eq, %get3A_1312, %eq3A_1333 : vector<16xi32>
    %broadcast_in_dim3A_1335 = vector.broadcast %reduce_sum3A_1169 : i32 to vector<16xi32>
    %select_n3A_1336 = arith.select %eq3A_1334, %broadcast_in_dim3A_1335, %broadcast_in_dim3A_3 : vector<16xi1>, vector<16xi32>
    %add3A_1337 = arith.addi %add3A_1331, %select_n3A_1336 : vector<16xi32>
    %eq3A_1338 = arith.constant 4 : i32
    %eq3A_1339 = vector.broadcast %eq3A_1338 : i32 to vector<16xi32>
    %eq3A_1340 = arith.cmpi eq, %get3A_1312, %eq3A_1339 : vector<16xi32>
    %broadcast_in_dim3A_1341 = vector.broadcast %reduce_sum3A_1177 : i32 to vector<16xi32>
    %select_n3A_1342 = arith.select %eq3A_1340, %broadcast_in_dim3A_1341, %broadcast_in_dim3A_3 : vector<16xi1>, vector<16xi32>
    %add3A_1343 = arith.addi %add3A_1337, %select_n3A_1342 : vector<16xi32>
    %eq3A_1344 = arith.constant 5 : i32
    %eq3A_1345 = vector.broadcast %eq3A_1344 : i32 to vector<16xi32>
    %eq3A_1346 = arith.cmpi eq, %get3A_1312, %eq3A_1345 : vector<16xi32>
    %broadcast_in_dim3A_1347 = vector.broadcast %reduce_sum3A_1185 : i32 to vector<16xi32>
    %select_n3A_1348 = arith.select %eq3A_1346, %broadcast_in_dim3A_1347, %broadcast_in_dim3A_3 : vector<16xi1>, vector<16xi32>
    %add3A_1349 = arith.addi %add3A_1343, %select_n3A_1348 : vector<16xi32>
    %eq3A_1350 = arith.constant 6 : i32
    %eq3A_1351 = vector.broadcast %eq3A_1350 : i32 to vector<16xi32>
    %eq3A_1352 = arith.cmpi eq, %get3A_1312, %eq3A_1351 : vector<16xi32>
    %broadcast_in_dim3A_1353 = vector.broadcast %reduce_sum3A_1193 : i32 to vector<16xi32>
    %select_n3A_1354 = arith.select %eq3A_1352, %broadcast_in_dim3A_1353, %broadcast_in_dim3A_3 : vector<16xi1>, vector<16xi32>
    %add3A_1355 = arith.addi %add3A_1349, %select_n3A_1354 : vector<16xi32>
    %eq3A_1356 = arith.constant 7 : i32
    %eq3A_1357 = vector.broadcast %eq3A_1356 : i32 to vector<16xi32>
    %eq3A_1358 = arith.cmpi eq, %get3A_1312, %eq3A_1357 : vector<16xi32>
    %broadcast_in_dim3A_1359 = vector.broadcast %reduce_sum3A_1201 : i32 to vector<16xi32>
    %select_n3A_1360 = arith.select %eq3A_1358, %broadcast_in_dim3A_1359, %broadcast_in_dim3A_3 : vector<16xi1>, vector<16xi32>
    %add3A_1361 = arith.addi %add3A_1355, %select_n3A_1360 : vector<16xi32>
    %swap3A_1362 = arith.constant 32 : index
    %swap3A_1363 = tpu.vector_load %arg12[%swap3A_1362] {strides = array<i32>} : memref<64xi32, #tpu.memory_space<vmem>>, vector<16xi32>,
    tpu.vector_store %arg12[%swap3A_1362], %add3A_1361 {strides = array<i32>} : memref<64xi32, #tpu.memory_space<vmem>>, vector<16xi32>,
    %get3A_1364 = arith.constant 48 : index
    %get3A_1365 = tpu.vector_load %arg10[%get3A_1364] {strides = array<i32>} : memref<64xi32, #tpu.memory_space<vmem>>, vector<16xi32>,
    %add3A_1366 = arith.addi %select_n3A_453, %broadcast_in_dim3A_1204 : vector<16xi32>
    %eq3A_1367 = arith.constant 0 : i32
    %eq3A_1368 = vector.broadcast %eq3A_1367 : i32 to vector<16xi32>
    %eq3A_1369 = arith.cmpi eq, %get3A_1365, %eq3A_1368 : vector<16xi32>
    %broadcast_in_dim3A_1370 = vector.broadcast %reduce_sum3A_1145 : i32 to vector<16xi32>
    %select_n3A_1371 = arith.select %eq3A_1369, %broadcast_in_dim3A_1370, %broadcast_in_dim3A_3 : vector<16xi1>, vector<16xi32>
    %add3A_1372 = arith.addi %add3A_1366, %select_n3A_1371 : vector<16xi32>
    %eq3A_1373 = arith.constant 1 : i32
    %eq3A_1374 = vector.broadcast %eq3A_1373 : i32 to vector<16xi32>
    %eq3A_1375 = arith.cmpi eq, %get3A_1365, %eq3A_1374 : vector<16xi32>
    %broadcast_in_dim3A_1376 = vector.broadcast %reduce_sum3A_1153 : i32 to vector<16xi32>
    %select_n3A_1377 = arith.select %eq3A_1375, %broadcast_in_dim3A_1376, %broadcast_in_dim3A_3 : vector<16xi1>, vector<16xi32>
    %add3A_1378 = arith.addi %add3A_1372, %select_n3A_1377 : vector<16xi32>
    %eq3A_1379 = arith.constant 2 : i32
    %eq3A_1380 = vector.broadcast %eq3A_1379 : i32 to vector<16xi32>
    %eq3A_1381 = arith.cmpi eq, %get3A_1365, %eq3A_1380 : vector<16xi32>
    %broadcast_in_dim3A_1382 = vector.broadcast %reduce_sum3A_1161 : i32 to vector<16xi32>
    %select_n3A_1383 = arith.select %eq3A_1381, %broadcast_in_dim3A_1382, %broadcast_in_dim3A_3 : vector<16xi1>, vector<16xi32>
    %add3A_1384 = arith.addi %add3A_1378, %select_n3A_1383 : vector<16xi32>
    %eq3A_1385 = arith.constant 3 : i32
    %eq3A_1386 = vector.broadcast %eq3A_1385 : i32 to vector<16xi32>
    %eq3A_1387 = arith.cmpi eq, %get3A_1365, %eq3A_1386 : vector<16xi32>
    %broadcast_in_dim3A_1388 = vector.broadcast %reduce_sum3A_1169 : i32 to vector<16xi32>
    %select_n3A_1389 = arith.select %eq3A_1387, %broadcast_in_dim3A_1388, %broadcast_in_dim3A_3 : vector<16xi1>, vector<16xi32>
    %add3A_1390 = arith.addi %add3A_1384, %select_n3A_1389 : vector<16xi32>
    %eq3A_1391 = arith.constant 4 : i32
    %eq3A_1392 = vector.broadcast %eq3A_1391 : i32 to vector<16xi32>
    %eq3A_1393 = arith.cmpi eq, %get3A_1365, %eq3A_1392 : vector<16xi32>
    %broadcast_in_dim3A_1394 = vector.broadcast %reduce_sum3A_1177 : i32 to vector<16xi32>
    %select_n3A_1395 = arith.select %eq3A_1393, %broadcast_in_dim3A_1394, %broadcast_in_dim3A_3 : vector<16xi1>, vector<16xi32>
    %add3A_1396 = arith.addi %add3A_1390, %select_n3A_1395 : vector<16xi32>
    %eq3A_1397 = arith.constant 5 : i32
    %eq3A_1398 = vector.broadcast %eq3A_1397 : i32 to vector<16xi32>
    %eq3A_1399 = arith.cmpi eq, %get3A_1365, %eq3A_1398 : vector<16xi32>
    %broadcast_in_dim3A_1400 = vector.broadcast %reduce_sum3A_1185 : i32 to vector<16xi32>
    %select_n3A_1401 = arith.select %eq3A_1399, %broadcast_in_dim3A_1400, %broadcast_in_dim3A_3 : vector<16xi1>, vector<16xi32>
    %add3A_1402 = arith.addi %add3A_1396, %select_n3A_1401 : vector<16xi32>
    %eq3A_1403 = arith.constant 6 : i32
    %eq3A_1404 = vector.broadcast %eq3A_1403 : i32 to vector<16xi32>
    %eq3A_1405 = arith.cmpi eq, %get3A_1365, %eq3A_1404 : vector<16xi32>
    %broadcast_in_dim3A_1406 = vector.broadcast %reduce_sum3A_1193 : i32 to vector<16xi32>
    %select_n3A_1407 = arith.select %eq3A_1405, %broadcast_in_dim3A_1406, %broadcast_in_dim3A_3 : vector<16xi1>, vector<16xi32>
    %add3A_1408 = arith.addi %add3A_1402, %select_n3A_1407 : vector<16xi32>
    %eq3A_1409 = arith.constant 7 : i32
    %eq3A_1410 = vector.broadcast %eq3A_1409 : i32 to vector<16xi32>
    %eq3A_1411 = arith.cmpi eq, %get3A_1365, %eq3A_1410 : vector<16xi32>
    %broadcast_in_dim3A_1412 = vector.broadcast %reduce_sum3A_1201 : i32 to vector<16xi32>
    %select_n3A_1413 = arith.select %eq3A_1411, %broadcast_in_dim3A_1412, %broadcast_in_dim3A_3 : vector<16xi1>, vector<16xi32>
    %add3A_1414 = arith.addi %add3A_1408, %select_n3A_1413 : vector<16xi32>
    %swap3A_1415 = arith.constant 48 : index
    %swap3A_1416 = tpu.vector_load %arg12[%swap3A_1415] {strides = array<i32>} : memref<64xi32, #tpu.memory_space<vmem>>, vector<16xi32>,
    tpu.vector_store %arg12[%swap3A_1415], %add3A_1414 {strides = array<i32>} : memref<64xi32, #tpu.memory_space<vmem>>, vector<16xi32>,
    "tpu.region"() ({
      %run_scoped3A = tpu.sem_alloc : memref<!tpu.dma_semaphore, #tpu.memory_space<semaphore_mem>>
      %dma_start3A_1643 = arith.constant 0 : i32
      %dma_start3A_1644 = tpu.memref_slice %arg6[%add3A, %dma_start3A_1643] : memref<32x64xi32, #tpu.memory_space<hbm>> -> memref<1x64xi32, #tpu.memory_space<hbm>>
      %dma_start3A_1645 = tpu.memref_squeeze %dma_start3A_1644 : memref<1x64xi32, #tpu.memory_space<hbm>> -> memref<64xi32, #tpu.memory_space<hbm>>
      %dma_start3A_1646 = arith.constant 0 : i32
      %dma_start3A_1647 = tpu.memref_slice %arg6[%add3A, %dma_start3A_1646] : memref<32x64xi32, #tpu.memory_space<hbm>> -> memref<1x64xi32, #tpu.memory_space<hbm>>
      %dma_start3A_1648 = tpu.memref_squeeze %dma_start3A_1647 : memref<1x64xi32, #tpu.memory_space<hbm>> -> memref<64xi32, #tpu.memory_space<hbm>>
      tpu.enqueue_dma source(%arg12 : memref<64xi32, #tpu.memory_space<vmem>>) target(%dma_start3A_1648 : memref<64xi32, #tpu.memory_space<hbm>>) target_semaphore(%run_scoped3A : memref<!tpu.dma_semaphore, #tpu.memory_space<semaphore_mem>>)
      %dma_wait3A_1649 = arith.constant 0 : i32
      %dma_wait3A_1650 = tpu.memref_slice %arg6[%add3A, %dma_wait3A_1649] : memref<32x64xi32, #tpu.memory_space<hbm>> -> memref<1x64xi32, #tpu.memory_space<hbm>>
      %dma_wait3A_1651 = tpu.memref_squeeze %dma_wait3A_1650 : memref<1x64xi32, #tpu.memory_space<hbm>> -> memref<64xi32, #tpu.memory_space<hbm>>
      %dma_wait3A_1652 = arith.constant 0 : i32
      %dma_wait3A_1653 = tpu.memref_slice %arg6[%add3A, %dma_wait3A_1652] : memref<32x64xi32, #tpu.memory_space<hbm>> -> memref<1x64xi32, #tpu.memory_space<hbm>>
      %dma_wait3A_1654 = tpu.memref_squeeze %dma_wait3A_1653 : memref<1x64xi32, #tpu.memory_space<hbm>> -> memref<64xi32, #tpu.memory_space<hbm>>
      tpu.wait_dma2 semaphore(%run_scoped3A : memref<!tpu.dma_semaphore, #tpu.memory_space<semaphore_mem>>) src(%arg12 : memref<64xi32, #tpu.memory_space<vmem>>) dst(%dma_wait3A_1654 : memref<64xi32, #tpu.memory_space<hbm>>)
      tpu.yield
    }) : () -> ()
    %dma_start3A = arith.constant 0 : i32
    %dma_start3A_1417 = arith.constant 0 : i32
    %dma_start3A_1418 = tpu.memref_slice %arg5[%dma_start3A, %dma_start3A_1417] : memref<6144x768xf32, #tpu.memory_space<hbm>> -> memref<6144x768xf32, #tpu.memory_space<hbm>>
    tpu.enqueue_indirect_dma source(%arg14 : memref<64x768xf32, #tpu.memory_space<vmem>>) target(%dma_start3A_1418 : memref<6144x768xf32, #tpu.memory_space<hbm>>) offsets(%arg12 : memref<64xi32, #tpu.memory_space<vmem>>) semaphore(%arg20 : memref<!tpu.dma_semaphore, #tpu.memory_space<semaphore_mem>>)
    %dma_wait3A = arith.constant 0 : i32
    %dma_wait3A_1419 = arith.constant 0 : i32
    %dma_wait3A_1420 = tpu.memref_slice %arg5[%dma_wait3A, %dma_wait3A_1419] : memref<6144x768xf32, #tpu.memory_space<hbm>> -> memref<6144x768xf32, #tpu.memory_space<hbm>>
    tpu.wait_indirect_dma semaphore(%arg20 : memref<!tpu.dma_semaphore, #tpu.memory_space<semaphore_mem>>) src(%arg14 : memref<64x768xf32, #tpu.memory_space<vmem>>) dst(%dma_wait3A_1420 : memref<6144x768xf32, #tpu.memory_space<hbm>>)
    %get3A_1421 = arith.constant 0 : index
    %get3A_1422 = tpu.vector_load %arg11[%get3A_1421] {strides = array<i32>} : memref<64xi32, #tpu.memory_space<vmem>>, vector<16xi32>,
    %add3A_1423 = arith.addi %select_n3A_567, %broadcast_in_dim3A_1204 : vector<16xi32>
    %eq3A_1424 = arith.constant 0 : i32
    %eq3A_1425 = vector.broadcast %eq3A_1424 : i32 to vector<16xi32>
    %eq3A_1426 = arith.cmpi eq, %get3A_1422, %eq3A_1425 : vector<16xi32>
    %broadcast_in_dim3A_1427 = vector.broadcast %reduce_sum3A_1145 : i32 to vector<16xi32>
    %select_n3A_1428 = arith.select %eq3A_1426, %broadcast_in_dim3A_1427, %broadcast_in_dim3A_3 : vector<16xi1>, vector<16xi32>
    %add3A_1429 = arith.addi %add3A_1423, %select_n3A_1428 : vector<16xi32>
    %eq3A_1430 = arith.constant 1 : i32
    %eq3A_1431 = vector.broadcast %eq3A_1430 : i32 to vector<16xi32>
    %eq3A_1432 = arith.cmpi eq, %get3A_1422, %eq3A_1431 : vector<16xi32>
    %broadcast_in_dim3A_1433 = vector.broadcast %reduce_sum3A_1153 : i32 to vector<16xi32>
    %select_n3A_1434 = arith.select %eq3A_1432, %broadcast_in_dim3A_1433, %broadcast_in_dim3A_3 : vector<16xi1>, vector<16xi32>
    %add3A_1435 = arith.addi %add3A_1429, %select_n3A_1434 : vector<16xi32>
    %eq3A_1436 = arith.constant 2 : i32
    %eq3A_1437 = vector.broadcast %eq3A_1436 : i32 to vector<16xi32>
    %eq3A_1438 = arith.cmpi eq, %get3A_1422, %eq3A_1437 : vector<16xi32>
    %broadcast_in_dim3A_1439 = vector.broadcast %reduce_sum3A_1161 : i32 to vector<16xi32>
    %select_n3A_1440 = arith.select %eq3A_1438, %broadcast_in_dim3A_1439, %broadcast_in_dim3A_3 : vector<16xi1>, vector<16xi32>
    %add3A_1441 = arith.addi %add3A_1435, %select_n3A_1440 : vector<16xi32>
    %eq3A_1442 = arith.constant 3 : i32
    %eq3A_1443 = vector.broadcast %eq3A_1442 : i32 to vector<16xi32>
    %eq3A_1444 = arith.cmpi eq, %get3A_1422, %eq3A_1443 : vector<16xi32>
    %broadcast_in_dim3A_1445 = vector.broadcast %reduce_sum3A_1169 : i32 to vector<16xi32>
    %select_n3A_1446 = arith.select %eq3A_1444, %broadcast_in_dim3A_1445, %broadcast_in_dim3A_3 : vector<16xi1>, vector<16xi32>
    %add3A_1447 = arith.addi %add3A_1441, %select_n3A_1446 : vector<16xi32>
    %eq3A_1448 = arith.constant 4 : i32
    %eq3A_1449 = vector.broadcast %eq3A_1448 : i32 to vector<16xi32>
    %eq3A_1450 = arith.cmpi eq, %get3A_1422, %eq3A_1449 : vector<16xi32>
    %broadcast_in_dim3A_1451 = vector.broadcast %reduce_sum3A_1177 : i32 to vector<16xi32>
    %select_n3A_1452 = arith.select %eq3A_1450, %broadcast_in_dim3A_1451, %broadcast_in_dim3A_3 : vector<16xi1>, vector<16xi32>
    %add3A_1453 = arith.addi %add3A_1447, %select_n3A_1452 : vector<16xi32>
    %eq3A_1454 = arith.constant 5 : i32
    %eq3A_1455 = vector.broadcast %eq3A_1454 : i32 to vector<16xi32>
    %eq3A_1456 = arith.cmpi eq, %get3A_1422, %eq3A_1455 : vector<16xi32>
    %broadcast_in_dim3A_1457 = vector.broadcast %reduce_sum3A_1185 : i32 to vector<16xi32>
    %select_n3A_1458 = arith.select %eq3A_1456, %broadcast_in_dim3A_1457, %broadcast_in_dim3A_3 : vector<16xi1>, vector<16xi32>
    %add3A_1459 = arith.addi %add3A_1453, %select_n3A_1458 : vector<16xi32>
    %eq3A_1460 = arith.constant 6 : i32
    %eq3A_1461 = vector.broadcast %eq3A_1460 : i32 to vector<16xi32>
    %eq3A_1462 = arith.cmpi eq, %get3A_1422, %eq3A_1461 : vector<16xi32>
    %broadcast_in_dim3A_1463 = vector.broadcast %reduce_sum3A_1193 : i32 to vector<16xi32>
    %select_n3A_1464 = arith.select %eq3A_1462, %broadcast_in_dim3A_1463, %broadcast_in_dim3A_3 : vector<16xi1>, vector<16xi32>
    %add3A_1465 = arith.addi %add3A_1459, %select_n3A_1464 : vector<16xi32>
    %eq3A_1466 = arith.constant 7 : i32
    %eq3A_1467 = vector.broadcast %eq3A_1466 : i32 to vector<16xi32>
    %eq3A_1468 = arith.cmpi eq, %get3A_1422, %eq3A_1467 : vector<16xi32>
    %broadcast_in_dim3A_1469 = vector.broadcast %reduce_sum3A_1201 : i32 to vector<16xi32>
    %select_n3A_1470 = arith.select %eq3A_1468, %broadcast_in_dim3A_1469, %broadcast_in_dim3A_3 : vector<16xi1>, vector<16xi32>
    %add3A_1471 = arith.addi %add3A_1465, %select_n3A_1470 : vector<16xi32>
    %swap3A_1472 = arith.constant 0 : index
    %swap3A_1473 = tpu.vector_load %arg13[%swap3A_1472] {strides = array<i32>} : memref<64xi32, #tpu.memory_space<vmem>>, vector<16xi32>,
    tpu.vector_store %arg13[%swap3A_1472], %add3A_1471 {strides = array<i32>} : memref<64xi32, #tpu.memory_space<vmem>>, vector<16xi32>,
    %get3A_1474 = arith.constant 16 : index
    %get3A_1475 = tpu.vector_load %arg11[%get3A_1474] {strides = array<i32>} : memref<64xi32, #tpu.memory_space<vmem>>, vector<16xi32>,
    %add3A_1476 = arith.addi %select_n3A_681, %broadcast_in_dim3A_1204 : vector<16xi32>
    %eq3A_1477 = arith.constant 0 : i32
    %eq3A_1478 = vector.broadcast %eq3A_1477 : i32 to vector<16xi32>
    %eq3A_1479 = arith.cmpi eq, %get3A_1475, %eq3A_1478 : vector<16xi32>
    %broadcast_in_dim3A_1480 = vector.broadcast %reduce_sum3A_1145 : i32 to vector<16xi32>
    %select_n3A_1481 = arith.select %eq3A_1479, %broadcast_in_dim3A_1480, %broadcast_in_dim3A_3 : vector<16xi1>, vector<16xi32>
    %add3A_1482 = arith.addi %add3A_1476, %select_n3A_1481 : vector<16xi32>
    %eq3A_1483 = arith.constant 1 : i32
    %eq3A_1484 = vector.broadcast %eq3A_1483 : i32 to vector<16xi32>
    %eq3A_1485 = arith.cmpi eq, %get3A_1475, %eq3A_1484 : vector<16xi32>
    %broadcast_in_dim3A_1486 = vector.broadcast %reduce_sum3A_1153 : i32 to vector<16xi32>
    %select_n3A_1487 = arith.select %eq3A_1485, %broadcast_in_dim3A_1486, %broadcast_in_dim3A_3 : vector<16xi1>, vector<16xi32>
    %add3A_1488 = arith.addi %add3A_1482, %select_n3A_1487 : vector<16xi32>
    %eq3A_1489 = arith.constant 2 : i32
    %eq3A_1490 = vector.broadcast %eq3A_1489 : i32 to vector<16xi32>
    %eq3A_1491 = arith.cmpi eq, %get3A_1475, %eq3A_1490 : vector<16xi32>
    %broadcast_in_dim3A_1492 = vector.broadcast %reduce_sum3A_1161 : i32 to vector<16xi32>
    %select_n3A_1493 = arith.select %eq3A_1491, %broadcast_in_dim3A_1492, %broadcast_in_dim3A_3 : vector<16xi1>, vector<16xi32>
    %add3A_1494 = arith.addi %add3A_1488, %select_n3A_1493 : vector<16xi32>
    %eq3A_1495 = arith.constant 3 : i32
    %eq3A_1496 = vector.broadcast %eq3A_1495 : i32 to vector<16xi32>
    %eq3A_1497 = arith.cmpi eq, %get3A_1475, %eq3A_1496 : vector<16xi32>
    %broadcast_in_dim3A_1498 = vector.broadcast %reduce_sum3A_1169 : i32 to vector<16xi32>
    %select_n3A_1499 = arith.select %eq3A_1497, %broadcast_in_dim3A_1498, %broadcast_in_dim3A_3 : vector<16xi1>, vector<16xi32>
    %add3A_1500 = arith.addi %add3A_1494, %select_n3A_1499 : vector<16xi32>
    %eq3A_1501 = arith.constant 4 : i32
    %eq3A_1502 = vector.broadcast %eq3A_1501 : i32 to vector<16xi32>
    %eq3A_1503 = arith.cmpi eq, %get3A_1475, %eq3A_1502 : vector<16xi32>
    %broadcast_in_dim3A_1504 = vector.broadcast %reduce_sum3A_1177 : i32 to vector<16xi32>
    %select_n3A_1505 = arith.select %eq3A_1503, %broadcast_in_dim3A_1504, %broadcast_in_dim3A_3 : vector<16xi1>, vector<16xi32>
    %add3A_1506 = arith.addi %add3A_1500, %select_n3A_1505 : vector<16xi32>
    %eq3A_1507 = arith.constant 5 : i32
    %eq3A_1508 = vector.broadcast %eq3A_1507 : i32 to vector<16xi32>
    %eq3A_1509 = arith.cmpi eq, %get3A_1475, %eq3A_1508 : vector<16xi32>
    %broadcast_in_dim3A_1510 = vector.broadcast %reduce_sum3A_1185 : i32 to vector<16xi32>
    %select_n3A_1511 = arith.select %eq3A_1509, %broadcast_in_dim3A_1510, %broadcast_in_dim3A_3 : vector<16xi1>, vector<16xi32>
    %add3A_1512 = arith.addi %add3A_1506, %select_n3A_1511 : vector<16xi32>
    %eq3A_1513 = arith.constant 6 : i32
    %eq3A_1514 = vector.broadcast %eq3A_1513 : i32 to vector<16xi32>
    %eq3A_1515 = arith.cmpi eq, %get3A_1475, %eq3A_1514 : vector<16xi32>
    %broadcast_in_dim3A_1516 = vector.broadcast %reduce_sum3A_1193 : i32 to vector<16xi32>
    %select_n3A_1517 = arith.select %eq3A_1515, %broadcast_in_dim3A_1516, %broadcast_in_dim3A_3 : vector<16xi1>, vector<16xi32>
    %add3A_1518 = arith.addi %add3A_1512, %select_n3A_1517 : vector<16xi32>
    %eq3A_1519 = arith.constant 7 : i32
    %eq3A_1520 = vector.broadcast %eq3A_1519 : i32 to vector<16xi32>
    %eq3A_1521 = arith.cmpi eq, %get3A_1475, %eq3A_1520 : vector<16xi32>
    %broadcast_in_dim3A_1522 = vector.broadcast %reduce_sum3A_1201 : i32 to vector<16xi32>
    %select_n3A_1523 = arith.select %eq3A_1521, %broadcast_in_dim3A_1522, %broadcast_in_dim3A_3 : vector<16xi1>, vector<16xi32>
    %add3A_1524 = arith.addi %add3A_1518, %select_n3A_1523 : vector<16xi32>
    %swap3A_1525 = arith.constant 16 : index
    %swap3A_1526 = tpu.vector_load %arg13[%swap3A_1525] {strides = array<i32>} : memref<64xi32, #tpu.memory_space<vmem>>, vector<16xi32>,
    tpu.vector_store %arg13[%swap3A_1525], %add3A_1524 {strides = array<i32>} : memref<64xi32, #tpu.memory_space<vmem>>, vector<16xi32>,
    %get3A_1527 = arith.constant 32 : index
    %get3A_1528 = tpu.vector_load %arg11[%get3A_1527] {strides = array<i32>} : memref<64xi32, #tpu.memory_space<vmem>>, vector<16xi32>,
    %add3A_1529 = arith.addi %select_n3A_795, %broadcast_in_dim3A_1204 : vector<16xi32>
    %eq3A_1530 = arith.constant 0 : i32
    %eq3A_1531 = vector.broadcast %eq3A_1530 : i32 to vector<16xi32>
    %eq3A_1532 = arith.cmpi eq, %get3A_1528, %eq3A_1531 : vector<16xi32>
    %broadcast_in_dim3A_1533 = vector.broadcast %reduce_sum3A_1145 : i32 to vector<16xi32>
    %select_n3A_1534 = arith.select %eq3A_1532, %broadcast_in_dim3A_1533, %broadcast_in_dim3A_3 : vector<16xi1>, vector<16xi32>
    %add3A_1535 = arith.addi %add3A_1529, %select_n3A_1534 : vector<16xi32>
    %eq3A_1536 = arith.constant 1 : i32
    %eq3A_1537 = vector.broadcast %eq3A_1536 : i32 to vector<16xi32>
    %eq3A_1538 = arith.cmpi eq, %get3A_1528, %eq3A_1537 : vector<16xi32>
    %broadcast_in_dim3A_1539 = vector.broadcast %reduce_sum3A_1153 : i32 to vector<16xi32>
    %select_n3A_1540 = arith.select %eq3A_1538, %broadcast_in_dim3A_1539, %broadcast_in_dim3A_3 : vector<16xi1>, vector<16xi32>
    %add3A_1541 = arith.addi %add3A_1535, %select_n3A_1540 : vector<16xi32>
    %eq3A_1542 = arith.constant 2 : i32
    %eq3A_1543 = vector.broadcast %eq3A_1542 : i32 to vector<16xi32>
    %eq3A_1544 = arith.cmpi eq, %get3A_1528, %eq3A_1543 : vector<16xi32>
    %broadcast_in_dim3A_1545 = vector.broadcast %reduce_sum3A_1161 : i32 to vector<16xi32>
    %select_n3A_1546 = arith.select %eq3A_1544, %broadcast_in_dim3A_1545, %broadcast_in_dim3A_3 : vector<16xi1>, vector<16xi32>
    %add3A_1547 = arith.addi %add3A_1541, %select_n3A_1546 : vector<16xi32>
    %eq3A_1548 = arith.constant 3 : i32
    %eq3A_1549 = vector.broadcast %eq3A_1548 : i32 to vector<16xi32>
    %eq3A_1550 = arith.cmpi eq, %get3A_1528, %eq3A_1549 : vector<16xi32>
    %broadcast_in_dim3A_1551 = vector.broadcast %reduce_sum3A_1169 : i32 to vector<16xi32>
    %select_n3A_1552 = arith.select %eq3A_1550, %broadcast_in_dim3A_1551, %broadcast_in_dim3A_3 : vector<16xi1>, vector<16xi32>
    %add3A_1553 = arith.addi %add3A_1547, %select_n3A_1552 : vector<16xi32>
    %eq3A_1554 = arith.constant 4 : i32
    %eq3A_1555 = vector.broadcast %eq3A_1554 : i32 to vector<16xi32>
    %eq3A_1556 = arith.cmpi eq, %get3A_1528, %eq3A_1555 : vector<16xi32>
    %broadcast_in_dim3A_1557 = vector.broadcast %reduce_sum3A_1177 : i32 to vector<16xi32>
    %select_n3A_1558 = arith.select %eq3A_1556, %broadcast_in_dim3A_1557, %broadcast_in_dim3A_3 : vector<16xi1>, vector<16xi32>
    %add3A_1559 = arith.addi %add3A_1553, %select_n3A_1558 : vector<16xi32>
    %eq3A_1560 = arith.constant 5 : i32
    %eq3A_1561 = vector.broadcast %eq3A_1560 : i32 to vector<16xi32>
    %eq3A_1562 = arith.cmpi eq, %get3A_1528, %eq3A_1561 : vector<16xi32>
    %broadcast_in_dim3A_1563 = vector.broadcast %reduce_sum3A_1185 : i32 to vector<16xi32>
    %select_n3A_1564 = arith.select %eq3A_1562, %broadcast_in_dim3A_1563, %broadcast_in_dim3A_3 : vector<16xi1>, vector<16xi32>
    %add3A_1565 = arith.addi %add3A_1559, %select_n3A_1564 : vector<16xi32>
    %eq3A_1566 = arith.constant 6 : i32
    %eq3A_1567 = vector.broadcast %eq3A_1566 : i32 to vector<16xi32>
    %eq3A_1568 = arith.cmpi eq, %get3A_1528, %eq3A_1567 : vector<16xi32>
    %broadcast_in_dim3A_1569 = vector.broadcast %reduce_sum3A_1193 : i32 to vector<16xi32>
    %select_n3A_1570 = arith.select %eq3A_1568, %broadcast_in_dim3A_1569, %broadcast_in_dim3A_3 : vector<16xi1>, vector<16xi32>
    %add3A_1571 = arith.addi %add3A_1565, %select_n3A_1570 : vector<16xi32>
    %eq3A_1572 = arith.constant 7 : i32
    %eq3A_1573 = vector.broadcast %eq3A_1572 : i32 to vector<16xi32>
    %eq3A_1574 = arith.cmpi eq, %get3A_1528, %eq3A_1573 : vector<16xi32>
    %broadcast_in_dim3A_1575 = vector.broadcast %reduce_sum3A_1201 : i32 to vector<16xi32>
    %select_n3A_1576 = arith.select %eq3A_1574, %broadcast_in_dim3A_1575, %broadcast_in_dim3A_3 : vector<16xi1>, vector<16xi32>
    %add3A_1577 = arith.addi %add3A_1571, %select_n3A_1576 : vector<16xi32>
    %swap3A_1578 = arith.constant 32 : index
    %swap3A_1579 = tpu.vector_load %arg13[%swap3A_1578] {strides = array<i32>} : memref<64xi32, #tpu.memory_space<vmem>>, vector<16xi32>,
    tpu.vector_store %arg13[%swap3A_1578], %add3A_1577 {strides = array<i32>} : memref<64xi32, #tpu.memory_space<vmem>>, vector<16xi32>,
    %get3A_1580 = arith.constant 48 : index
    %get3A_1581 = tpu.vector_load %arg11[%get3A_1580] {strides = array<i32>} : memref<64xi32, #tpu.memory_space<vmem>>, vector<16xi32>,
    %add3A_1582 = arith.addi %select_n3A_909, %broadcast_in_dim3A_1204 : vector<16xi32>
    %eq3A_1583 = arith.constant 0 : i32
    %eq3A_1584 = vector.broadcast %eq3A_1583 : i32 to vector<16xi32>
    %eq3A_1585 = arith.cmpi eq, %get3A_1581, %eq3A_1584 : vector<16xi32>
    %broadcast_in_dim3A_1586 = vector.broadcast %reduce_sum3A_1145 : i32 to vector<16xi32>
    %select_n3A_1587 = arith.select %eq3A_1585, %broadcast_in_dim3A_1586, %broadcast_in_dim3A_3 : vector<16xi1>, vector<16xi32>
    %add3A_1588 = arith.addi %add3A_1582, %select_n3A_1587 : vector<16xi32>
    %eq3A_1589 = arith.constant 1 : i32
    %eq3A_1590 = vector.broadcast %eq3A_1589 : i32 to vector<16xi32>
    %eq3A_1591 = arith.cmpi eq, %get3A_1581, %eq3A_1590 : vector<16xi32>
    %broadcast_in_dim3A_1592 = vector.broadcast %reduce_sum3A_1153 : i32 to vector<16xi32>
    %select_n3A_1593 = arith.select %eq3A_1591, %broadcast_in_dim3A_1592, %broadcast_in_dim3A_3 : vector<16xi1>, vector<16xi32>
    %add3A_1594 = arith.addi %add3A_1588, %select_n3A_1593 : vector<16xi32>
    %eq3A_1595 = arith.constant 2 : i32
    %eq3A_1596 = vector.broadcast %eq3A_1595 : i32 to vector<16xi32>
    %eq3A_1597 = arith.cmpi eq, %get3A_1581, %eq3A_1596 : vector<16xi32>
    %broadcast_in_dim3A_1598 = vector.broadcast %reduce_sum3A_1161 : i32 to vector<16xi32>
    %select_n3A_1599 = arith.select %eq3A_1597, %broadcast_in_dim3A_1598, %broadcast_in_dim3A_3 : vector<16xi1>, vector<16xi32>
    %add3A_1600 = arith.addi %add3A_1594, %select_n3A_1599 : vector<16xi32>
    %eq3A_1601 = arith.constant 3 : i32
    %eq3A_1602 = vector.broadcast %eq3A_1601 : i32 to vector<16xi32>
    %eq3A_1603 = arith.cmpi eq, %get3A_1581, %eq3A_1602 : vector<16xi32>
    %broadcast_in_dim3A_1604 = vector.broadcast %reduce_sum3A_1169 : i32 to vector<16xi32>
    %select_n3A_1605 = arith.select %eq3A_1603, %broadcast_in_dim3A_1604, %broadcast_in_dim3A_3 : vector<16xi1>, vector<16xi32>
    %add3A_1606 = arith.addi %add3A_1600, %select_n3A_1605 : vector<16xi32>
    %eq3A_1607 = arith.constant 4 : i32
    %eq3A_1608 = vector.broadcast %eq3A_1607 : i32 to vector<16xi32>
    %eq3A_1609 = arith.cmpi eq, %get3A_1581, %eq3A_1608 : vector<16xi32>
    %broadcast_in_dim3A_1610 = vector.broadcast %reduce_sum3A_1177 : i32 to vector<16xi32>
    %select_n3A_1611 = arith.select %eq3A_1609, %broadcast_in_dim3A_1610, %broadcast_in_dim3A_3 : vector<16xi1>, vector<16xi32>
    %add3A_1612 = arith.addi %add3A_1606, %select_n3A_1611 : vector<16xi32>
    %eq3A_1613 = arith.constant 5 : i32
    %eq3A_1614 = vector.broadcast %eq3A_1613 : i32 to vector<16xi32>
    %eq3A_1615 = arith.cmpi eq, %get3A_1581, %eq3A_1614 : vector<16xi32>
    %broadcast_in_dim3A_1616 = vector.broadcast %reduce_sum3A_1185 : i32 to vector<16xi32>
    %select_n3A_1617 = arith.select %eq3A_1615, %broadcast_in_dim3A_1616, %broadcast_in_dim3A_3 : vector<16xi1>, vector<16xi32>
    %add3A_1618 = arith.addi %add3A_1612, %select_n3A_1617 : vector<16xi32>
    %eq3A_1619 = arith.constant 6 : i32
    %eq3A_1620 = vector.broadcast %eq3A_1619 : i32 to vector<16xi32>
    %eq3A_1621 = arith.cmpi eq, %get3A_1581, %eq3A_1620 : vector<16xi32>
    %broadcast_in_dim3A_1622 = vector.broadcast %reduce_sum3A_1193 : i32 to vector<16xi32>
    %select_n3A_1623 = arith.select %eq3A_1621, %broadcast_in_dim3A_1622, %broadcast_in_dim3A_3 : vector<16xi1>, vector<16xi32>
    %add3A_1624 = arith.addi %add3A_1618, %select_n3A_1623 : vector<16xi32>
    %eq3A_1625 = arith.constant 7 : i32
    %eq3A_1626 = vector.broadcast %eq3A_1625 : i32 to vector<16xi32>
    %eq3A_1627 = arith.cmpi eq, %get3A_1581, %eq3A_1626 : vector<16xi32>
    %broadcast_in_dim3A_1628 = vector.broadcast %reduce_sum3A_1201 : i32 to vector<16xi32>
    %select_n3A_1629 = arith.select %eq3A_1627, %broadcast_in_dim3A_1628, %broadcast_in_dim3A_3 : vector<16xi1>, vector<16xi32>
    %add3A_1630 = arith.addi %add3A_1624, %select_n3A_1629 : vector<16xi32>
    %swap3A_1631 = arith.constant 48 : index
    %swap3A_1632 = tpu.vector_load %arg13[%swap3A_1631] {strides = array<i32>} : memref<64xi32, #tpu.memory_space<vmem>>, vector<16xi32>,
    tpu.vector_store %arg13[%swap3A_1631], %add3A_1630 {strides = array<i32>} : memref<64xi32, #tpu.memory_space<vmem>>, vector<16xi32>,
    "tpu.region"() ({
      %run_scoped3A = tpu.sem_alloc : memref<!tpu.dma_semaphore, #tpu.memory_space<semaphore_mem>>
      %dma_start3A_1643 = arith.constant 0 : i32
      %dma_start3A_1644 = tpu.memref_slice %arg7[%add3A, %dma_start3A_1643] : memref<32x64xi32, #tpu.memory_space<hbm>> -> memref<1x64xi32, #tpu.memory_space<hbm>>
      %dma_start3A_1645 = tpu.memref_squeeze %dma_start3A_1644 : memref<1x64xi32, #tpu.memory_space<hbm>> -> memref<64xi32, #tpu.memory_space<hbm>>
      %dma_start3A_1646 = arith.constant 0 : i32
      %dma_start3A_1647 = tpu.memref_slice %arg7[%add3A, %dma_start3A_1646] : memref<32x64xi32, #tpu.memory_space<hbm>> -> memref<1x64xi32, #tpu.memory_space<hbm>>
      %dma_start3A_1648 = tpu.memref_squeeze %dma_start3A_1647 : memref<1x64xi32, #tpu.memory_space<hbm>> -> memref<64xi32, #tpu.memory_space<hbm>>
      tpu.enqueue_dma source(%arg13 : memref<64xi32, #tpu.memory_space<vmem>>) target(%dma_start3A_1648 : memref<64xi32, #tpu.memory_space<hbm>>) target_semaphore(%run_scoped3A : memref<!tpu.dma_semaphore, #tpu.memory_space<semaphore_mem>>)
      %dma_wait3A_1649 = arith.constant 0 : i32
      %dma_wait3A_1650 = tpu.memref_slice %arg7[%add3A, %dma_wait3A_1649] : memref<32x64xi32, #tpu.memory_space<hbm>> -> memref<1x64xi32, #tpu.memory_space<hbm>>
      %dma_wait3A_1651 = tpu.memref_squeeze %dma_wait3A_1650 : memref<1x64xi32, #tpu.memory_space<hbm>> -> memref<64xi32, #tpu.memory_space<hbm>>
      %dma_wait3A_1652 = arith.constant 0 : i32
      %dma_wait3A_1653 = tpu.memref_slice %arg7[%add3A, %dma_wait3A_1652] : memref<32x64xi32, #tpu.memory_space<hbm>> -> memref<1x64xi32, #tpu.memory_space<hbm>>
      %dma_wait3A_1654 = tpu.memref_squeeze %dma_wait3A_1653 : memref<1x64xi32, #tpu.memory_space<hbm>> -> memref<64xi32, #tpu.memory_space<hbm>>
      tpu.wait_dma2 semaphore(%run_scoped3A : memref<!tpu.dma_semaphore, #tpu.memory_space<semaphore_mem>>) src(%arg13 : memref<64xi32, #tpu.memory_space<vmem>>) dst(%dma_wait3A_1654 : memref<64xi32, #tpu.memory_space<hbm>>)
      tpu.yield
    }) : () -> ()
    %dma_start3A_1633 = arith.constant 0 : i32
    %dma_start3A_1634 = arith.constant 0 : i32
    %dma_start3A_1635 = tpu.memref_slice %arg5[%dma_start3A_1633, %dma_start3A_1634] : memref<6144x768xf32, #tpu.memory_space<hbm>> -> memref<6144x768xf32, #tpu.memory_space<hbm>>
    tpu.enqueue_indirect_dma source(%arg14 : memref<64x768xf32, #tpu.memory_space<vmem>>) target(%dma_start3A_1635 : memref<6144x768xf32, #tpu.memory_space<hbm>>) offsets(%arg13 : memref<64xi32, #tpu.memory_space<vmem>>) semaphore(%arg20 : memref<!tpu.dma_semaphore, #tpu.memory_space<semaphore_mem>>)
    %dma_wait3A_1636 = arith.constant 0 : i32
    %dma_wait3A_1637 = arith.constant 0 : i32
    %dma_wait3A_1638 = tpu.memref_slice %arg5[%dma_wait3A_1636, %dma_wait3A_1637] : memref<6144x768xf32, #tpu.memory_space<hbm>> -> memref<6144x768xf32, #tpu.memory_space<hbm>>
    tpu.wait_indirect_dma semaphore(%arg20 : memref<!tpu.dma_semaphore, #tpu.memory_space<semaphore_mem>>) src(%arg14 : memref<64x768xf32, #tpu.memory_space<vmem>>) dst(%dma_wait3A_1638 : memref<6144x768xf32, #tpu.memory_space<hbm>>)
    %eq3A_1639 = arith.constant 0 : i32
    %eq3A_1640 = arith.cmpi eq, %arg1, %eq3A_1639 : i32
    %convert_element_type3A_1641 = arith.extui %eq3A_1640 : i1 to i32
    %cond3A = arith.constant 0 : i32
    %cond3A_1642 = arith.cmpi ne, %convert_element_type3A_1641, %cond3A : i32
    scf.if %cond3A_1642 {
      %add3A_1643 = arith.addi %sub3A_1137, %broadcast_in_dim3A_1204 : vector<16xi32>
      %swap3A_1644 = arith.constant 0 : index
      %swap3A_1645 = tpu.vector_load %arg15[%swap3A_1644] {strides = array<i32>} : memref<16xi32, #tpu.memory_space<vmem>>, vector<16xi32>,
      tpu.vector_store %arg15[%swap3A_1644], %add3A_1643 {strides = array<i32>} : memref<16xi32, #tpu.memory_space<vmem>>, vector<16xi32>,
      %shift_right_arithmetic3A_1646 = arith.constant 7 : i32
      %shift_right_arithmetic3A_1647 = vector.broadcast %shift_right_arithmetic3A_1646 : i32 to vector<16xi32>
      %shift_right_arithmetic3A_1648 = arith.shrsi %shift_left3A_1133, %shift_right_arithmetic3A_1647 : vector<16xi32>
      %swap3A_1649 = arith.constant 0 : index
      %swap3A_1650 = tpu.vector_load %arg19[%swap3A_1649] {strides = array<i32>} : memref<16xi32, #tpu.memory_space<vmem>>, vector<16xi32>,
      tpu.vector_store %arg19[%swap3A_1649], %shift_right_arithmetic3A_1648 {strides = array<i32>} : memref<16xi32, #tpu.memory_space<vmem>>, vector<16xi32>,
      "tpu.region"() ({
        %run_scoped3A = tpu.sem_alloc : memref<!tpu.dma_semaphore, #tpu.memory_space<semaphore_mem>>
        %dma_start3A_1651 = arith.constant 0 : i32
        %dma_start3A_1652 = tpu.memref_slice %arg8[%arg0, %dma_start3A_1651] : memref<2x16xi32, #tpu.memory_space<hbm>> -> memref<1x16xi32, #tpu.memory_space<hbm>>
        %dma_start3A_1653 = tpu.memref_squeeze %dma_start3A_1652 : memref<1x16xi32, #tpu.memory_space<hbm>> -> memref<16xi32, #tpu.memory_space<hbm>>
        %dma_start3A_1654 = arith.constant 0 : i32
        %dma_start3A_1655 = tpu.memref_slice %arg8[%arg0, %dma_start3A_1654] : memref<2x16xi32, #tpu.memory_space<hbm>> -> memref<1x16xi32, #tpu.memory_space<hbm>>
        %dma_start3A_1656 = tpu.memref_squeeze %dma_start3A_1655 : memref<1x16xi32, #tpu.memory_space<hbm>> -> memref<16xi32, #tpu.memory_space<hbm>>
        tpu.enqueue_dma source(%arg15 : memref<16xi32, #tpu.memory_space<vmem>>) target(%dma_start3A_1656 : memref<16xi32, #tpu.memory_space<hbm>>) target_semaphore(%run_scoped3A : memref<!tpu.dma_semaphore, #tpu.memory_space<semaphore_mem>>)
        %dma_wait3A_1657 = arith.constant 0 : i32
        %dma_wait3A_1658 = tpu.memref_slice %arg8[%arg0, %dma_wait3A_1657] : memref<2x16xi32, #tpu.memory_space<hbm>> -> memref<1x16xi32, #tpu.memory_space<hbm>>
        %dma_wait3A_1659 = tpu.memref_squeeze %dma_wait3A_1658 : memref<1x16xi32, #tpu.memory_space<hbm>> -> memref<16xi32, #tpu.memory_space<hbm>>
        %dma_wait3A_1660 = arith.constant 0 : i32
        %dma_wait3A_1661 = tpu.memref_slice %arg8[%arg0, %dma_wait3A_1660] : memref<2x16xi32, #tpu.memory_space<hbm>> -> memref<1x16xi32, #tpu.memory_space<hbm>>
        %dma_wait3A_1662 = tpu.memref_squeeze %dma_wait3A_1661 : memref<1x16xi32, #tpu.memory_space<hbm>> -> memref<16xi32, #tpu.memory_space<hbm>>
        tpu.wait_dma2 semaphore(%run_scoped3A : memref<!tpu.dma_semaphore, #tpu.memory_space<semaphore_mem>>) src(%arg15 : memref<16xi32, #tpu.memory_space<vmem>>) dst(%dma_wait3A_1662 : memref<16xi32, #tpu.memory_space<hbm>>)
        tpu.yield
      }) : () -> ()
      "tpu.region"() ({
        %run_scoped3A = tpu.sem_alloc : memref<!tpu.dma_semaphore, #tpu.memory_space<semaphore_mem>>
        %dma_start3A_1651 = arith.constant 0 : i32
        %dma_start3A_1652 = tpu.memref_slice %arg9[%arg0, %dma_start3A_1651] : memref<2x16xi32, #tpu.memory_space<hbm>> -> memref<1x16xi32, #tpu.memory_space<hbm>>
        %dma_start3A_1653 = tpu.memref_squeeze %dma_start3A_1652 : memref<1x16xi32, #tpu.memory_space<hbm>> -> memref<16xi32, #tpu.memory_space<hbm>>
        %dma_start3A_1654 = arith.constant 0 : i32
        %dma_start3A_1655 = tpu.memref_slice %arg9[%arg0, %dma_start3A_1654] : memref<2x16xi32, #tpu.memory_space<hbm>> -> memref<1x16xi32, #tpu.memory_space<hbm>>
        %dma_start3A_1656 = tpu.memref_squeeze %dma_start3A_1655 : memref<1x16xi32, #tpu.memory_space<hbm>> -> memref<16xi32, #tpu.memory_space<hbm>>
        tpu.enqueue_dma source(%arg19 : memref<16xi32, #tpu.memory_space<vmem>>) target(%dma_start3A_1656 : memref<16xi32, #tpu.memory_space<hbm>>) target_semaphore(%run_scoped3A : memref<!tpu.dma_semaphore, #tpu.memory_space<semaphore_mem>>)
        %dma_wait3A_1657 = arith.constant 0 : i32
        %dma_wait3A_1658 = tpu.memref_slice %arg9[%arg0, %dma_wait3A_1657] : memref<2x16xi32, #tpu.memory_space<hbm>> -> memref<1x16xi32, #tpu.memory_space<hbm>>
        %dma_wait3A_1659 = tpu.memref_squeeze %dma_wait3A_1658 : memref<1x16xi32, #tpu.memory_space<hbm>> -> memref<16xi32, #tpu.memory_space<hbm>>
        %dma_wait3A_1660 = arith.constant 0 : i32
        %dma_wait3A_1661 = tpu.memref_slice %arg9[%arg0, %dma_wait3A_1660] : memref<2x16xi32, #tpu.memory_space<hbm>> -> memref<1x16xi32, #tpu.memory_space<hbm>>
        %dma_wait3A_1662 = tpu.memref_squeeze %dma_wait3A_1661 : memref<1x16xi32, #tpu.memory_space<hbm>> -> memref<16xi32, #tpu.memory_space<hbm>>
        tpu.wait_dma2 semaphore(%run_scoped3A : memref<!tpu.dma_semaphore, #tpu.memory_space<semaphore_mem>>) src(%arg19 : memref<16xi32, #tpu.memory_space<vmem>>) dst(%dma_wait3A_1662 : memref<16xi32, #tpu.memory_space<hbm>>)
        tpu.yield
      }) : () -> ()
    } else {
    }
    return
  }
}

module attributes {stable_mosaic.version = 14 : i64} {
  func.func @_routing_kernel(%arg0: memref<2048x768xf32, #tpu.memory_space<vmem>>, %arg1: memref<768x8xf32, #tpu.memory_space<vmem>>, %arg2: memref<2048x1xi32, #tpu.memory_space<vmem>>, %arg3: memref<2048x1xi32, #tpu.memory_space<vmem>>, %arg4: memref<2048x1xf32, #tpu.memory_space<vmem>>, %arg5: memref<2048x1xf32, #tpu.memory_space<vmem>>) attributes {dimension_semantics = [], scalar_prefetch = 0 : i64, scratch_operands = 0 : i64, tpu.core_type = #tpu.core_type<tc>} {
    %get3A = arith.constant 0 : index
    %get3A_0 = arith.constant 0 : index
    %get3A_1 = vector.load %arg0[%get3A, %get3A_0] : memref<2048x768xf32, #tpu.memory_space<vmem>>, vector<2048x768xf32>
    %get3A_2 = arith.constant 0 : index
    %get3A_3 = arith.constant 0 : index
    %get3A_4 = vector.load %arg1[%get3A_2, %get3A_3] : memref<768x8xf32, #tpu.memory_space<vmem>>, vector<768x8xf32>
    %dot_general3A = arith.constant dense<0.000000e+00> : vector<2048x8xf32>
    %dot_general3A_5 = tpu.matmul %get3A_1, %get3A_4, %dot_general3A {dimension_numbers = #tpu.dot_dimension_numbers<[1], [0], [0], [1], [0, 0, 1, 1], [], []>, transpose_lhs_hint = false} : vector<2048x768xf32>, vector<768x8xf32>, vector<2048x8xf32> -> vector<2048x8xf32>
    %iota3A = tpu.iota {dimensions = array<i32: 1>} : vector<2048x8xi32>
    %reduce_max3A = arith.constant dense<0xFF800000> : vector<2048xf32>
    %reduce_max3A_6 = vector.multi_reduction <maximumf>, %dot_general3A_5, %reduce_max3A [1] : vector<2048x8xf32> to vector<2048xf32>
    %broadcast_in_dim3A = vector.shape_cast %reduce_max3A_6 : vector<2048xf32> to vector<2048x1xf32>
    %eq3A = vector.broadcast %broadcast_in_dim3A : vector<2048x1xf32> to vector<2048x8xf32>
    %eq3A_7 = arith.cmpf oeq, %dot_general3A_5, %eq3A : vector<2048x8xf32>
    %jit3A = arith.constant 8 : i32
    %broadcast_in_dim3A_8 = vector.broadcast %jit3A : i32 to vector<2048x8xi32>
    %select_n3A = arith.select %eq3A_7, %iota3A, %broadcast_in_dim3A_8 : vector<2048x8xi1>, vector<2048x8xi32>
    %reduce_min3A = arith.constant dense<2147483647> : vector<2048xi32>
    %reduce_min3A_9 = vector.multi_reduction <minsi>, %select_n3A, %reduce_min3A [1] : vector<2048x8xi32> to vector<2048xi32>
    %broadcast_in_dim3A_10 = vector.shape_cast %reduce_min3A_9 : vector<2048xi32> to vector<2048x1xi32>
    %eq3A_11 = vector.broadcast %broadcast_in_dim3A_10 : vector<2048x1xi32> to vector<2048x8xi32>
    %eq3A_12 = arith.cmpi eq, %iota3A, %eq3A_11 : vector<2048x8xi32>
    %jit3A_13 = arith.constant 0xFF800000 : f32
    %broadcast_in_dim3A_14 = vector.broadcast %jit3A_13 : f32 to vector<2048x8xf32>
    %select_n3A_15 = arith.select %eq3A_12, %broadcast_in_dim3A_14, %dot_general3A_5 : vector<2048x8xi1>, vector<2048x8xf32>
    %reduce_max3A_16 = arith.constant dense<0xFF800000> : vector<2048xf32>
    %reduce_max3A_17 = vector.multi_reduction <maximumf>, %select_n3A_15, %reduce_max3A_16 [1] : vector<2048x8xf32> to vector<2048xf32>
    %broadcast_in_dim3A_18 = vector.shape_cast %reduce_max3A_17 : vector<2048xf32> to vector<2048x1xf32>
    %eq3A_19 = vector.broadcast %broadcast_in_dim3A_18 : vector<2048x1xf32> to vector<2048x8xf32>
    %eq3A_20 = arith.cmpf oeq, %select_n3A_15, %eq3A_19 : vector<2048x8xf32>
    %jit3A_21 = arith.constant 8 : i32
    %broadcast_in_dim3A_22 = vector.broadcast %jit3A_21 : i32 to vector<2048x8xi32>
    %select_n3A_23 = arith.select %eq3A_20, %iota3A, %broadcast_in_dim3A_22 : vector<2048x8xi1>, vector<2048x8xi32>
    %reduce_min3A_24 = arith.constant dense<2147483647> : vector<2048xi32>
    %reduce_min3A_25 = vector.multi_reduction <minsi>, %select_n3A_23, %reduce_min3A_24 [1] : vector<2048x8xi32> to vector<2048xi32>
    %broadcast_in_dim3A_26 = vector.shape_cast %reduce_min3A_25 : vector<2048xi32> to vector<2048x1xi32>
    %sub3A = arith.subf %broadcast_in_dim3A, %broadcast_in_dim3A_18 : vector<2048x1xf32>
    %logistic3A = arith.negf %sub3A : vector<2048x1xf32>
    %logistic3A_27 = math.exp %logistic3A : vector<2048x1xf32>
    %logistic3A_28 = arith.constant 1.000000e+00 : f32
    %logistic3A_29 = vector.broadcast %logistic3A_28 : f32 to vector<2048x1xf32>
    %logistic3A_30 = arith.addf %logistic3A_29, %logistic3A_27 : vector<2048x1xf32>
    %logistic3A_31 = arith.divf %logistic3A_29, %logistic3A_30 : vector<2048x1xf32>
    %swap3A = arith.constant 0 : index
    %swap3A_32 = arith.constant 0 : index
    %swap3A_33 = vector.load %arg2[%swap3A, %swap3A_32] : memref<2048x1xi32, #tpu.memory_space<vmem>>, vector<2048x1xi32>
    tpu.vector_store %arg2[%swap3A, %swap3A_32], %broadcast_in_dim3A_10 {strides = array<i32>} : memref<2048x1xi32, #tpu.memory_space<vmem>>, vector<2048x1xi32>,
    %swap3A_34 = arith.constant 0 : index
    %swap3A_35 = arith.constant 0 : index
    %swap3A_36 = vector.load %arg3[%swap3A_34, %swap3A_35] : memref<2048x1xi32, #tpu.memory_space<vmem>>, vector<2048x1xi32>
    tpu.vector_store %arg3[%swap3A_34, %swap3A_35], %broadcast_in_dim3A_26 {strides = array<i32>} : memref<2048x1xi32, #tpu.memory_space<vmem>>, vector<2048x1xi32>,
    %swap3A_37 = arith.constant 0 : index
    %swap3A_38 = arith.constant 0 : index
    %swap3A_39 = vector.load %arg4[%swap3A_37, %swap3A_38] : memref<2048x1xf32, #tpu.memory_space<vmem>>, vector<2048x1xf32>
    tpu.vector_store %arg4[%swap3A_37, %swap3A_38], %logistic3A_31 {strides = array<i32>} : memref<2048x1xf32, #tpu.memory_space<vmem>>, vector<2048x1xf32>,
    %sub3A_40 = arith.constant 1.000000e+00 : f32
    %sub3A_41 = vector.broadcast %sub3A_40 : f32 to vector<2048x1xf32>
    %sub3A_42 = arith.subf %sub3A_41, %logistic3A_31 : vector<2048x1xf32>
    %swap3A_43 = arith.constant 0 : index
    %swap3A_44 = arith.constant 0 : index
    %swap3A_45 = vector.load %arg5[%swap3A_43, %swap3A_44] : memref<2048x1xf32, #tpu.memory_space<vmem>>, vector<2048x1xf32>
    tpu.vector_store %arg5[%swap3A_43, %swap3A_44], %sub3A_42 {strides = array<i32>} : memref<2048x1xf32, #tpu.memory_space<vmem>>, vector<2048x1xf32>,
    return
  }
}

</mosaic_0001>

<sc_bundles>
// kernel: kernel.4.cloned.1.call-start
scs
__scs_entry_jumppad:
0x0: {  	(pc) =	sbr.rel $0x88, $3  }
0x1: {  	(tag) =	ssettag $0x0;
	lr =	simm.s32 $0x1  }
0x2: {  	[smem:$0x3F9F] =	sst lr;
	_ =	strace $0xD0000000  }
0x3: {  	_ = 	snop  }
0x4: {  	_ = 	snop  }
0x5: {  	_ = 	snop  }
0x6: {  	_ = 	snop  }
0x7: {  	_ = 	snop  }
__scs_overlays_trampoline_lowered:
0x8: {  	[smem:$0x3FAE] =	sst s0  }
0x9: {  	[smem:$0x3FAF] =	sst s1  }
0xa: {  	[smem:$0x3FB0] =	sst s2  }
0xb: {  	[smem:$0x3FB1] =	sst s3  }
0xc: {  	[smem:$0x3FB2] =	sst s4  }
0xd: {  	[smem:$0x3FB3] =	sst s5  }
0xe: {  	[smem:$0x3FB4] =	sst s6  }
0xf: {  	[smem:$0x3FB5] =	sst s7  }
0x10: {  	[smem:$0x3FB6] =	sst s8  }
0x11: {  	[smem:$0x3FB7] =	sst s9;
	s0 =	simm.s32 @!p0 $0x0  }
0x12: {  	s1 =	sld [smem:$0x3F9D];
	s0 =	simm.s32 @p0 $0x1  }
0x13: {  	[smem:$0x3FB8] =	sst s0;
	s0 =	simm.s32 @!p1 $0x0  }
0x14: {  	s2 =	sld [smem:$0x3F9C];
	s0 =	simm.s32 @p1 $0x1  }
0x15: {  	[smem:$0x3FB9] =	sst s0;
	s0 =	simm.s32 @!p2 $0x0  }
0x16: {  	s3 =	sld [smem:$0x3FDB];
	s0 =	simm.s32 @p2 $0x1  }
0x17: {  	s4 =	simm.s32 $0x1BF5;
	[smem:$0x3FBB] =	sst s0  }
0x18: {  	s0 =	sld [smem:$0x3F9E];
	_ =	swait.ge [sflag:s4], $0x0  }
0x19: {  	s7 =	sld [smem:$0x3F9F]  }
0x1a: {  	s8 =	sadd.s32 $0xFFFFE003, lr  }
0x1b: {  	s9 =	sadd.s32 $0xFFFFFEF7, lr;
	s5 =	simm.s32 $0xFFFFFFFF;
	p2 =	slt.u32 s8, $0xFFFFF086  }
0x1c: {  	p1 =	slt.u32 s9, $0xF7A;
	s5 =	simm.s32 @!p2 $0x0  }
0x1d: {  	s5 =	simm.s32 @p1 $0x1;
	p0 =	seq.s32 s7, s2  }
0x1e: {  	s7 =	smul.u32 @!p0 $0xF7A, s2;
	p2 =	seq.s32 @!p0 s5, $0x0  }
0x1f: {  	s9 =	smul.u32 $0xF7A, s1;
	s8 =	simm.s32 @!p0 $0x1BF5;
	p2 =	por !p2, p0  }
0x20: {  	[sflag:s8] =	ssyncset.s32 @!p0 $0xFFFFF086;
	s6 =	sadd.s32 @!p0 s3, s7;
	s7 =	simm.s32 @!p0 $0x108  }
0x21: {  	s3 =	sadd.s32 s3, s9;
	s6 =	sadd.s32 @!p0 $0x88, s6;
	s7 =	simm.s32 @p2 $0x1082  }
0x22: {  	[simem:s7], [sflag:s8] =	dma.local @!p0 [hbm:s6], $0xF7A  }
0x23: {  	s9 =	sor.u32 $0xD0000000, s2;
	s6 =	simm.s32 $0x108;
	_ =	swait.ge @!p0 [sflag:s8], $0x0  }
0x24: {  	s3 =	sadd.s32 $0x88, s3;
	s6 =	simm.s32 @!p1 $0x1082;
	[sflag:s4] =	ssyncset.s32 $0xFFFFF086  }
0x25: {  	[simem:s6], [sflag:s4] =	dma.local [hbm:s3], $0xF7A  }
0x26: {  	[smem:$0x3F9F] =	sst s1;
	(tag) =	ssettag s2;
	_ =	strace s9  }
0x27: {  	s1 =	sld [smem:$0x3FAF]  }
0x28: {  	s2 =	sld [smem:$0x3FB0]  }
0x29: {  	s4 =	sld [smem:$0x3FB2]  }
0x2a: {  	p0 =	seq.s32 s5, $0x0;
	s5 =	sld [smem:$0x3FB3]  }
0x2b: {  	s6 =	sld [smem:$0x3FB4]  }
0x2c: {  	s7 =	sld [smem:$0x3FB5]  }
0x2d: {  	s3 =	simm.s32 $0x108;
	s8 =	sld [smem:$0x3FB6]  }
0x2e: {  	s3 =	simm.s32 @!p0 $0x1082;
	s9 =	sld [smem:$0x3FB7]  }
0x2f: {  	lr =	sadd.s32 s0, s3;
	s0 =	sld [smem:$0x3FAE]  }
0x30: {  	s3 =	sld [smem:$0x3FB1]  }
0x31: {  	[smem:$0x3FBA] =	sst s10  }
0x32: {  	s10 =	sld [smem:$0x3FB8];
	_ =	sdelay $0x3  }
0x33: {  	p0 =	seq.s32 s10, $0x1;
	s10 =	sld [smem:$0x3FBA];
	_ =	sdelay $0x3  }
0x34: {  	[smem:$0x3FBA] =	sst s10  }
0x35: {  	s10 =	sld [smem:$0x3FB9];
	_ =	sdelay $0x3  }
0x36: {  	p1 =	seq.s32 s10, $0x1;
	s10 =	sld [smem:$0x3FBA];
	_ =	sdelay $0x3  }
0x37: {  	[smem:$0x3FBA] =	sst s10  }
0x38: {  	s10 =	sld [smem:$0x3FBB]  }
0x39: {  	_ = 	snop;
	(pc) =	sbr.ind lr, $3  }
0x3a: {  	_ = 	snop  }
0x3b: {  	_ = 	snop  }
0x3c: {  	p2 =	seq.s32 s10, $0x1;
	s10 =	sld [smem:$0x3FBA]  }
0x3d: {  	_ =	shalt  }
0x3e: {  	_ =	shalt  }
0x3f: {  	_ =	shalt  }
0x40: {  	_ =	shalt  }
0x41: {  	_ =	shalt  }
0x42: {  	_ =	shalt  }
0x43: {  	_ =	shalt  }
0x44: {  	_ =	shalt  }
0x45: {  	_ =	shalt  }
0x46: {  	_ =	shalt  }
0x47: {  	_ =	shalt  }
0x48: {  	_ =	shalt  }
0x49: {  	_ =	shalt  }
0x4a: {  	_ =	shalt  }
0x4b: {  	_ =	shalt  }
0x4c: {  	_ =	shalt  }
0x4d: {  	_ =	shalt  }
0x4e: {  	_ =	shalt  }
0x4f: {  	_ =	shalt  }
0x50: {  	_ =	shalt  }
0x51: {  	_ =	shalt  }
0x52: {  	_ =	shalt  }
0x53: {  	_ =	shalt  }
0x54: {  	_ =	shalt  }
0x55: {  	_ =	shalt  }
0x56: {  	_ =	shalt  }
0x57: {  	_ =	shalt  }
0x58: {  	_ =	shalt  }
0x59: {  	_ =	shalt  }
0x5a: {  	_ =	shalt  }
0x5b: {  	_ =	shalt  }
0x5c: {  	_ =	shalt  }
0x5d: {  	_ =	shalt  }
0x5e: {  	_ =	shalt  }
0x5f: {  	_ =	shalt  }
0x60: {  	_ =	shalt  }
0x61: {  	_ =	shalt  }
0x62: {  	_ =	shalt  }
0x63: {  	_ =	shalt  }
0x64: {  	_ =	shalt  }
0x65: {  	_ =	shalt  }
0x66: {  	_ =	shalt  }
0x67: {  	_ =	shalt  }
0x68: {  	_ =	shalt  }
0x69: {  	_ =	shalt  }
0x6a: {  	_ =	shalt  }
0x6b: {  	_ =	shalt  }
0x6c: {  	_ =	shalt  }
0x6d: {  	_ =	shalt  }
0x6e: {  	_ =	shalt  }
0x6f: {  	_ =	shalt  }
0x70: {  	_ =	shalt  }
0x71: {  	_ =	shalt  }
0x72: {  	_ =	shalt  }
0x73: {  	_ =	shalt  }
0x74: {  	_ =	shalt  }
0x75: {  	_ =	shalt  }
0x76: {  	_ =	shalt  }
0x77: {  	_ =	shalt  }
0x78: {  	_ =	shalt  }
0x79: {  	_ =	shalt  }
0x7a: {  	_ =	shalt  }
0x7b: {  	_ =	shalt  }
0x7c: {  	_ =	shalt  }
0x7d: {  	_ =	shalt  }
0x7e: {  	_ =	shalt  }
0x7f: {  	_ =	shalt  }
0x80: {  	_ =	shalt  }
0x81: {  	_ =	shalt  }
0x82: {  	_ =	shalt  }
0x83: {  	_ =	shalt  }
0x84: {  	_ =	shalt  }
0x85: {  	_ =	shalt  }
0x86: {  	_ =	shalt  }
0x87: {  	_ =	shalt  }
.Lfunc_end0:
.L_simem_size_0:
called_computation_lowered:
.L_overlay_start_0:
0x88: {  	s2 =	sld [smem:$0x3FD9]  }
0x89: {  	s3 =	sld [smem:$0x3FFE];
	_ =	sdelay $0x1  }
0x8a: {  	s1 =	srdreg.scid  }
0x8b: {  	s0 =	sand.u32 $0x1, s1  }
0x8c: {  	s17 =	sshll.u32 s0, $0xA;
	s2 =	sadd.s32 s3, s2  }
0x8d: {  	s2 =	sadd.s32 s2, s17  }
0x8e: {  	[smem:$0x3FC6] =	sst s2  }
0x8f: {  	_ = 	snop  }
0x90: {  	s2 =	sld [smem:$0x3FC9]  }
0x91: {  	s18 =	sld [smem:$0x3FD0];
	(tm) =	ssettm $0x1  }
0x92: {  	s4 =	sld [smem:$0x3FFB];
	_ =	sdelay $0x3  }
0x93: {  	_ =	strace s4  }
0x94: {  	s4 =	sld [smem:$0x3FFC];
	_ =	sdelay $0x3  }
0x95: {  	_ =	strace s4  }
0x96: {  	s4 =	sld [smem:$0x3FFD];
	_ =	sdelay $0x3  }
0x97: {  	_ =	strace s4  }
0x98: {  	_ =	strace $0x8FFFFFFF  }
0x99: {  	s19 =	sld [smem:$0x3FDB];
	_ =	sdelay $0x1  }
0x9a: {  	s5 =	simm.s32 $_scs_section_size  }
0x9b: {  	s6 =	simm.s32 $_size__tile_overlayer_lowered;
	s7 =	simm.s32 $_tile_overlayer_lowered  }
0x9c: {  	s22 =	simm.s32 $0x1BFF;
	s21 =	sshll.u32 s7, $0x1;
	s4 =	sadd.s32 s5, s19  }
0x9d: {  	s8 =	simm.s32 $0x0;
	s20 =	sshll.u32 s6, $0x1;
	s6 =	sadd.s32 s21, s4  }
0x9e: {  	[timem:s8], [sflag:s22] =	dma.local [hbm:s6], s20  }
0x9f: {  	_ =	swait.ge [sflag:s22], s20  }
0xa0: {  	s5 =	ssub.s32 $0x0, s20;
	[sflag:s22] =	ssyncset.done $0x0  }
0xa1: {  	[sflag:s22] =	ssyncadd.s32 s5;
	_ =	sdelay $0x1  }
0xa2: {  	s23 =	simm.s32 $0x1B8B  }
0xa3: {  	_ =	swait.ge [sflag:s23], $0x1  }
0xa4: {  	[sflag:s23] =	ssyncset.done $0x0  }
0xa5: {  	s25 =	simm.s32 $0x1B8E;
	s24 =	sld [smem:$0x3FFE];
	[sflag:s23] =	ssyncadd.s32 $0xFFFFFFFF  }
0xa6: {  	s26 =	simm.s32 $execute0_lowered;
	[smem:$0x3FD2] =	sst s25  }
0xa7: {  	s6 =	sshll.u32 s26, $0x1;
	_ =	strace $0x80000046;
	[dreg:$0x1] =	wrdreg $0xFFFFFFFF  }
0xa8: {  	s28 =	simm.s32 $_size_execute0_lowered;
	s4 =	sadd.s32 s4, s6;
	[dreg:$0x0] =	wrdreg $0x0  }
0xa9: {  	s6 =	sshll.u32 s28, $0x1;
	[dreg:$0x2] =	wrdreg s4  }
0xaa: {  	[dreg:$0x3] =	wrdreg s6  }
0xab: {  	[dreg:$0x4] =	wrdreg $0xC0  }
0xac: {  	_ =	task [dreg:s8], $0x5FFFF  }
0xad: {  	[dreg:$0x1] =	wrdreg $0xFFFFFFFF  }
0xae: {  	[dreg:$0x0] =	wrdreg $0x60  }
0xaf: {  	[dreg:$0x2] =	wrdreg s18  }
0xb0: {  	[dreg:$0x3] =	wrdreg s24  }
0xb1: {  	[dreg:$0x4] =	wrdreg s2  }
0xb2: {  	[dreg:$0x5] =	wrdreg $0xCA800  }
0xb3: {  	[dreg:$0x6] =	wrdreg $0x9  }
0xb4: {  	_ =	task.clear_ibuf [dreg:s8], $0x7FFFF;
	_ =	strace $0x90000046  }
0xb5: {  	s29 =	simm.s32 $0x9;
	_ =	strace $0x80000048  }
0xb6: {  	_ =	swait.ge [sflag:s29], $0x1  }
0xb7: {  	[sflag:s29] =	ssyncadd.s32 $0xFFFFFFFF  }
0xb8: {  	_ =	strace $0x90000048  }
0xb9: {  	_ =	sfence  }
0xba: {  	s30 =	sld [smem:$0x0];
	_ =	sdelay $0x2  }
0xbb: {  	s31 =	sshll.u32 s1, $0xD;
	s1 =	sshrl.u32 s1, $0x2  }
0xbc: {  	s3 =	sand.u32 $0x4000, s31;
	s1 =	sadd.s32 s1, s30  }
0xbd: {  	s0 =	sor.u32 s3, s0;
	s1 =	sshll.u32 s1, $0x11  }
0xbe: {  	s0 =	sor.u32 s1, s0  }
0xbf: {  	s0 =	sadd.s32 $0x8F2B, s0  }
0xc0: {  	[sflag:s0] =	ssyncadd.remote.s32 $0x1  }
0xc1: {  	_ =	sfence.sel $0xFFFF  }
0xc2: {  	[dreg:$0x0] =	wrdreg $0xFFFFFFFF;
	(pc) =	sbr.abs _section_cstart, $3  }
0xc3: {  	[dreg:$0x1] =	wrdreg $0xFFFFFFFF  }
0xc4: {  	_ =	task.clear_ibuf [dreg:s8], $0x2FFFF;
	_ =	strace $0x9FFFFFFF  }
0xc5: {  	(tm) =	ssettm $0x7FFFFFFF  }
tec
execute0_lowered:
.L_overlay_start_1:
0x0: {  	(tag) =	ssettag $0x1  }
0x1: {  	s4 =	rddreg [dreg:$0x0]  }
0x2: {  	s0 =	rddreg [dreg:$0x1]  }
0x3: {  	s1 =	srdreg.scid;
	s6 =	rddreg [dreg:$0x2]  }
0x4: {  	s11 =	rddreg [dreg:$0x3];
	s5 =	stileid.u32;
	s2 =	simm.s32 $0x0  }
0x5: {  	s12 =	simm.s32 $0x1;
	s13 =	simm.s32 $0x1;
	s15 =	simm.s32 $0x1  }
0x6: {  	s16 =	simm.s32 $0x1;
	s17 =	simm.s32 $0x1;
	s18 =	simm.s32 $0x1  }
0x7: {  	s19 =	simm.s32 $0x1;
	s28 =	simm.s32 $0x8200;
	s29 =	simm.s32 $0x8A00  }
0x8: {  	s30 =	simm.s32 $0x9200;
	s31 =	simm.s32 $0x9A00;
	s1 =	sand.u32 $0x1, s1  }
0x9: {  	s9 =	sshll.u32 s5, $0x4;
	[smem:$0x7FF] =	sst s2;
	s23 =	sshll.u32 s5, $0x7  }
0xa: {  	p0 =	sne.s32 s5, $0x0;
	p1 =	sgt.u32 s5, $0x1;
	s7 =	sshll.u32 s1, $0x4  }
0xb: {  	s9 =	sand.u32 $0x70, s9;
	_ =	strace $0x80000047;
	s20 =	ssub.s32 $0x2, s1  }
0xc: {  	s25 =	sadd.s32 s23, s11;
	s11 =	simm.s32 $0x1;
	s23 =	simm.s32 $0x1  }
0xd: {  	s1 =	smul.u32 $0xC00, s1;
	s8 =	sor.u32 s5, s7;
	s24 =	sshrl.u32 s20, $0x1  }
0xe: {  	s26 =	sadd.s32 s7, s0;
	[dreg:$0x8] =	wrdreg s25;
	s3 =	sshll.u32 s8, $0x4  }
0xf: {  	s8 =	smul.u32 $0x1800, s8;
	s7 =	ssub.s32 s20, s24;
	s20 =	simm.s32 $0x1  }
0x10: {  	s25 =	sadd.s32 $0x400, s26;
	v61 =	vmov s1;
	s1 =	simm.s32 $0xAA00;
	s10 =	sand.u32 $0x180, s3  }
0x11: {  	s3 =	sadd.s32 $0xC00, s0;
	[dreg:$0xb] =	wrdreg s25;
	s25 =	simm.s32 $0x100  }
0x12: {  	s9 =	sor.u32 s9, s10;
	s22 =	sadd.s32 s6, s8;
	s8 =	simm.s32 $0x1  }
0x13: {  	s6 =	sadd.s32 $0x600, s26;
	s26 =	simm.s32 $0x80;
	[dreg:$0x10] =	wrdreg s25  }
0x14: {  	s25 =	simm.s32 $0x7200;
	s10 =	sadd.s32 s9, s0;
	[dreg:$0x7] =	wrdreg s22  }
0x15: {  	s4 =	sadd.s32 s4, s9;
	s8 =	simm.s32 @!p0 $0x0;
	[dreg:$0xc] =	wrdreg s6  }
0x16: {  	v63 =	vlaneseq.u32;
	s9 =	simm.s32 $0x1;
	s22 =	simm.s32 $0x1;
	[dreg:$0xd] =	wrdreg s26  }
0x17: {  	v2 =	vand.u32 $0x7, v63;
	s6 =	sadd.s32 $0xE00, s0;
	s26 =	simm.s32 $0x180;
	[dreg:$0x5] =	wrdreg s4  }
0x18: {  	[tilespmem:$0x1FFE0] =	vst v2;
	s21 =	sadd.s32 $0x200, s10;
	s9 =	simm.s32 @!p1 $0x0;
	p1 =	sgt.u32 s5, $0x2  }
0x19: {  	[tilespmem:$0x1FFC0] =	vst v61;
	s4 =	simm.s32 $0x1;
	s14 =	sadd.s32 $0xA00, s10;
	s24 =	sadd.s32 $0x800, s10;
	v0 =	vmov s8  }
0x1a: {  	vm1 =	vmmov $0x1;
	v62 =	vimm.s32 $0x0;
	s10 =	simm.s32 $0xC200;
	s8 =	simm.s32 $0x2;
	[dreg:$0x11] =	wrdreg s26;
	[tilespmem:$0x1FED0] =	vst v0;
	v47 =	vmov s9  }
0x1b: {  	s26 =	simm.s32 $0x7A00;
	[dreg:$0x6] =	wrdreg s21;
	s11 =	simm.s32 @!p1 $0x0;
	v0 =	vsel vm1, $0xFFFFFFFF, v62;
	[tilespmem:$0x1FEE0] =	vst v47  }
0x1c: {  	p1 =	sgt.u32 s5, $0x3;
	s21 =	simm.s32 $0x1;
	[dreg:$0x9] =	wrdreg s14;
	v48 =	vmov s11;
	[tilespmem:$0x1FFD0] =	vst v0  }
0x1d: {  	[dreg:$0xa] =	wrdreg s24;
	s12 =	simm.s32 @!p1 $0x0;
	p1 =	sgt.u32 s5, $0x4;
	v0 =	vor.u32 $0x8, v63;
	[tilespmem:$0x1FEF0] =	vst v48  }
0x1e: {  	s14 =	smax.u32 s7, $0x1;
	s13 =	simm.s32 @!p1 $0x0;
	p1 =	sgt.u32 s5, $0x5;
	v49 =	vmov s12;
	[tilespmem:$0x1FFF0] =	vst v0  }
0x1f: {  	[dreg:$0xe] =	wrdreg s10;
	s4 =	simm.s32 @!p1 $0x0;
	p1 =	sgt.u32 s5, $0x6;
	[tilespmem:$0x1FF00] =	vst v49;
	v50 =	vmov s13  }
0x20: {  	s24 =	simm.s32 $0xC280;
	s15 =	simm.s32 @!p1 $0x0;
	p1 =	sgt.u32 s5, $0x7;
	[tilespmem:$0x1FF10] =	vst v50;
	v51 =	vmov s4  }
0x21: {  	s9 =	simm.s32 $0xB200;
	s16 =	simm.s32 @!p1 $0x0;
	p1 =	sgt.u32 s5, $0x8;
	[tilespmem:$0x1FF20] =	vst v51;
	v52 =	vmov s15  }
0x22: {  	s7 =	simm.s32 $0x1;
	s17 =	simm.s32 @!p1 $0x0;
	p1 =	sgt.u32 s5, $0x9;
	[tilespmem:$0x1FF30] =	vst v52;
	v53 =	vmov s16  }
0x23: {  	[dreg:$0xf] =	wrdreg s24;
	s18 =	simm.s32 @!p1 $0x0;
	p1 =	sgt.u32 s5, $0xA;
	[tilespmem:$0x1FF40] =	vst v53;
	v54 =	vmov s17  }
0x24: {  	s24 =	simm.s32 $0x6A00;
	s19 =	simm.s32 @!p1 $0x0;
	p1 =	sgt.u32 s5, $0xB;
	[tilespmem:$0x1FF50] =	vst v54;
	v55 =	vmov s18  }
0x25: {  	s4 =	simm.s32 $0xBA00;
	s20 =	simm.s32 @!p1 $0x0;
	p1 =	sgt.u32 s5, $0xC;
	[tilespmem:$0x1FF60] =	vst v55;
	v56 =	vmov s19  }
0x26: {  	s15 =	simm.s32 $0x2200;
	s21 =	simm.s32 @!p1 $0x0;
	p1 =	sgt.u32 s5, $0xD;
	[tilespmem:$0x1FF70] =	vst v56;
	v57 =	vmov s20  }
0x27: {  	s16 =	simm.s32 $0x2A00;
	s22 =	simm.s32 @!p1 $0x0;
	p1 =	seq.s32 s5, $0xF;
	[tilespmem:$0x1FF80] =	vst v57;
	v58 =	vmov s21  }
0x28: {  	s17 =	simm.s32 $0x3200;
	s18 =	simm.s32 $0x3A00;
	s23 =	simm.s32 @!p1 $0x0;
	[tilespmem:$0x1FF90] =	vst v58;
	v59 =	vmov s22  }
0x29: {  	v1 =	vshrl.u32 v63, $0x3;
	s19 =	simm.s32 $0x4200;
	s20 =	simm.s32 $0x4A00;
	s5 =	sadd.s32 $0xD00, s0;
	[tilespmem:$0x1FFA0] =	vst v59;
	v60 =	vmov s23  }
0x2a: {  	v16 =	vimm.s32 $0x0;
	vm8 =	vmmov $0xffff;
	v18 =	vmul.u32 $0x8, v1;
	s21 =	simm.s32 $0x5200;
	s22 =	simm.s32 $0x5A00;
	s23 =	simm.s32 $0x6200;
	[tilespmem:$0x1FFB0] =	vst v60  }
.LBB2_1:
0x2b: {  	s10 =	rddreg [dreg:$0x5]  }
0x2c: {  	[tilespmem:s2], [sflag:$0x2] =	stream.linear.gather [hbm4b:s10+s2], $0x80, $0x38;
	[tilespmem:$0xCB10] =	vst v63  }
0x2d: {  	_ =	swait.ge [sflag:s8], $0x80  }
0x2e: {  	s0 =	rddreg [dreg:$0x6]  }
0x2f: {  	s11 =	rddreg [dreg:$0xd];
	[sflag:s8] =	ssyncset.done $0x0  }
0x30: {  	[sflag:s8] =	ssyncadd.s32 $0xFFFFFF80  }
0x31: {  	[tilespmem:s11], [sflag:$0x2] =	stream.linear.gather [hbm4b:s0+s2], $0x80, $0x38;
	[tilespmem:$0xCB10] =	vst v63  }
0x32: {  	_ =	swait.ge [sflag:s8], $0x80  }
0x33: {  	[sflag:s8] =	ssyncset.done $0x0  }
0x34: {  	s0 =	simm.s32 $0x200;
	s11 =	rddreg [dreg:$0x7];
	[sflag:s8] =	ssyncadd.s32 $0xFFFFFF80  }
0x35: {  	[tilespmem:s0], [sflag:$0x2] =	stream.linear.gather [hbm4b:s11+s2], $0xC000, $0x38;
	[tilespmem:$0xCB10] =	vst v63  }
0x36: {  	_ =	swait.ge [sflag:s8], $0xC000  }
0x37: {  	v0 =	vimm.s32 $0x0;
	v12 =	vimm.s32 $0x0;
	[sflag:s8] =	ssyncset.done $0x0  }
0x38: {  	v13 =	vimm.s32 $0x0;
	v14 =	vimm.s32 $0x0;
	v5 =	vimm.s32 $0x0;
	[sflag:s8] =	ssyncadd.s32 $0xFFFF4000  }
0x39: {  	v22 =	vimm.s32 $0x0;
	v23 =	vimm.s32 $0x0;
	v24 =	vimm.s32 $0x0;
	v2 =	vld [tilespmem:$0x0]  }
0x3a: {  	v25 =	vimm.s32 $0x0;
	v26 =	vimm.s32 $0x0;
	v15 =	vimm.s32 $0x0  }
0x3b: {  	v28 =	vimm.s32 $0x0;
	v30 =	vimm.s32 $0x0;
	v31 =	vimm.s32 $0x0;
	v6 =	vld [tilespmem:$0x10]  }
0x3c: {  	v34 =	vimm.s32 $0x0;
	v19 =	vimm.s32 $0x0;
	v38 =	vimm.s32 $0x0;
	v9 =	vld [tilespmem:$0x20]  }
0x3d: {  	v40 =	vimm.s32 $0x0;
	v42 =	vimm.s32 $0x0;
	v45 =	vimm.s32 $0x0  }
0x3e: {  	v47 =	vimm.s32 $0x0;
	v48 =	vimm.s32 $0x0;
	vm1 =	veq.s32 v2, $0x0  }
0x3f: {  	vm0 =	veq.s32 v2, $0x1;
	vm13 =	veq.s32 v2, $0x2;
	vm15 =	veq.s32 v2, $0x3  }
0x40: {  	vm5 =	veq.s32 v2, $0x4;
	vm2 =	veq.s32 v2, $0x6;
	vm11 =	veq.s32 v6, $0x2  }
0x41: {  	vm3 =	veq.s32 v2, $0x7;
	vm10 =	veq.s32 v9, $0x0;
	vm7 =	veq.s32 v9, $0x2  }
0x42: {  	vm9 =	veq.s32 v6, $0x5;
	vm6 =	veq.s32 v6, $0x6;
	v0 =	vsel vm1, $0xFFFFFFFF, v0  }
0x43: {  	v21 =	vsel vm1, $0x1, v16;
	v3 =	vmpcnt.ones.xlane vm1;
	v17 =	vsel vm0, $0x1, v16  }
0x44: {  	v4 =	vmpcnt.ones.xlane vm0;
	vm14 =	vmmov vm13;
	v20 =	vsel vm13, $0x1, v16  }
0x45: {  	vm4 =	vmmov vm15;
	v11 =	vsel vm15, $0x1, v16;
	vm12 =	vmmov vm5  }
0x46: {  	v5 =	vsel vm5, $0xFFFFFFFF, v5;
	v10 =	vsel vm5, $0x1, v16;
	v7 =	vsel vm2, $0x1, v16;
	[tilespmem:$0x1F990] =	vst v0  }
0x47: {  	vm5 =	veq.s32 v6, $0x0;
	v15 =	vsel vm3, $0xFFFFFFFF, v15;
	v32 =	vmpcnt.ones.xlane vm7;
	[tilespmem:$0x1F9D0] =	vst v5  }
0x48: {  	v0 =	vsel vm0, $0xFFFFFFFF, v12;
	v1 =	vmpcnt.ones.xlane vm14;
	v63 =	vmpcnt.ones.xlane vm12;
	[tilespmem:$0x1FA00] =	vst v15  }
0x49: {  	v12 =	vmpcnt.ones.xlane vm5;
	vm12 =	veq.s32 v6, $0x4;
	[tilespmem:$0x1F9A0] =	vst v0;
	v0 =	vsel vm13, $0xFFFFFFFF, v13  }
0x4a: {  	v15 =	vimm.s32 $0x0;
	vm13 =	veq.s32 v2, $0x5;
	[tilespmem:$0x1F9B0] =	vst v0;
	v0 =	vsel vm15, $0xFFFFFFFF, v14  }
0x4b: {  	vm14 =	veq.s32 v9, $0x3;
	v5 =	vsel vm13, $0xFFFFFFFF, v22;
	v8 =	vsel vm13, $0x1, v16;
	[tilespmem:$0x1F9C0] =	vst v0  }
0x4c: {  	v62 =	vmpcnt.ones.xlane vm13;
	vm13 =	veq.s32 v6, $0x1;
	[tilespmem:$0x1F9E0] =	vst v5;
	v5 =	vsel vm2, $0xFFFFFFFF, v23  }
0x4d: {  	v29 =	vmpcnt.ones.xlane vm12;
	vm15 =	veq.s32 v9, $0x1;
	v2 =	vsel vm13, $0xFFFFFFFF, v25;
	[tilespmem:$0x1F9F0] =	vst v5  }
0x4e: {  	v14 =	vmpcnt.ones.xlane vm11;
	v60 =	vadd.s32 v3, v12;
	v15 =	vsel vm15, $0xFFFFFFFF, v15;
	[tilespmem:$0x1FA20] =	vst v2  }
0x4f: {  	v22 =	vmpcnt.ones.xlane vm10;
	v13 =	vmpcnt.ones.xlane vm13;
	v5 =	vsel vm5, $0xFFFFFFFF, v24;
	[tilespmem:$0x1FA70] =	vst v15  }
0x50: {  	v0 =	vmpcnt.ones.xlane vm4;
	vm4 =	veq.s32 v6, $0x3;
	v2 =	vsel vm11, $0xFFFFFFFF, v26;
	[tilespmem:$0x1FA10] =	vst v5  }
0x51: {  	v23 =	vmpcnt.ones.xlane vm15;
	[tilespmem:$0x1FA30] =	vst v2;
	v59 =	vadd.s32 v4, v13;
	v13 =	vsel vm4, $0xFFFFFFFF, v28  }
0x52: {  	v41 =	vadd.s32 v1, v14;
	v27 =	vmpcnt.ones.xlane vm4;
	[tilespmem:$0x1FA40] =	vst v13;
	v13 =	vsel vm12, $0xFFFFFFFF, v30  }
0x53: {  	v15 =	vimm.s32 $0x0;
	v24 =	vmpcnt.ones.xlane vm14;
	[tilespmem:$0x1FA50] =	vst v13;
	v13 =	vsel vm10, $0xFFFFFFFF, v31  }
0x54: {  	v61 =	vadd.s32 v60, v22;
	v5 =	vmpcnt.ones.xlane vm2;
	v2 =	vmpcnt.ones.xlane vm3;
	[tilespmem:$0x1FA60] =	vst v13;
	v13 =	vld [tilespmem:$0x30]  }
0x55: {  	(xrf0) =	vadd.scan.msk.s32 $0xffff, v21;
	v15 =	vsel vm14, $0xFFFFFFFF, v15;
	v57 =	vadd.s32 v41, v32;
	vm14 =	veq.s32 v9, $0x4  }
0x56: {  	v32 =	vimm.s32 $0x0;
	vm2 =	vcmask $0xF14;
	[tilespmem:$0x1FAA0] =	vst v15;
	v15 =	vimm.s32 $0x0  }
0x57: {  	(xrf0) =	vadd.scan.msk.s32 $0xffff, v17;
	v56 =	vadd.s32 v0, v27;
	v33 =	vmpcnt.ones.xlane vm14;
	v15 =	vsel vm7, $0xFFFFFFFF, v15  }
0x58: {  	v58 =	vadd.s32 v59, v23;
	v14 =	vsel vm14, $0xFFFFFFFF, v34;
	[tilespmem:$0x1FA80] =	vst v15;
	v15 =	vadd.s32 v63, v29  }
0x59: {  	(xrf0) =	vadd.scan.msk.s32 $0xffff, v20;
	v54 =	vadd.s32 v56, v24;
	v55 =	vadd.s32 v15, v33;
	vm1 =	veq.s32 v13, $0x0  }
0x5a: {  	(xrf0) =	vadd.scan.msk.s32 $0xffff, v11;
	v33 =	vimm.s32 $0x0;
	vm0 =	veq.s32 v13, $0x1;
	v19 =	vsel vm1, $0xFFFFFFFF, v19  }
0x5b: {  	v35 =	vmpcnt.ones.xlane vm1;
	vm1 =	veq.s32 v13, $0x3;
	[tilespmem:$0x1F960] =	vst v19;
	v19 =	vimm.s32 $0x0  }
0x5c: {  	[tilespmem:$0x1FAC0] =	vst v14;
	v14 =	vld [tilespmem:$0x80];
	v36 =	vmpcnt.ones.xlane vm0;
	v25 =	vmpcnt.ones.xlane vm1;
	v19 =	vsel vm0, $0xFFFFFFFF, v19  }
0x5d: {  	vm0 =	veq.s32 v13, $0x2;
	v30 =	vadd.s32 v61, v35;
	[tilespmem:$0x1FA90] =	vst v19;
	v19 =	vimm.s32 $0x0  }
0x5e: {  	(xrf0) =	vadd.scan.msk.s32 $0xffff, v10;
	v29 =	vadd.s32 v58, v36;
	v36 =	vimm.s32 $0x0;
	v19 =	vsel vm0, $0xFFFFFFFF, v19  }
0x5f: {  	v37 =	vmpcnt.ones.xlane vm0;
	vm0 =	veq.s32 v13, $0x4;
	[tilespmem:$0x1FAB0] =	vst v19;
	v19 =	vimm.s32 $0x0  }
0x60: {  	(xrf0) =	vadd.scan.msk.s32 $0xffff, v8;
	v27 =	vadd.s32 v54, v25;
	v26 =	vmpcnt.ones.xlane vm0;
	v19 =	vsel vm1, $0xFFFFFFFF, v19  }
0x61: {  	v28 =	vadd.s32 v57, v37;
	vm1 =	veq.s32 v14, $0x2;
	[tilespmem:$0x1F970] =	vst v19;
	v19 =	vimm.s32 $0x0  }
0x62: {  	v12 =	vld [tilespmem:$0x90];
	[tilespmem:$0x1FE00] =	vst v30;
	v44 =	vmpcnt.ones.xlane vm1;
	v19 =	vsel vm0, $0xFFFFFFFF, v19;
	vm0 =	veq.s32 v14, $0x0  }
0x63: {  	[tilespmem:$0x1F980] =	vst v19;
	v19 =	vadd.s32 v55, v26;
	v22 =	vsel vm0, $0xFFFFFFFF, v38;
	v39 =	vmpcnt.ones.xlane vm0  }
0x64: {  	[tilespmem:$0x1FE30] =	vst v28;
	vm0 =	veq.s32 v14, $0x1;
	v28 =	vadd.s32 v28, v44;
	v38 =	vimm.s32 $0x0  }
0x65: {  	[tilespmem:$0x1FE20] =	vst v29;
	v23 =	vsel vm0, $0xFFFFFFFF, v40;
	v43 =	vmpcnt.ones.xlane vm0;
	vm0 =	veq.s32 v14, $0x3  }
0x66: {  	v44 =	vimm.s32 $0x0;
	[tilespmem:$0x1FBA0] =	vst v23;
	v23 =	vsel vm1, $0xFFFFFFFF, v42;
	v25 =	vsel vm0, $0xFFFFFFFF, v45  }
0x67: {  	[tilespmem:$0x1FE40] =	vst v27;
	v46 =	vmpcnt.ones.xlane vm0;
	vm0 =	veq.s32 v14, $0x4;
	vm1 =	veq.s32 v12, $0x0  }
0x68: {  	[tilespmem:$0x1FE50] =	vst v19;
	v30 =	vadd.s32 v30, v39;
	v39 =	vimm.s32 $0x0;
	v26 =	vsel vm0, $0xFFFFFFFF, v47  }
0x69: {  	[tilespmem:$0x1FBB0] =	vst v22;
	v49 =	vmpcnt.ones.xlane vm0;
	v50 =	vmpcnt.ones.xlane vm1;
	v29 =	vadd.s32 v29, v43  }
0x6a: {  	vm0 =	veq.s32 v12, $0x1;
	v47 =	vimm.s32 $0x0;
	[tilespmem:$0x1FB70] =	vst v26;
	v26 =	vsel vm1, $0xFFFFFFFF, v48  }
0x6b: {  	[tilespmem:$0x1FB90] =	vst v23;
	v27 =	vadd.s32 v27, v46;
	v31 =	vmpcnt.ones.xlane vm0;
	vm1 =	veq.s32 v12, $0x3  }
0x6c: {  	v52 =	vld [tilespmem:$0xA0];
	[tilespmem:$0x1FD50] =	vst v30;
	v46 =	vimm.s32 $0x0;
	v19 =	vadd.s32 v19, v49;
	v30 =	vadd.s32 v30, v50  }
0x6d: {  	[tilespmem:$0x1FB60] =	vst v26;
	v26 =	vimm.s32 $0x0;
	v35 =	vmpcnt.ones.xlane vm1;
	v50 =	vimm.s32 $0x0  }
0x6e: {  	[tilespmem:$0x1FD70] =	vst v29;
	v22 =	vsel vm0, $0xFFFFFFFF, v26;
	vm0 =	veq.s32 v12, $0x2;
	v29 =	vadd.s32 v29, v31  }
0x6f: {  	[tilespmem:$0x1FD90] =	vst v27;
	v23 =	vsel vm0, $0xFFFFFFFF, v32;
	v34 =	vmpcnt.ones.xlane vm0;
	vm0 =	veq.s32 v12, $0x4  }
0x70: {  	v53 =	vld [tilespmem:$0xB0];
	v27 =	vadd.s32 v27, v35;
	v35 =	vimm.s32 $0x0;
	[tilespmem:$0x1FB40] =	vst v23;
	v23 =	vsel vm1, $0xFFFFFFFF, v33  }
0x71: {  	[tilespmem:$0x1FB80] =	vst v25;
	v25 =	vsel vm0, $0xFFFFFFFF, v36;
	v37 =	vmpcnt.ones.xlane vm0;
	vm0 =	veq.s32 v52, $0x0  }
0x72: {  	[tilespmem:$0x1FD80] =	vst v28;
	vm1 =	veq.s32 v52, $0x1;
	v33 =	vimm.s32 $0x0;
	v26 =	vsel vm0, $0xFFFFFFFF, v38  }
0x73: {  	[tilespmem:$0x1FDA0] =	vst v19;
	v40 =	vmpcnt.ones.xlane vm0;
	v42 =	vmpcnt.ones.xlane vm1;
	v28 =	vadd.s32 v28, v34  }
0x74: {  	vm0 =	veq.s32 v52, $0x2;
	[tilespmem:$0x1FB10] =	vst v26;
	v26 =	vsel vm1, $0xFFFFFFFF, v39;
	v19 =	vadd.s32 v19, v37  }
0x75: {  	[tilespmem:$0x1FB50] =	vst v22;
	v22 =	vsel vm0, $0xFFFFFFFF, v44;
	v45 =	vmpcnt.ones.xlane vm0;
	vm1 =	veq.s32 v53, $0x0  }
0x76: {  	[tilespmem:$0x1FC90] =	vst v30;
	vm0 =	veq.s32 v53, $0x1;
	v39 =	vimm.s32 $0x0;
	v44 =	vmpcnt.ones.xlane vm6  }
0x77: {  	[tilespmem:$0x1FB30] =	vst v23;
	v30 =	vadd.s32 v30, v40;
	v43 =	vadd.s32 v29, v42;
	v23 =	vsel vm1, $0xFFFFFFFF, v46  }
0x78: {  	[tilespmem:$0x1FCA0] =	vst v29;
	v48 =	vmpcnt.ones.xlane vm1;
	v49 =	vmpcnt.ones.xlane vm0;
	v29 =	vimm.s32 $0x0  }
0x79: {  	(xrf0) =	vadd.scan.msk.s32 $0xffff, v7;
	vm1 =	vcmask $0x308;
	v42 =	vmpcnt.ones.xlane vm9;
	v46 =	vsel vm3, $0x1, v16  }
0x7a: {  	vm3 =	veq.s32 v9, $0x7;
	[tilespmem:$0x1FAE0] =	vst v23;
	v23 =	vsel vm0, $0xFFFFFFFF, v47;
	vm0 =	veq.s32 v52, $0x3  }
0x7b: {  	v32 =	vld [tilespmem:$0x1FFD0];
	[tilespmem:$0x1FCB0] =	vst v28;
	v28 =	vadd.s32 v28, v45;
	v7 =	vadd.s32 v5, v44;
	v44 =	vsel vm7, $0x1, v16  }
0x7c: {  	[tilespmem:$0x1FB00] =	vst v26;
	v26 =	vsel vm0, $0xFFFFFFFF, v50;
	v51 =	vmpcnt.ones.xlane vm0;
	vm0 =	veq.s32 v53, $0x2  }
0x7d: {  	[tilespmem:$0x1FBF0] =	vst v23;
	v23 =	vadd.s32 v30, v48;
	v24 =	vadd.s32 v43, v49;
	v10 =	vadd.s32 v62, v42  }
0x7e: {  	[tilespmem:$0x1FCC0] =	vst v27;
	v48 =	vsel vm5, $0x1, v16;
	v49 =	vsel vm13, $0x1, v16;
	v50 =	vsel vm4, $0x1, v16  }
0x7f: {  	[tilespmem:$0x1FB20] =	vst v25;
	vm13 =	veq.s32 v13, $0x6;
	vm4 =	veq.s32 v14, $0x5;
	vm5 =	veq.s32 v14, $0x6  }
0x80: {  	[tilespmem:$0x1FCE0] =	vst v26;
	v26 =	vsel vm0, $0xFFFFFFFF, v29;
	v31 =	vmpcnt.ones.xlane vm0;
	vm0 =	vnez.u8 v32  }
0x81: {  	[tilespmem:$0x1FCD0] =	vst v19;
	v24 =	vsel vm1, $0x0, v24;
	vm1 =	veq.s32 v52, $0x4;
	v23 =	vnsel vm0, $0x0, v23  }
0x82: {  	[tilespmem:$0x1FAF0] =	vst v22;
	vm0 =	veq.s32 v53, $0x3;
	v27 =	vadd.s32 v27, v51;
	v37 =	vmpcnt.ones.xlane vm1  }
0x83: {  	[tilespmem:$0x1FC10] =	vst v26;
	v51 =	vsel vm12, $0x1, v16;
	vm12 =	veq.s32 v9, $0x6;
	v26 =	vsel vm0, $0xFFFFFFFF, v33  }
0x84: {  	[tilespmem:$0x1FBC0] =	vst v30;
	v34 =	vmpcnt.ones.xlane vm0;
	v23 =	vadd.s32 v23, v24;
	v24 =	vsel vm1, $0xFFFFFFFF, v35  }
0x85: {  	[tilespmem:$0x1FBD0] =	vst v43;
	v36 =	vadd.s32 v28, v31;
	vm1 =	vcmask $0x70C;
	vm0 =	veq.s32 v53, $0x4  }
0x86: {  	[tilespmem:$0x1FBE0] =	vst v28;
	v31 =	vmpcnt.ones.xlane vm13;
	v22 =	vsel vm1, $0x0, v36;
	v25 =	vsel vm0, $0xFFFFFFFF, v39  }
0x87: {  	[tilespmem:$0x1FC00] =	vst v27;
	v40 =	vmpcnt.ones.xlane vm0;
	v19 =	vadd.s32 v19, v37;
	vm1 =	vcmask $0xB10  }
0x88: {  	[tilespmem:$0x1FC20] =	vst v26;
	vm0 =	veq.s32 v14, $0x7;
	v38 =	vadd.s32 v27, v34;
	v17 =	vadd.s32 v22, v23  }
0x89: {  	[tilespmem:$0x1FC50] =	vst v25;
	v25 =	vimm.s32 $0x0;
	v23 =	vimm.s32 $0x0;
	v20 =	vsel vm1, $0x0, v38  }
0x8a: {  	[tilespmem:$0x1FCF0] =	vst v24;
	v43 =	vadd.s32 v19, v40;
	vm1 =	veq.s32 v9, $0x5;
	v9 =	vmpcnt.ones.xlane vm3  }
0x8b: {  	v24, _, _ =	vpop (xrf0);
	(xrf0) =	vadd.scan.msk.s32 $0xffff, v46;
	v11 =	vsel vm3, $0xFFFFFFFF, v25;
	v46 =	vimm.s32 $0x0;
	v17 =	vadd.s32 v20, v17  }
0x8c: {  	[tilespmem:$0x1FC30] =	vst v19;
	v45 =	vsel vm2, $0x0, v43;
	vm2 =	veq.s32 v6, $0x7;
	v47 =	vmpcnt.ones.xlane vm1  }
0x8d: {  	v26, _, _ =	vpop (xrf0);
	(xrf0) =	vadd.scan.msk.s32 $0xffff, v48;
	v43 =	vsel vm10, $0x1, v16;
	vm10 =	veq.s32 v13, $0x7;
	v48 =	vimm.s32 $0x0  }
0x8e: {  	[tilespmem:$0x1FAD0] =	vst v11;
	v6 =	vmpcnt.ones.xlane vm2;
	v20 =	vadd.s32 v45, v17;
	v17 =	vsel vm11, $0x1, v16  }
0x8f: {  	v27, _, _ =	vpop (xrf0);
	(xrf0) =	vadd.scan.msk.s32 $0xffff, v49;
	vm11 =	veq.s32 v13, $0x5;
	v13 =	vmpcnt.ones.xlane vm10;
	v45 =	vimm.s32 $0x0  }
0x90: {  	v14 =	vsel vm0, $0xFFFFFFFF, v48;
	v48 =	vsel vm3, $0x1, v16;
	v8 =	vadd.s32 v10, v47;
	v28, _, _ =	vpop (xrf0);
	(xrf0) =	vadd.scan.msk.s32 $0xffff, v17  }
0x91: {  	v17 =	vmpcnt.ones.xlane vm12;
	v29 =	vmpcnt.ones.xlane vm11;
	v21 =	vsel vm4, $0xFFFFFFFF, v45;
	[tilespmem:$0x1FEB0] =	vst v14  }
0x92: {  	v47 =	vmpcnt.ones.xlane vm5;
	v6 =	vadd.s32 v2, v6;
	[tilespmem:$0x1FE80] =	vst v21;
	v21 =	vsel vm5, $0xFFFFFFFF, v46  }
0x93: {  	v30, _, _ =	vpop (xrf0);
	(xrf0) =	vadd.scan.msk.s32 $0xffff, v50;
	vm5 =	veq.s32 v12, $0x7;
	v11 =	vadd.s32 v7, v17;
	v17 =	vsel vm9, $0x1, v16  }
0x94: {  	v50 =	vld [tilespmem:$0x1FAA0];
	v32, _, _ =	vpop (xrf0);
	(xrf0) =	vadd.scan.msk.s32 $0xffff, v51;
	v9 =	vadd.s32 v6, v9;
	v19 =	vadd.s32 v8, v29;
	v51 =	vmpcnt.ones.xlane vm0  }
0x95: {  	[tilespmem:$0x1FEA0] =	vst v21;
	v29 =	vsel vm14, $0x1, v16;
	vm14 =	vmmov vm1;
	vm0 =	veq.s32 v52, $0x7  }
0x96: {  	v33, _, _ =	vpop (xrf0);
	(xrf0) =	vadd.scan.msk.s32 $0xffff, v17;
	[tilespmem:$0x1FE60] =	vst v19;
	v17 =	vsel vm6, $0x1, v16;
	v34 =	vadd.s32 v11, v31  }
0x97: {  	v49 =	vadd.s32 v9, v13;
	v35, _, _ =	vpop (xrf0);
	(xrf0) =	vadd.scan.msk.s32 $0xffff, v17;
	[tilespmem:$0x1FE70] =	vst v34;
	v17 =	vsel vm2, $0x1, v16  }
0x98: {  	v31 =	vsel vm1, $0x1, v16;
	[tilespmem:$0x1FE90] =	vst v49;
	v21 =	vadd.s32 v49, v51;
	v36, _, _ =	vpop (xrf0);
	(xrf0) =	vadd.scan.msk.s32 $0xffff, v17  }
0x99: {  	v49 =	vimm.s32 $0x0;
	v17 =	vsel vm15, $0x1, v16;
	v37, _, _ =	vpop (xrf0);
	(xrf0) =	vadd.scan.msk.s32 $0xffff, v43;
	vm15 =	vnez.u8 v50  }
0x9a: {  	v51 =	vimm.s32 $0x0;
	v38, _, _ =	vpop (xrf0);
	(xrf0) =	vadd.scan.msk.s32 $0xffff, v17;
	v17 =	vmpcnt.ones.xlane vm4;
	v13 =	vsel vm15, $0x1, v16  }
0x9b: {  	[tilespmem:$0x1FDE0] =	vst v21;
	vm15 =	veq.s32 v12, $0x5;
	vm4 =	veq.s32 v12, $0x6;
	v12 =	vsel vm5, $0xFFFFFFFF, v23  }
0x9c: {  	v23 =	vld [tilespmem:$0x1FA90];
	v39, _, _ =	vpop (xrf0);
	(xrf0) =	vadd.scan.msk.s32 $0xffff, v44;
	v22 =	vsel vm15, $0xFFFFFFFF, v49;
	v50 =	vmpcnt.ones.xlane vm15;
	[tilespmem:$0x1FE10] =	vst v12  }
0x9d: {  	vm15 =	veq.s32 v52, $0x5;
	v49 =	vsel vm13, $0x1, v16;
	v40, _, _ =	vpop (xrf0);
	(xrf0) =	vadd.scan.msk.s32 $0xffff, v13;
	v25 =	vadd.s32 v19, v17  }
0x9e: {  	v19 =	vadd.s32 v34, v47;
	v34 =	vsel vm12, $0x1, v16;
	v17 =	vld [tilespmem:$0x1F960];
	[tilespmem:$0x1FDD0] =	vst v22;
	v22 =	vsel vm4, $0xFFFFFFFF, v51  }
0x9f: {  	v51 =	vimm.s32 $0x0;
	[tilespmem:$0x1FDB0] =	vst v25;
	v42, _, _ =	vpop (xrf0);
	(xrf0) =	vadd.scan.msk.s32 $0xffff, v29;
	v47 =	vadd.s32 v25, v50;
	v25 =	vld [tilespmem:$0x1FAB0]  }
0xa0: {  	[tilespmem:$0x1FDC0] =	vst v19;
	v29 =	vmpcnt.ones.xlane vm4;
	v50 =	vimm.s32 $0x0;
	v43, _, _ =	vpop (xrf0);
	(xrf0) =	vadd.scan.msk.s32 $0xffff, v31  }
0xa1: {  	v31 =	vmpcnt.ones.xlane vm5;
	v44, _, _ =	vpop (xrf0);
	(xrf0) =	vadd.scan.msk.s32 $0xffff, v34;
	v34 =	vimm.s32 $0x0;
	vm1 =	vnez.u8 v23  }
0xa2: {  	[tilespmem:$0x1FDF0] =	vst v22;
	v22 =	vsel vm15, $0xFFFFFFFF, v34;
	v14 =	vsel vm1, $0x1, v16;
	v34 =	vadd.s32 v19, v29;
	v29 =	vld [tilespmem:$0x1F970]  }
0xa3: {  	v45, _, _ =	vpop (xrf0);
	(xrf0) =	vadd.scan.msk.s32 $0xffff, v48;
	v19 =	vadd.s32 v21, v31;
	v31 =	vld [tilespmem:$0x1F980];
	vm1 =	veq.s32 v53, $0x6;
	vm3 =	vnez.u8 v17  }
0xa4: {  	[tilespmem:$0x1FD20] =	vst v22;
	v22 =	vmpcnt.ones.xlane vm0;
	v17 =	vsel vm3, $0x1, v16;
	vm5 =	vnez.u8 v25  }
0xa5: {  	v46, _, _ =	vpop (xrf0);
	(xrf0) =	vadd.scan.msk.s32 $0xffff, v17;
	v17 =	vmpcnt.ones.xlane vm15;
	v12 =	vsel vm5, $0x1, v16;
	vm15 =	veq.s32 v52, $0x6  }
0xa6: {  	[tilespmem:$0x1FD00] =	vst v47;
	v52 =	vimm.s32 $0x0;
	v23 =	vsel vm15, $0xFFFFFFFF, v50;
	v25 =	vmpcnt.ones.xlane vm15  }
0xa7: {  	v48, _, _ =	vpop (xrf0);
	(xrf0) =	vadd.scan.msk.s32 $0xffff, v14;
	vm15 =	veq.s32 v53, $0x5;
	v50 =	vimm.s32 $0x0;
	v47 =	vadd.s32 v47, v17  }
0xa8: {  	vm4 =	vnez.u8 v29;
	vm5 =	vnez.u8 v31;
	[tilespmem:$0x1FD40] =	vst v23;
	v23 =	vsel vm10, $0x1, v16  }
0xa9: {  	v21, _, _ =	vpop (xrf0);
	(xrf0) =	vadd.scan.msk.s32 $0xffff, v12;
	v29 =	vsel vm15, $0xFFFFFFFF, v51;
	v12 =	vsel vm4, $0x1, v16;
	v13 =	vsel vm5, $0x1, v16  }
0xaa: {  	v31 =	vimm.s32 $0x0;
	[tilespmem:$0x1FC40] =	vst v47;
	v17, _, _ =	vpop (xrf0);
	(xrf0) =	vadd.scan.msk.s32 $0xffff, v12;
	v12 =	vsel vm11, $0x1, v16  }
0xab: {  	[tilespmem:$0x1FC60] =	vst v29;
	v29 =	vmpcnt.ones.xlane vm15;
	v31 =	vsel vm0, $0xFFFFFFFF, v31;
	v14, _, _ =	vpop (xrf0);
	(xrf0) =	vadd.scan.msk.s32 $0xffff, v13  }
0xac: {  	vm0 =	veq.s32 v53, $0x7;
	[tilespmem:$0x1FD60] =	vst v31;
	v31 =	vsel vm1, $0xFFFFFFFF, v52;
	v13, _, _ =	vpop (xrf0);
	(xrf0) =	vadd.scan.msk.s32 $0xffff, v12  }
0xad: {  	v53 =	vadd.s32 v19, v22;
	[tilespmem:$0x1FC70] =	vst v31;
	v31 =	vmpcnt.ones.xlane vm1;
	v12, _, _ =	vpop (xrf0);
	(xrf0) =	vadd.scan.msk.s32 $0xffff, v49  }
0xae: {  	v52 =	vadd.s32 v34, v25;
	v49, _, _ =	vpop (xrf0);
	(xrf0) =	vadd.scan.msk.s32 $0xffff, v23;
	v23 =	vadd.s32 v47, v29;
	v47 =	vmpcnt.ones.xlane vm0  }
0xaf: {  	vm1 =	vcmask $0x1318;
	v51 =	vadd.s32 v52, v31;
	v29 =	vsel vm0, $0xFFFFFFFF, v50  }
0xb0: {  	[tilespmem:$0x1FD10] =	vst v34;
	v34, _, _ =	vpop (xrf0);
	v23 =	vsel vm1, $0x0, v23;
	vm1 =	vcmask $0x171C;
	v25 =	vadd.s32 v53, v47  }
0xb1: {  	vm15 =	vcmask $0x1B20;
	v31, _, _ =	vpop (xrf0);
	v20 =	vadd.s32 v23, v20;
	v22 =	vsel vm1, $0x0, v51  }
0xb2: {  	[tilespmem:$0x1FC80] =	vst v29;
	v29, _, _ =	vpop (xrf0);
	v20 =	vadd.s32 v22, v20;
	v47 =	vsel vm15, $0x0, v25  }
0xb3: {  	v20 =	vadd.s32 v47, v20;
	v25, _, _ =	vpop (xrf0)  }
0xb4: {  	s12 =	rddreg [dreg:$0x8];
	[tilespmem:$0x1FD30] =	vst v19;
	v23, _, _ =	vpop (xrf0)  }
0xb5: {  	s13 =	rddreg [dreg:$0xe];
	[tilespmem:$0xC200] =	vst v20;
	v22, _, _ =	vpop (xrf0)  }
0xb6: {  	[spmem:s12] =	stream.linear.scatter [tilespmem:s13], [sflag:$0x2], $0x80, $0x38;
	v20, _, _ =	vpop (xrf0);
	[tilespmem:$0xCB10] =	vst v63  }
0xb7: {  	_ =	swait.ge [sflag:s8], $0x80  }
0xb8: {  	v19 =	vld [tilespmem:$0x1F990];
	_ =	sdelay $0x1  }
0xb9: {  	[sflag:s8] =	ssyncset.done $0x0  }
0xba: {  	[sflag:s8] =	ssyncadd.s32 $0xFFFFFF80  }
0xbb: {  	[bflag:$0x0] =	sbarrier.arrive $0xFFFF  }
0xbc: {  	vm7 =	vnez.u8 v19;
	v19 =	vld [tilespmem:$0x1F9A0];
	_ =	sdelay $0x3  }
0xbd: {  	v24 =	vadd.s32 $0xFFFFFFFF, v24  }
0xbe: {  	v24 =	vnsel vm7, $0x0, v24;
	vm7 =	vnez.u8 v19;
	v19 =	vld [tilespmem:$0x1F9B0];
	_ =	sdelay $0x3  }
0xbf: {  	v26 =	vadd.s32 $0xFFFFFFFF, v26  }
0xc0: {  	v24 =	vsel vm7, v26, v24;
	vm7 =	vnez.u8 v19;
	v19 =	vld [tilespmem:$0x1F9C0];
	_ =	sdelay $0x3  }
0xc1: {  	v50 =	vadd.s32 $0xFFFFFFFF, v27  }
0xc2: {  	v24 =	vsel vm7, v50, v24;
	vm7 =	vnez.u8 v19;
	v19 =	vld [tilespmem:$0x1F9D0];
	_ =	sdelay $0x3  }
0xc3: {  	v51 =	vadd.s32 $0xFFFFFFFF, v28  }
0xc4: {  	v24 =	vsel vm7, v51, v24;
	vm7 =	vnez.u8 v19;
	v19 =	vld [tilespmem:$0x1F9E0]  }
0xc5: {  	s12 =	rddreg [dreg:$0xf]  }
0xc6: {  	s13 =	rddreg [dreg:$0x3]  }
0xc7: {  	[tilespmem:s12], [sflag:$0x2] =	stream.linear.gather [spmem:s13], $0x800, $0x38;
	[tilespmem:$0xCB10] =	vst v63  }
0xc8: {  	v28 =	vadd.s32 $0xFFFFFFFF, v30;
	_ =	swait.ge [sflag:s8], $0x800  }
0xc9: {  	v24 =	vsel vm7, v28, v24;
	vm7 =	vnez.u8 v19;
	v19 =	vld [tilespmem:$0x1F9F0];
	_ =	sdelay $0x3  }
0xca: {  	v30 =	vadd.s32 $0xFFFFFFFF, v32  }
0xcb: {  	v24 =	vsel vm7, v30, v24;
	vm7 =	vnez.u8 v19;
	v19 =	vld [tilespmem:$0x1FA00];
	_ =	sdelay $0x4  }
0xcc: {  	vm1 =	vnez.u8 v19;
	v19 =	vld [tilespmem:$0x1FA10];
	_ =	sdelay $0x2  }
0xcd: {  	v32 =	vadd.s32 $0xFFFFFFFF, v33  }
0xce: {  	v33 =	vadd.s32 v36, v3;
	v36 =	vadd.s32 $0xFFFFFFFF, v35;
	v24 =	vsel vm7, v32, v24  }
0xcf: {  	v3 =	vsel vm1, v36, v24;
	vm1 =	vnez.u8 v19;
	v19 =	vld [tilespmem:$0x1FA20];
	_ =	sdelay $0x3  }
0xd0: {  	v4 =	vadd.s32 v37, v4;
	v37 =	vadd.s32 $0xFFFFFFFF, v33  }
0xd1: {  	v24 =	vnsel vm1, $0x0, v37;
	vm1 =	vnez.u8 v19;
	v19 =	vld [tilespmem:$0x1FA30];
	_ =	sdelay $0x3  }
0xd2: {  	v4 =	vadd.s32 $0xFFFFFFFF, v4  }
0xd3: {  	v4 =	vsel vm1, v4, v24;
	vm1 =	vnez.u8 v19;
	v19 =	vld [tilespmem:$0x1FA40];
	_ =	sdelay $0x2  }
0xd4: {  	v1 =	vadd.s32 v38, v1  }
0xd5: {  	v1 =	vadd.s32 $0xFFFFFFFF, v1  }
0xd6: {  	v1 =	vsel vm1, v1, v4;
	vm1 =	vnez.u8 v19;
	v19 =	vld [tilespmem:$0x1FA50];
	_ =	sdelay $0x2  }
0xd7: {  	v0 =	vadd.s32 v39, v0  }
0xd8: {  	v0 =	vadd.s32 $0xFFFFFFFF, v0  }
0xd9: {  	v0 =	vsel vm1, v0, v1;
	vm1 =	vnez.u8 v19;
	v19 =	vld [tilespmem:$0x1FA60];
	_ =	sdelay $0x2  }
0xda: {  	v39 =	vadd.s32 v40, v63  }
0xdb: {  	v4 =	vadd.s32 $0xFFFFFFFF, v39  }
0xdc: {  	v40 =	vadd.s32 v42, v62;
	v0 =	vsel vm1, v4, v0;
	vm1 =	vnez.u8 v19;
	v19 =	vld [tilespmem:$0x1FA70]  }
0xdd: {  	v42 =	vadd.s32 v43, v5;
	v1 =	vadd.s32 $0xFFFFFFFF, v40  }
0xde: {  	v43 =	vadd.s32 v44, v2;
	v44 =	vadd.s32 $0xFFFFFFFF, v42;
	v0 =	vsel vm9, v1, v0  }
0xdf: {  	v50 =	vadd.s32 v45, v60;
	v1 =	vadd.s32 $0xFFFFFFFF, v43;
	v0 =	vsel vm6, v44, v0  }
0xe0: {  	v0 =	vsel vm2, v1, v0;
	v1 =	vadd.s32 $0xFFFFFFFF, v50  }
0xe1: {  	v1 =	vnsel vm1, $0x0, v1;
	vm1 =	vnez.u8 v19;
	v19 =	vld [tilespmem:$0x1FA80]  }
0xe2: {  	[sflag:s8] =	ssyncset.done $0x0  }
0xe3: {  	[sflag:s8] =	ssyncadd.s32 $0xFFFFF800  }
0xe4: {  	v51 =	vadd.s32 v46, v59;
	v26 =	vld [tilespmem:$0xC280]  }
0xe5: {  	v33 =	vadd.s32 $0xFFFFFFFF, v51;
	v24 =	vld [tilespmem:$0xC300]  }
0xe6: {  	v1 =	vsel vm1, v33, v1;
	vm1 =	vnez.u8 v19;
	v19 =	vld [tilespmem:$0x1FED0];
	_ =	sdelay $0x4  }
0xe7: {  	v47 =	vadd.s32 v24, v26;
	v26 =	vmul.u32 v19, v26;
	v19 =	vld [tilespmem:$0x1FEE0];
	_ =	sdelay $0x3  }
0xe8: {  	v27 =	vld [tilespmem:$0xC380]  }
0xe9: {  	v24 =	vmul.u32 v19, v24;
	v19 =	vld [tilespmem:$0x1FEF0];
	_ =	sdelay $0x3  }
0xea: {  	v28 =	vld [tilespmem:$0xC400]  }
0xeb: {  	v30 =	vadd.s32 v27, v47;
	v27 =	vmul.u32 v19, v27;
	v19 =	vld [tilespmem:$0x1FF00];
	_ =	sdelay $0x3  }
0xec: {  	v5 =	vld [tilespmem:$0xC480]  }
0xed: {  	v44 =	vmul.u32 v19, v28;
	v19 =	vld [tilespmem:$0x1FF10];
	_ =	sdelay $0x1  }
0xee: {  	v2 =	vld [tilespmem:$0xC580]  }
0xef: {  	v59 =	vld [tilespmem:$0xC680]  }
0xf0: {  	v30 =	vadd.s32 v28, v30;
	v4 =	vld [tilespmem:$0xC500]  }
0xf1: {  	v30 =	vadd.s32 v5, v30;
	v5 =	vmul.u32 v19, v5;
	v19 =	vld [tilespmem:$0x1FF20]  }
0xf2: {  	v32 =	vld [tilespmem:$0xC600]  }
0xf3: {  	v36 =	vld [tilespmem:$0xC700]  }
0xf4: {  	v37 =	vld [tilespmem:$0xC780]  }
0xf5: {  	v39 =	vld [tilespmem:$0xC800];
	v30 =	vadd.s32 v4, v30  }
0xf6: {  	v30 =	vadd.s32 v2, v30;
	v4 =	vmul.u32 v19, v4;
	v19 =	vld [tilespmem:$0x1FF30]  }
0xf7: {  	v38 =	vld [tilespmem:$0xC880];
	v30 =	vadd.s32 v32, v30  }
0xf8: {  	v40 =	vld [tilespmem:$0xC900];
	v30 =	vadd.s32 v59, v30  }
0xf9: {  	v42 =	vld [tilespmem:$0xC980];
	v30 =	vadd.s32 v36, v30  }
0xfa: {  	v46 =	vld [tilespmem:$0xCA00];
	v45 =	vadd.s32 v37, v30  }
0xfb: {  	v47 =	vadd.s32 v39, v45;
	v24 =	vadd.s32 v26, v24;
	v2 =	vmul.u32 v19, v2;
	v19 =	vld [tilespmem:$0x1FF50]  }
0xfc: {  	v60 =	vadd.s32 v48, v41;
	v48 =	vadd.s32 v38, v47;
	v24 =	vadd.s32 v27, v24  }
0xfd: {  	v62 =	vadd.s32 v49, v61;
	v49 =	vadd.s32 v40, v48;
	v24 =	vadd.s32 v44, v24  }
0xfe: {  	v5 =	vadd.s32 v5, v24;
	v24 =	vadd.s32 v42, v49  }
0xff: {  	v51 =	vadd.s32 v46, v24  }
0x100: {  	v59 =	vmul.u32 v19, v59;
	v19 =	vadd.s32 $0x7F, v51  }
0x101: {  	v63 =	vadd.s32 $0xFFFFFFFF, v62;
	[tilespmem:$0x1FEC0] =	vst v19;
	v62 =	vand.u32 $0xFFFFFF80, v19;
	v19 =	vld [tilespmem:$0x1FF90];
	_ =	sdelay $0x3  }
0x102: {  	v50 =	vld [tilespmem:$0x1FF40]  }
0x103: {  	v30 =	vmul.u32 v19, v38;
	v19 =	vld [tilespmem:$0x1FA90];
	_ =	sdelay $0x1  }
0x104: {  	v33 =	vadd.s32 $0xFFFFFFFF, v60;
	v60 =	vld [tilespmem:$0x1FF60]  }
0x105: {  	v61 =	vld [tilespmem:$0x1FF70]  }
0x106: {  	v1 =	vsel vm1, v33, v1  }
0x107: {  	v4 =	vadd.s32 v4, v5;
	v5 =	vmul.u32 v50, v32;
	vm1 =	vnez.u8 v19;
	v19 =	vld [tilespmem:$0x1FFA0]  }
0x108: {  	v2 =	vadd.s32 v2, v4  }
0x109: {  	v33 =	vnsel vm3, $0x0, v63;
	v2 =	vadd.s32 v5, v2;
	v5 =	vmul.u32 v60, v36  }
0x10a: {  	v63 =	vadd.s32 v34, v58;
	v4 =	vmul.u32 v61, v37;
	v2 =	vadd.s32 v59, v2  }
0x10b: {  	v28 =	vadd.s32 $0xFFFFFFFF, v63;
	v2 =	vadd.s32 v5, v2  }
0x10c: {  	v2 =	vadd.s32 v4, v2;
	v4 =	vsel vm1, v28, v33;
	v33 =	vmul.u32 v19, v40;
	v19 =	vld [tilespmem:$0x1FFB0];
	_ =	sdelay $0x3  }
0x10d: {  	v27 =	vld [tilespmem:$0x1FF80]  }
0x10e: {  	v34 =	vmul.u32 v19, v42;
	v19 =	vld [tilespmem:$0x1FAA0]  }
0x10f: {  	v21 =	vadd.s32 v21, v56;
	v7 =	vadd.s32 v13, v7;
	v6 =	vadd.s32 v12, v6;
	(xrf0) =	vadd.scan.msk.s32 $0xffff, v62  }
0x110: {  	v21 =	vadd.s32 $0xFFFFFFFF, v21;
	v7 =	vadd.s32 $0xFFFFFFFF, v7;
	v6 =	vadd.s32 $0xFFFFFFFF, v6  }
0x111: {  	v35 =	vadd.s32 v17, v15;
	v17 =	vadd.s32 v29, v54;
	v8 =	vadd.s32 v23, v8  }
0x112: {  	v17 =	vadd.s32 $0xFFFFFFFF, v17;
	v8 =	vadd.s32 $0xFFFFFFFF, v8;
	v5 =	vmul.u32 v27, v39  }
0x113: {  	v47 =	vadd.s32 v22, v11;
	v32 =	vadd.s32 v31, v57;
	vm1 =	vnez.u8 v19;
	v19 =	vld [tilespmem:$0x1FAB0]  }
0x114: {  	v15 =	vld [tilespmem:$0x1FAC0];
	v37 =	vadd.s32 v14, v10;
	v60 =	vadd.s32 v20, v9;
	v2 =	vadd.s32 v5, v2  }
0x115: {  	v39 =	vld [tilespmem:$0x1FFD0];
	v5 =	vadd.s32 $0xFFFFFFFF, v32;
	v38 =	vadd.s32 v25, v55;
	v2 =	vadd.s32 v30, v2;
	v36, _, _ =	vpop (xrf0)  }
0x116: {  	v10 =	vadd.s32 $0xFFFFFFFF, v38;
	v41 =	vsub.s32 v36, v62;
	v2 =	vadd.s32 v33, v2  }
0x117: {  	v62 =	vadd.s32 $0xFFFFFFFF, v60;
	v28 =	vsel vm0, $0x1, v16;
	v2 =	vadd.s32 v34, v2  }
0x118: {  	v2 =	vadd.s32 v41, v2;
	v1 =	vsel vm1, v21, v1;
	vm1 =	vnez.u8 v19  }
0x119: {  	v4 =	vsel vm1, v5, v4;
	v5 =	vadd.s32 $0xFFFFFFFF, v35;
	vm1 =	vnez.u8 v15  }
0x11a: {  	v1 =	vsel vm1, v5, v1;
	v4 =	vsel vm4, v17, v4;
	vm4 =	vnez.u8 v39  }
0x11b: {  	v50 =	vld [tilespmem:$0x1FAD0];
	v5 =	vadd.s32 $0xFFFFFFFF, v37;
	v14 =	vnsel vm4, $0x0, v2;
	vm4 =	vcmask $0x308  }
0x11c: {  	v46 =	vld [tilespmem:$0x0];
	v1 =	vsel vm14, v5, v1;
	v4 =	vsel vm5, v10, v4;
	vm5 =	vcmask $0xB10;
	(xrf0) =	vadd.scan.msk.s32 $0xffff, v14  }
0x11d: {  	vm14 =	vcmask $0xF14;
	v40 =	vsel vm4, $0x0, v2;
	vm4 =	vcmask $0x70C  }
0x11e: {  	v43 =	vsel vm5, $0x0, v2;
	v44 =	vsel vm14, $0x0, v2;
	(xrf0) =	vadd.scan.msk.s32 $0xffff, v40;
	v42 =	vsel vm4, $0x0, v2  }
0x11f: {  	v1 =	vsel vm12, v7, v1;
	v4 =	vsel vm11, v8, v4;
	vm5 =	vcmask $0x171C;
	(xrf0) =	vadd.scan.msk.s32 $0xffff, v42  }
0x120: {  	v8 =	vadd.s32 $0xFFFFFFFF, v47;
	vm12 =	vnez.u8 v50;
	vm4 =	vcmask $0x1318;
	(xrf0) =	vadd.scan.msk.s32 $0xffff, v43  }
0x121: {  	vm14 =	veq.s32 v46, $0x1;
	v48 =	vsel vm5, $0x0, v2;
	v45 =	vsel vm4, $0x0, v2;
	(xrf0) =	vadd.scan.msk.s32 $0xffff, v44;
	v44 =	vld [tilespmem:$0x1FAE0]  }
0x122: {  	v14 =	vsel vm12, v6, v1;
	v51 =	vsel vm13, v8, v4;
	vm13 =	veq.s32 v46, $0x0;
	(xrf0) =	vadd.scan.msk.s32 $0xffff, v45;
	v49, _, _ =	vpop (xrf0)  }
0x123: {  	v13 =	vld [tilespmem:$0x10];
	vm5 =	veq.s32 v46, $0x4;
	vm12 =	veq.s32 v46, $0x5;
	v56 =	vbroadcast v49, $0xF  }
0x124: {  	v2 =	vsel vm15, $0x0, v2;
	v9 =	vsel vm10, v62, v51;
	vm15 =	veq.s32 v46, $0x2;
	(xrf0) =	vadd.scan.msk.s32 $0xffff, v48;
	v61, _, _ =	vpop (xrf0)  }
0x125: {  	vm4 =	veq.s32 v46, $0x3;
	(xrf0) =	vadd.scan.msk.s32 $0xffff, v2;
	v63, _, _ =	vpop (xrf0);
	v54 =	vbroadcast v61, $0xF;
	v12 =	vnsel vm13, $0x0, v56  }
0x126: {  	v8, _, _ =	vpop (xrf0);
	v59 =	vbroadcast v63, $0xF;
	vm13 =	veq.s32 v46, $0x6;
	vm0 =	vnez.u8 v44  }
0x127: {  	v38 =	vld [tilespmem:$0x1FC60];
	v25 =	vnsel vm14, $0x0, v54;
	v10, _, _ =	vpop (xrf0);
	v58 =	vbroadcast v8, $0xF;
	vm14 =	veq.s32 v46, $0x7  }
0x128: {  	v11, _, _ =	vpop (xrf0);
	v57 =	vbroadcast v10, $0xF;
	v26 =	vnsel vm15, $0x0, v59;
	vm15 =	veq.s32 v13, $0x0  }
0x129: {  	v24 =	vld [tilespmem:$0x20];
	v27 =	vnsel vm4, $0x0, v58;
	v61 =	vbroadcast v11, $0xF;
	v32 =	vnsel vm15, $0x0, v56  }
0x12a: {  	v39 =	vld [tilespmem:$0x1FC50];
	v22, _, _ =	vpop (xrf0);
	vm4 =	veq.s32 v13, $0x1;
	vm15 =	veq.s32 v13, $0x5;
	v29 =	vnsel vm5, $0x0, v57  }
0x12b: {  	v37 =	vld [tilespmem:$0x1FC70];
	v23, _, _ =	vpop (xrf0);
	v60 =	vbroadcast v22, $0xF;
	vm5 =	veq.s32 v13, $0x2;
	v33 =	vnsel vm4, $0x0, v54  }
0x12c: {  	v40 =	vld [tilespmem:$0x1FC20];
	vm4 =	vnez.u8 v38;
	v55 =	vbroadcast v23, $0xF;
	v30 =	vnsel vm12, $0x0, v61  }
0x12d: {  	v46 =	vld [tilespmem:$0x1FD40];
	v34 =	vnsel vm5, $0x0, v59;
	vm12 =	veq.s32 v13, $0x3;
	vm5 =	veq.s32 v13, $0x6  }
0x12e: {  	v42 =	vld [tilespmem:$0x1FC10];
	v31 =	vnsel vm13, $0x0, v60;
	v35 =	vnsel vm12, $0x0, v58;
	vm13 =	veq.s32 v13, $0x4  }
0x12f: {  	v45 =	vld [tilespmem:$0x1FD60];
	v23 =	vnsel vm5, $0x0, v60;
	vm12 =	vnez.u8 v39;
	vm5 =	veq.s32 v24, $0x1  }
0x130: {  	v49 =	vld [tilespmem:$0x1FCE0];
	v20 =	vnsel vm14, $0x0, v55;
	v36 =	vnsel vm13, $0x0, v57;
	vm14 =	vnez.u8 v37  }
0x131: {  	v63 =	vld [tilespmem:$0x1FE10];
	v37 =	vnsel vm15, $0x0, v61;
	vm13 =	veq.s32 v13, $0x7;
	vm15 =	veq.s32 v24, $0x0  }
0x132: {  	v47 =	vld [tilespmem:$0x1FD20];
	v39 =	vnsel vm5, $0x0, v54;
	vm5 =	vnez.u8 v46;
	v2 =	vsel vm14, $0x1, v16  }
0x133: {  	v48 =	vld [tilespmem:$0x1FCF0];
	v21 =	vnsel vm13, $0x0, v55;
	vm14 =	vnez.u8 v40;
	v38 =	vnsel vm15, $0x0, v56  }
0x134: {  	v43 =	vld [tilespmem:$0x1FBF0];
	(xrf0) =	vadd.scan.msk.s32 $0xffff, v28;
	vm13 =	veq.s32 v24, $0x2;
	vm15 =	vnez.u8 v45;
	v6 =	vsel vm5, $0x1, v16  }
0x135: {  	vm5 =	vnez.u8 v49;
	(xrf0) =	vadd.scan.msk.s32 $0xffff, v2;
	v2 =	vsel vm4, $0x1, v16;
	v1 =	vsel vm14, $0x1, v16  }
0x136: {  	vm4 =	vnez.u8 v42;
	v4 =	vsel vm5, $0x1, v16;
	vm5 =	vnez.u8 v63;
	v63 =	vld [tilespmem:$0x1FFC0]  }
0x137: {  	v50 =	vld [tilespmem:$0x1FAF0];
	v40 =	vnsel vm13, $0x0, v59;
	vm14 =	veq.s32 v24, $0x3;
	(xrf0) =	vadd.scan.msk.s32 $0xffff, v2;
	v2 =	vsel vm12, $0x1, v16  }
0x138: {  	v5 =	vsel vm15, $0x1, v16;
	vm13 =	vnez.u8 v47;
	vm15 =	vnez.u8 v48;
	(xrf0) =	vadd.scan.msk.s32 $0xffff, v2  }
0x139: {  	vm12 =	vnez.u8 v43;
	v42 =	vnsel vm14, $0x0, v58;
	(xrf0) =	vadd.scan.msk.s32 $0xffff, v1;
	v1 =	vsel vm4, $0x1, v16  }
0x13a: {  	v28 =	vld [tilespmem:$0x30];
	vm14 =	veq.s32 v24, $0x6;
	v8 =	vsel vm5, $0x1, v16;
	(xrf0) =	vadd.scan.msk.s32 $0xffff, v1;
	v1 =	vsel vm12, $0x1, v16  }
0x13b: {  	v2 =	vsel vm0, $0x1, v16;
	v45 =	vnsel vm14, $0x0, v60;
	v3 =	vadd.s32 v63, v3  }
0x13c: {  	v51 =	vld [tilespmem:$0x1FB00];
	vm14 =	vnez.u8 v50;
	vm4 =	veq.s32 v24, $0x4;
	(xrf0) =	vadd.scan.msk.s32 $0xffff, v1;
	v3 =	vadd.s32 v12, v3  }
0x13d: {  	v62 =	vld [tilespmem:$0x1FB10];
	v43 =	vnsel vm4, $0x0, v57;
	vm12 =	veq.s32 v24, $0x5;
	v1, _, _ =	vpop (xrf0);
	(xrf0) =	vadd.scan.msk.s32 $0xffff, v2;
	v3 =	vadd.s32 v25, v3  }
0x13e: {  	vm4 =	veq.s32 v24, $0x7;
	v44 =	vnsel vm12, $0x0, v61;
	v2, _, _ =	vpop (xrf0);
	(xrf0) =	vadd.scan.msk.s32 $0xffff, v5;
	v3 =	vadd.s32 v26, v3;
	v26 =	vld [tilespmem:$0x1FB40]  }
0x13f: {  	v47 =	vld [tilespmem:$0x1FDF0];
	v46 =	vnsel vm4, $0x0, v55;
	vm12 =	veq.s32 v28, $0x0;
	v5, _, _ =	vpop (xrf0);
	(xrf0) =	vadd.scan.msk.s32 $0xffff, v6;
	v6 =	vsel vm13, $0x1, v16  }
0x140: {  	vm4 =	veq.s32 v28, $0x3;
	v0 =	vadd.s32 v63, v0;
	v7, _, _ =	vpop (xrf0);
	(xrf0) =	vadd.scan.msk.s32 $0xffff, v6;
	v6 =	vsel vm15, $0x1, v16  }
0x141: {  	v17 =	vld [tilespmem:$0x1FDD0];
	v48 =	vnsel vm12, $0x0, v56;
	vm12 =	vnez.u8 v51;
	vm13 =	veq.s32 v28, $0x1;
	v10, _, _ =	vpop (xrf0);
	(xrf0) =	vadd.scan.msk.s32 $0xffff, v6  }
0x142: {  	v49 =	vnsel vm13, $0x0, v54;
	vm13 =	vnez.u8 v62;
	v62 =	vld [tilespmem:$0x1FB20];
	v13, _, _ =	vpop (xrf0);
	(xrf0) =	vadd.scan.msk.s32 $0xffff, v4;
	v4 =	vsel vm14, $0x1, v16  }
0x143: {  	v51 =	vnsel vm4, $0x0, v58;
	v22, _, _ =	vpop (xrf0);
	(xrf0) =	vadd.scan.msk.s32 $0xffff, v4;
	v4 =	vsel vm12, $0x1, v16;
	vm10 =	vnez.u8 v26;
	v26 =	vld [tilespmem:$0x1FB50]  }
0x144: {  	vm4 =	vnez.u8 v47;
	v25 =	vld [tilespmem:$0x1FB30];
	vm15 =	veq.s32 v28, $0x2;
	v6 =	vsel vm13, $0x1, v16  }
0x145: {  	v0 =	vadd.s32 v32, v0;
	v50 =	vnsel vm15, $0x0, v59;
	vm15 =	veq.s32 v28, $0x4;
	v24, _, _ =	vpop (xrf0);
	(xrf0) =	vadd.scan.msk.s32 $0xffff, v4  }
0x146: {  	v11 =	vsel vm4, $0x1, v16;
	v19 =	vnsel vm15, $0x0, v57;
	vm15 =	vnez.u8 v17;
	v4, _, _ =	vpop (xrf0);
	(xrf0) =	vadd.scan.msk.s32 $0xffff, v6  }
0x147: {  	v32 =	vadd.s32 v33, v0;
	v33 =	vld [tilespmem:$0x1FB60];
	v17 =	vsel vm15, $0x1, v16;
	v6, _, _ =	vpop (xrf0);
	(xrf0) =	vadd.scan.msk.s32 $0xffff, v8  }
0x148: {  	vm15 =	vnez.u8 v62;
	v8, _, _ =	vpop (xrf0);
	(xrf0) =	vadd.scan.msk.s32 $0xffff, v11;
	vm11 =	vnez.u8 v26;
	v26 =	vadd.s32 v34, v32;
	v34 =	vld [tilespmem:$0x1FEB0]  }
0x149: {  	vm9 =	vnez.u8 v25;
	v12 =	vsel vm15, $0x1, v16;
	v11, _, _ =	vpop (xrf0);
	(xrf0) =	vadd.scan.msk.s32 $0xffff, v17  }
0x14a: {  	vm5 =	veq.s32 v28, $0x5;
	v26 =	vadd.s32 v35, v26;
	v35 =	vld [tilespmem:$0x1FEA0];
	v17, _, _ =	vpop (xrf0);
	(xrf0) =	vadd.scan.msk.s32 $0xffff, v12;
	v12 =	vsel vm9, $0x1, v16  }
0x14b: {  	v15 =	vnsel vm5, $0x0, v61;
	v62, _, _ =	vpop (xrf0);
	(xrf0) =	vadd.scan.msk.s32 $0xffff, v12;
	v12 =	vsel vm10, $0x1, v16  }
0x14c: {  	v3 =	vadd.s32 v27, v3;
	vm7 =	vnez.u8 v33;
	v25, _, _ =	vpop (xrf0);
	(xrf0) =	vadd.scan.msk.s32 $0xffff, v12;
	v12 =	vsel vm11, $0x1, v16  }
0x14d: {  	v3 =	vadd.s32 v29, v3;
	v27, _, _ =	vpop (xrf0);
	(xrf0) =	vadd.scan.msk.s32 $0xffff, v12;
	v12 =	vsel vm7, $0x1, v16;
	vm5 =	vnez.u8 v34  }
0x14e: {  	vm4 =	veq.s32 v28, $0x6;
	v33 =	vld [tilespmem:$0x1FE80];
	v0, _, _ =	vpop (xrf0);
	(xrf0) =	vadd.scan.msk.s32 $0xffff, v12;
	v12 =	vsel vm5, $0x1, v16  }
0x14f: {  	v14 =	vadd.s32 v63, v14;
	v47 =	vnsel vm4, $0x0, v60;
	v34 =	vld [tilespmem:$0x1FB70];
	vm4 =	vnez.u8 v35  }
0x150: {  	v29 =	vadd.s32 v30, v3;
	v26 =	vadd.s32 v36, v26;
	v36 =	vld [tilespmem:$0x1FB80];
	v3, _, _ =	vpop (xrf0);
	(xrf0) =	vadd.scan.msk.s32 $0xffff, v12;
	v30 =	vsel vm4, $0x1, v16  }
0x151: {  	v14 =	vadd.s32 v38, v14;
	v12, _, _ =	vpop (xrf0);
	(xrf0) =	vadd.scan.msk.s32 $0xffff, v30;
	v30 =	vadd.s32 v37, v26;
	v37 =	vld [tilespmem:$0x1FB90]  }
0x152: {  	v14 =	vadd.s32 v39, v14  }
0x153: {  	v14 =	vadd.s32 v40, v14;
	v29 =	vadd.s32 v31, v29  }
0x154: {  	v38 =	vld [tilespmem:$0x1FBA0];
	v32 =	vadd.s32 v20, v29;
	vm5 =	vnez.u8 v33;
	vm3 =	vnez.u8 v34  }
0x155: {  	v40 =	vld [tilespmem:$0x1FBB0];
	v29 =	vsel vm5, $0x1, v16;
	vm2 =	vnez.u8 v36;
	v26 =	vsel vm3, $0x1, v16  }
0x156: {  	v9 =	vadd.s32 v63, v9;
	v20, _, _ =	vpop (xrf0);
	(xrf0) =	vadd.scan.msk.s32 $0xffff, v29;
	v29 =	vsel vm2, $0x1, v16;
	vm4 =	vnez.u8 v37  }
0x157: {  	v9 =	vadd.s32 v48, v9;
	v35, _, _ =	vpop (xrf0);
	v31 =	vsel vm4, $0x1, v16  }
0x158: {  	v14 =	vadd.s32 v42, v14;
	v9 =	vadd.s32 v49, v9;
	(xrf0) =	vadd.scan.msk.s32 $0xffff, v26;
	v26, _, _ =	vpop (xrf0)  }
0x159: {  	v42 =	vadd.s32 v43, v14;
	vm5 =	vnez.u8 v38;
	(xrf0) =	vadd.scan.msk.s32 $0xffff, v29;
	v29, _, _ =	vpop (xrf0)  }
0x15a: {  	v44 =	vadd.s32 v44, v42;
	vm6 =	vnez.u8 v40;
	v33 =	vsel vm5, $0x1, v16;
	(xrf0) =	vadd.scan.msk.s32 $0xffff, v31;
	v31, _, _ =	vpop (xrf0)  }
0x15b: {  	v39 =	vadd.s32 v50, v9;
	v23 =	vadd.s32 v23, v30;
	(xrf0) =	vadd.scan.msk.s32 $0xffff, v33;
	v33 =	vsel vm6, $0x1, v16;
	v9, _, _ =	vpop (xrf0)  }
0x15c: {  	v34 =	vadd.s32 v51, v39;
	v30 =	vadd.s32 v45, v44;
	(xrf0) =	vadd.scan.msk.s32 $0xffff, v33;
	v14, _, _ =	vpop (xrf0)  }
0x15d: {  	v43 =	vadd.s32 v21, v23;
	v19 =	vadd.s32 v19, v34;
	v30 =	vadd.s32 v46, v30;
	v21, _, _ =	vpop (xrf0)  }
0x15e: {  	vm1 =	veq.s32 v28, $0x7;
	[tilespmem:$0x100] =	vst v32;
	v15 =	vadd.s32 v15, v19;
	v23, _, _ =	vpop (xrf0)  }
0x15f: {  	v19 =	vnsel vm1, $0x0, v55;
	[tilespmem:$0x110] =	vst v43;
	v15 =	vadd.s32 v47, v15;
	v28, _, _ =	vpop (xrf0)  }
0x160: {  	s12 =	rddreg [dreg:$0x9];
	[tilespmem:$0x120] =	vst v30;
	v15 =	vadd.s32 v19, v15;
	v30, _, _ =	vpop (xrf0)  }
0x161: {  	s13 =	rddreg [dreg:$0x10];
	[tilespmem:$0x130] =	vst v15;
	v32, _, _ =	vpop (xrf0)  }
0x162: {  	[hbm4b:s12+s2] =	stream.linear.scatter [tilespmem:s13], [sflag:$0x2], $0x80, $0x38;
	v33, _, _ =	vpop (xrf0);
	[tilespmem:$0xCB10] =	vst v63  }
0x163: {  	_ =	swait.ge [sflag:s8], $0x80  }
0x164: {  	[sflag:s8] =	ssyncset.done $0x0  }
0x165: {  	[sflag:s8] =	ssyncadd.s32 $0xFFFFFF80  }
0x166: {  	v15 =	vld [tilespmem:$0x100];
	_ =	sdelay $0x3  }
0x167: {  	v34 =	vld [tilespmem:$0x1FFE0]  }
0x168: {  	v19 =	vshrl.u32 v15, $0x3  }
0x169: {  	v19 =	vmul.u32 $0x30, v19  }
0x16a: {  	v15 =	vand.u32 $0x7, v15  }
0x16b: {  	v15 =	vor.u32 v15, v19  }
0x16c: {  	v19 =	vperm.xlane v15, v34  }
0x16d: {  	v36 =	vld [tilespmem:$0x1FFF0]  }
0x16e: {  	v19 =	vadd.s32 v18, v19;
	_ =	sdelay $0x3  }
0x16f: {  	s0 =	simm.s32 $0x200;
	v15 =	vperm.xlane v15, v36  }
0x170: {  	[hbm4b:s3+s2] =	stream.indirect_vreg.scatter [tilespmem:s0], [sflag:$0x1], $0x80, v19, vm8, $0xb8;
	[tilespmem:$0xCB10] =	vst v63  }
0x171: {  	s12 =	simm.s32 $0xA00;
	v15 =	vadd.s32 v18, v15  }
0x172: {  	[hbm4b:s5+s2] =	stream.indirect_vreg.scatter [tilespmem:s12], [sflag:$0x1], $0x80, v19, vm8, $0xb8;
	[tilespmem:$0xCB10] =	vst v63  }
0x173: {  	s13 =	simm.s32 $0x1200  }
0x174: {  	[hbm4b:s6+s2] =	stream.indirect_vreg.scatter [tilespmem:s13], [sflag:$0x1], $0x80, v19, vm8, $0xb8;
	[tilespmem:$0xCB10] =	vst v63  }
0x175: {  	s10 =	simm.s32 $0x1A00  }
0x176: {  	[hbm4b:s3+s2] =	stream.indirect_vreg.scatter [tilespmem:s10], [sflag:$0x1], $0x80, v15, vm8, $0xb8;
	[tilespmem:$0xCB10] =	vst v63  }
0x177: {  	_ = 	snop  }
0x178: {  	[hbm4b:s5+s2] =	stream.indirect_vreg.scatter [tilespmem:s15], [sflag:$0x1], $0x80, v15, vm8, $0xb8;
	[tilespmem:$0xCB10] =	vst v63  }
0x179: {  	_ = 	snop  }
0x17a: {  	[hbm4b:s6+s2] =	stream.indirect_vreg.scatter [tilespmem:s16], [sflag:$0x1], $0x80, v15, vm8, $0xb8;
	[tilespmem:$0xCB10] =	vst v63  }
0x17b: {  	v15 =	vld [tilespmem:$0x110];
	_ =	sdelay $0x4  }
0x17c: {  	v19 =	vshrl.u32 v15, $0x3  }
0x17d: {  	v19 =	vmul.u32 $0x30, v19  }
0x17e: {  	v15 =	vand.u32 $0x7, v15  }
0x17f: {  	v15 =	vor.u32 v15, v19  }
0x180: {  	v19 =	vperm.xlane v15, v34;
	_ =	sdelay $0x1  }
0x181: {  	v19 =	vadd.s32 v18, v19;
	_ =	sdelay $0x3  }
0x182: {  	v15 =	vperm.xlane v15, v36  }
0x183: {  	[hbm4b:s3+s2] =	stream.indirect_vreg.scatter [tilespmem:s17], [sflag:$0x1], $0x80, v19, vm8, $0xb8;
	[tilespmem:$0xCB10] =	vst v63  }
0x184: {  	v15 =	vadd.s32 v18, v15  }
0x185: {  	[hbm4b:s5+s2] =	stream.indirect_vreg.scatter [tilespmem:s18], [sflag:$0x1], $0x80, v19, vm8, $0xb8;
	[tilespmem:$0xCB10] =	vst v63  }
0x186: {  	_ = 	snop  }
0x187: {  	[hbm4b:s6+s2] =	stream.indirect_vreg.scatter [tilespmem:s19], [sflag:$0x1], $0x80, v19, vm8, $0xb8;
	[tilespmem:$0xCB10] =	vst v63  }
0x188: {  	_ = 	snop  }
0x189: {  	[hbm4b:s3+s2] =	stream.indirect_vreg.scatter [tilespmem:s20], [sflag:$0x1], $0x80, v15, vm8, $0xb8;
	[tilespmem:$0xCB10] =	vst v63  }
0x18a: {  	_ = 	snop  }
0x18b: {  	[hbm4b:s5+s2] =	stream.indirect_vreg.scatter [tilespmem:s21], [sflag:$0x1], $0x80, v15, vm8, $0xb8;
	[tilespmem:$0xCB10] =	vst v63  }
0x18c: {  	_ = 	snop  }
0x18d: {  	[hbm4b:s6+s2] =	stream.indirect_vreg.scatter [tilespmem:s22], [sflag:$0x1], $0x80, v15, vm8, $0xb8;
	[tilespmem:$0xCB10] =	vst v63  }
0x18e: {  	v15 =	vld [tilespmem:$0x120];
	_ =	sdelay $0x4  }
0x18f: {  	v19 =	vshrl.u32 v15, $0x3  }
0x190: {  	v19 =	vmul.u32 $0x30, v19  }
0x191: {  	v15 =	vand.u32 $0x7, v15  }
0x192: {  	v15 =	vor.u32 v15, v19  }
0x193: {  	v19 =	vperm.xlane v15, v34;
	_ =	sdelay $0x1  }
0x194: {  	v19 =	vadd.s32 v18, v19;
	_ =	sdelay $0x3  }
0x195: {  	v15 =	vperm.xlane v15, v36  }
0x196: {  	[hbm4b:s3+s2] =	stream.indirect_vreg.scatter [tilespmem:s23], [sflag:$0x1], $0x80, v19, vm8, $0xb8;
	[tilespmem:$0xCB10] =	vst v63  }
0x197: {  	v15 =	vadd.s32 v18, v15  }
0x198: {  	[hbm4b:s5+s2] =	stream.indirect_vreg.scatter [tilespmem:s24], [sflag:$0x1], $0x80, v19, vm8, $0xb8;
	[tilespmem:$0xCB10] =	vst v63  }
0x199: {  	_ = 	snop  }
0x19a: {  	[hbm4b:s6+s2] =	stream.indirect_vreg.scatter [tilespmem:s25], [sflag:$0x1], $0x80, v19, vm8, $0xb8;
	[tilespmem:$0xCB10] =	vst v63  }
0x19b: {  	_ = 	snop  }
0x19c: {  	[hbm4b:s3+s2] =	stream.indirect_vreg.scatter [tilespmem:s26], [sflag:$0x1], $0x80, v15, vm8, $0xb8;
	[tilespmem:$0xCB10] =	vst v63  }
0x19d: {  	_ = 	snop  }
0x19e: {  	[hbm4b:s5+s2] =	stream.indirect_vreg.scatter [tilespmem:s28], [sflag:$0x1], $0x80, v15, vm8, $0xb8;
	[tilespmem:$0xCB10] =	vst v63  }
0x19f: {  	v19 =	vld [tilespmem:$0x1FBC0]  }
0x1a0: {  	[hbm4b:s6+s2] =	stream.indirect_vreg.scatter [tilespmem:s29], [sflag:$0x1], $0x80, v15, vm8, $0xb8;
	v15 =	vld [tilespmem:$0x1FBD0]  }
0x1a1: {  	v49 =	vld [tilespmem:$0x1FBF0];
	_ =	sdelay $0x2  }
0x1a2: {  	v19 =	vadd.s32 v24, v19  }
0x1a3: {  	v19 =	vadd.s32 $0xFFFFFFFF, v19;
	v15 =	vadd.s32 v22, v15  }
0x1a4: {  	vm1 =	vnez.u8 v49;
	v19 =	vnsel vm0, $0x0, v19;
	v15 =	vadd.s32 $0xFFFFFFFF, v15  }
0x1a5: {  	v15 =	vsel vm1, v15, v19;
	v19 =	vld [tilespmem:$0x1FC00];
	_ =	sdelay $0x3  }
0x1a6: {  	v48 =	vld [tilespmem:$0x1FBE0]  }
0x1a7: {  	v10 =	vadd.s32 v10, v19;
	v19 =	vld [tilespmem:$0x1FC10];
	_ =	sdelay $0x3  }
0x1a8: {  	v13 =	vadd.s32 v13, v48  }
0x1a9: {  	v13 =	vadd.s32 $0xFFFFFFFF, v13;
	vm0 =	vnez.u8 v19  }
0x1aa: {  	v13 =	vsel vm0, v13, v15;
	v15 =	vld [tilespmem:$0x1FC20]  }
0x1ab: {  	v50 =	vld [tilespmem:$0x1FC30]  }
0x1ac: {  	v51 =	vld [tilespmem:$0x1FC40]  }
0x1ad: {  	v38 =	vld [tilespmem:$0x1FC60]  }
0x1ae: {  	v47 =	vld [tilespmem:$0x130]  }
0x1af: {  	vm0 =	vnez.u8 v15;
	v15 =	vld [tilespmem:$0x1FC50]  }
0x1b0: {  	v40 =	vld [tilespmem:$0x1FC70]  }
0x1b1: {  	v1 =	vadd.s32 v1, v53;
	v43 =	vld [tilespmem:$0x1FC80];
	v7 =	vadd.s32 v7, v50  }
0x1b2: {  	v2 =	vadd.s32 v2, v52;
	v44 =	vld [tilespmem:$0x1FC90];
	v5 =	vadd.s32 v5, v51;
	v7 =	vadd.s32 $0xFFFFFFFF, v7  }
0x1b3: {  	v45 =	vld [tilespmem:$0x1FCA0];
	v5 =	vadd.s32 $0xFFFFFFFF, v5;
	v24 =	vshrl.u32 v47, $0x3;
	v10 =	vadd.s32 $0xFFFFFFFF, v10  }
0x1b4: {  	v52 =	vld [tilespmem:$0x1FD00];
	v37 =	vmul.u32 $0x30, v24;
	v10 =	vsel vm0, v10, v13;
	vm0 =	vnez.u8 v15  }
0x1b5: {  	v53 =	vld [tilespmem:$0x1FD10];
	v39 =	vand.u32 $0x7, v47;
	v7 =	vsel vm0, v7, v10;
	vm0 =	vnez.u8 v38  }
0x1b6: {  	v48 =	vld [tilespmem:$0x1FCD0];
	v5 =	vsel vm0, v5, v7;
	v7 =	vor.u32 v39, v37  }
0x1b7: {  	v46 =	vld [tilespmem:$0x1FCB0];
	v42 =	vperm.xlane v7, v34  }
0x1b8: {  	v2 =	vadd.s32 $0xFFFFFFFF, v2;
	v49 =	vld [tilespmem:$0x1FCE0];
	vm0 =	vnez.u8 v40  }
0x1b9: {  	v51 =	vld [tilespmem:$0x1FCF0];
	v2 =	vsel vm0, v2, v5;
	v5 =	vadd.s32 v18, v42  }
0x1ba: {  	v1 =	vadd.s32 $0xFFFFFFFF, v1;
	v8 =	vadd.s32 v8, v52;
	v47 =	vld [tilespmem:$0x1FCC0]  }
0x1bb: {  	v6 =	vadd.s32 v6, v53;
	v11 =	vadd.s32 v11, v48;
	v22 =	vld [tilespmem:$0x1FD40];
	vm0 =	vnez.u8 v43  }
0x1bc: {  	v24 =	vld [tilespmem:$0x1FD50];
	v13 =	vadd.s32 v62, v46;
	v1 =	vsel vm0, v1, v2;
	v2 =	vadd.s32 v27, v44  }
0x1bd: {  	v62 =	vld [tilespmem:$0x1FD20];
	v10 =	vadd.s32 v25, v45;
	v7 =	vperm.xlane v7, v36;
	v2 =	vadd.s32 $0xFFFFFFFF, v2  }
0x1be: {  	v13 =	vadd.s32 $0xFFFFFFFF, v13;
	v25 =	vld [tilespmem:$0x1FD60];
	v10 =	vadd.s32 $0xFFFFFFFF, v10;
	v2 =	vnsel vm13, $0x0, v2;
	[hbm4b:s3+s2] =	stream.indirect_vreg.scatter [tilespmem:s30], [sflag:$0x1], $0x80, v5, vm8, $0xb8  }
0x1bf: {  	v38 =	vld [tilespmem:$0x1FDA0];
	v7 =	vadd.s32 v18, v7;
	v2 =	vsel vm12, v10, v2;
	v10 =	vadd.s32 v17, v47  }
0x1c0: {  	v45 =	vld [tilespmem:$0x1FE00];
	v2 =	vsel vm14, v13, v2;
	v10 =	vadd.s32 $0xFFFFFFFF, v10;
	vm14 =	vnez.u8 v49;
	[hbm4b:s5+s2] =	stream.indirect_vreg.scatter [tilespmem:s31], [sflag:$0x1], $0x80, v5, vm8, $0xb8  }
0x1c1: {  	v50 =	vadd.s32 $0xFFFFFFFF, v11;
	s0 =	simm.s32 $0xA200;
	vm12 =	vnez.u8 v51;
	v13 =	vld [tilespmem:$0x1FD30];
	v2 =	vsel vm14, v10, v2  }
0x1c2: {  	v8 =	vadd.s32 $0xFFFFFFFF, v8;
	v40 =	vld [tilespmem:$0x1FDC0];
	vm13 =	vnez.u8 v62;
	v2 =	vsel vm12, v50, v2;
	[hbm4b:s6+s2] =	stream.indirect_vreg.scatter [tilespmem:s0], [sflag:$0x1], $0x80, v5, vm8, $0xb8  }
0x1c3: {  	v6 =	vadd.s32 $0xFFFFFFFF, v6;
	v27 =	vld [tilespmem:$0x1FD70];
	vm14 =	vnez.u8 v22;
	v2 =	vsel vm13, v8, v2  }
0x1c4: {  	v2 =	vsel vm14, v6, v2;
	v6 =	vadd.s32 v31, v24;
	v31 =	vld [tilespmem:$0x1FD80];
	[hbm4b:s3+s2] =	stream.indirect_vreg.scatter [tilespmem:s1], [sflag:$0x1], $0x80, v7, vm8, $0xb8  }
0x1c5: {  	v37 =	vld [tilespmem:$0x1FD90]  }
0x1c6: {  	v39 =	vld [tilespmem:$0x1FDB0];
	v4 =	vadd.s32 v4, v13;
	[hbm4b:s5+s2] =	stream.indirect_vreg.scatter [tilespmem:s9], [sflag:$0x1], $0x80, v7, vm8, $0xb8  }
0x1c7: {  	v43 =	vld [tilespmem:$0x1FDE0];
	v3 =	vadd.s32 v3, v40;
	vm12 =	vnez.u8 v25;
	v4 =	vadd.s32 $0xFFFFFFFF, v4  }
0x1c8: {  	v42 =	vld [tilespmem:$0x1FDD0];
	v2 =	vsel vm12, v4, v2;
	v4 =	vadd.s32 v29, v27;
	v29 =	vadd.s32 $0xFFFFFFFF, v6;
	[hbm4b:s6+s2] =	stream.indirect_vreg.scatter [tilespmem:s4], [sflag:$0x1], $0x80, v7, vm8, $0xb8  }
0x1c9: {  	v44 =	vld [tilespmem:$0x1FDF0];
	v5 =	vnsel vm7, $0x0, v29;
	v4 =	vadd.s32 $0xFFFFFFFF, v4;
	v6 =	vadd.s32 v26, v31;
	_ =	swait.ge [sflag:s7], $0xC000  }
0x1ca: {  	v4 =	vsel vm11, v4, v5;
	v5 =	vadd.s32 v35, v37;
	v6 =	vadd.s32 $0xFFFFFFFF, v6;
	v46 =	vld [tilespmem:$0x1FE10]  }
0x1cb: {  	v5 =	vadd.s32 $0xFFFFFFFF, v5;
	v4 =	vsel vm10, v6, v4;
	v6 =	vadd.s32 v20, v38;
	v47 =	vld [tilespmem:$0x1FE20]  }
0x1cc: {  	v4 =	vsel vm9, v5, v4;
	v5 =	vadd.s32 v12, v39;
	v6 =	vadd.s32 $0xFFFFFFFF, v6;
	v48 =	vld [tilespmem:$0x1FE30]  }
0x1cd: {  	vm13 =	vnez.u8 v42;
	v4 =	vsel vm15, v6, v4;
	v5 =	vadd.s32 $0xFFFFFFFF, v5;
	[sflag:s7] =	ssyncset.done $0x0;
	v10 =	vld [tilespmem:$0x1FEA0]  }
0x1ce: {  	v3 =	vadd.s32 $0xFFFFFFFF, v3;
	vm14 =	vnez.u8 v44;
	v4 =	vsel vm13, v5, v4;
	v11 =	vld [tilespmem:$0x1FEB0];
	[sflag:s7] =	ssyncadd.s32 $0xFFFF4000  }
0x1cf: {  	v3 =	vsel vm14, v3, v4;
	v4 =	vadd.s32 v33, v45;
	v50 =	vld [tilespmem:$0x80]  }
0x1d0: {  	v1 =	vadd.s32 v63, v1;
	v0 =	vadd.s32 v0, v43;
	v49 =	vld [tilespmem:$0x1FE40];
	v4 =	vadd.s32 $0xFFFFFFFF, v4  }
0x1d1: {  	v0 =	vadd.s32 $0xFFFFFFFF, v0;
	v2 =	vadd.s32 v63, v2;
	v62 =	vld [tilespmem:$0x1FE80];
	v4 =	vnsel vm6, $0x0, v4  }
0x1d2: {  	vm15 =	vnez.u8 v46;
	v5 =	vadd.s32 v30, v48;
	vm12 =	vnez.u8 v10  }
0x1d3: {  	v51 =	vld [tilespmem:$0x1FE50];
	vm14 =	vnez.u8 v11;
	v0 =	vsel vm15, v0, v3;
	v3 =	vadd.s32 v32, v47  }
0x1d4: {  	v5 =	vadd.s32 $0xFFFFFFFF, v5;
	v3 =	vadd.s32 $0xFFFFFFFF, v3;
	vm13 =	veq.s32 v50, $0x0  }
0x1d5: {  	v52 =	vld [tilespmem:$0x1FE60];
	vm15 =	veq.s32 v50, $0x1;
	v0 =	vadd.s32 v63, v0;
	v3 =	vsel vm5, v3, v4  }
0x1d6: {  	v53 =	vld [tilespmem:$0x1FE70];
	v4 =	vadd.s32 v28, v49;
	vm5 =	vnez.u8 v62;
	v12 =	vnsel vm13, $0x0, v56  }
0x1d7: {  	v8 =	vld [tilespmem:$0x1FE90];
	v13 =	vnsel vm15, $0x0, v54;
	vm13 =	veq.s32 v50, $0x5;
	vm15 =	veq.s32 v50, $0x7  }
0x1d8: {  	v3 =	vsel vm4, v5, v3;
	v5 =	vadd.s32 v23, v51;
	v4 =	vadd.s32 $0xFFFFFFFF, v4  }
0x1d9: {  	vm4 =	veq.s32 v50, $0x2;
	v24 =	vnsel vm13, $0x0, v61;
	v26 =	vnsel vm15, $0x0, v55  }
0x1da: {  	v3 =	vsel vm2, v4, v3;
	v4 =	vadd.s32 v21, v52;
	v5 =	vadd.s32 $0xFFFFFFFF, v5  }
0x1db: {  	v21 =	vld [tilespmem:$0x90];
	v3 =	vsel vm3, v5, v3;
	v5 =	vadd.s32 v14, v53;
	v4 =	vadd.s32 $0xFFFFFFFF, v4  }
0x1dc: {  	v14 =	vnsel vm4, $0x0, v59;
	v3 =	vsel vm5, v4, v3;
	v4 =	vadd.s32 v9, v8  }
0x1dd: {  	v5 =	vadd.s32 $0xFFFFFFFF, v5;
	vm5 =	veq.s32 v50, $0x3;
	v4 =	vadd.s32 $0xFFFFFFFF, v4  }
0x1de: {  	v3 =	vsel vm12, v5, v3;
	v22 =	vnsel vm5, $0x0, v58;
	vm12 =	veq.s32 v50, $0x4  }
0x1df: {  	v3 =	vsel vm14, v4, v3;
	v23 =	vnsel vm12, $0x0, v57;
	vm14 =	veq.s32 v50, $0x6  }
0x1e0: {  	v31 =	vld [tilespmem:$0xA0];
	v3 =	vadd.s32 v63, v3;
	v25 =	vnsel vm14, $0x0, v60;
	vm4 =	veq.s32 v21, $0x0  }
0x1e1: {  	vm5 =	veq.s32 v21, $0x1;
	vm12 =	veq.s32 v21, $0x2;
	vm13 =	veq.s32 v21, $0x3  }
0x1e2: {  	vm14 =	veq.s32 v21, $0x4;
	vm15 =	veq.s32 v21, $0x5;
	v3 =	vadd.s32 v12, v3  }
0x1e3: {  	v27 =	vnsel vm4, $0x0, v56;
	v28 =	vnsel vm5, $0x0, v54;
	v29 =	vnsel vm12, $0x0, v59  }
0x1e4: {  	v30 =	vnsel vm13, $0x0, v58;
	v32 =	vnsel vm14, $0x0, v57;
	v33 =	vnsel vm15, $0x0, v61  }
0x1e5: {  	v40 =	vld [tilespmem:$0xB0];
	vm4 =	veq.s32 v21, $0x6;
	vm5 =	veq.s32 v21, $0x7;
	vm12 =	veq.s32 v31, $0x0  }
0x1e6: {  	vm13 =	veq.s32 v31, $0x1;
	vm14 =	veq.s32 v31, $0x2;
	vm15 =	veq.s32 v31, $0x3  }
0x1e7: {  	v3 =	vadd.s32 v13, v3;
	v0 =	vadd.s32 v27, v0;
	v35 =	vnsel vm4, $0x0, v60  }
0x1e8: {  	v37 =	vnsel vm5, $0x0, v55;
	v38 =	vnsel vm12, $0x0, v56;
	v39 =	vnsel vm13, $0x0, v54  }
0x1e9: {  	v42 =	vnsel vm14, $0x0, v59;
	v43 =	vnsel vm15, $0x0, v58;
	vm4 =	veq.s32 v31, $0x4  }
0x1ea: {  	vm5 =	veq.s32 v31, $0x5;
	vm12 =	veq.s32 v31, $0x6;
	vm13 =	veq.s32 v40, $0x0  }
0x1eb: {  	vm14 =	veq.s32 v40, $0x1;
	vm15 =	veq.s32 v40, $0x2;
	v3 =	vadd.s32 v14, v3  }
0x1ec: {  	v0 =	vadd.s32 v28, v0;
	v2 =	vadd.s32 v38, v2;
	v44 =	vnsel vm4, $0x0, v57  }
0x1ed: {  	v45 =	vnsel vm5, $0x0, v61;
	v46 =	vnsel vm12, $0x0, v60;
	v47 =	vnsel vm13, $0x0, v56  }
0x1ee: {  	v48 =	vnsel vm14, $0x0, v54;
	v49 =	vnsel vm15, $0x0, v59;
	vm4 =	veq.s32 v40, $0x3  }
0x1ef: {  	vm5 =	veq.s32 v40, $0x4;
	vm12 =	veq.s32 v40, $0x5;
	vm13 =	veq.s32 v40, $0x6  }
0x1f0: {  	vm14 =	veq.s32 v31, $0x7;
	vm15 =	veq.s32 v40, $0x7;
	v3 =	vadd.s32 v22, v3  }
0x1f1: {  	v0 =	vadd.s32 v29, v0;
	v2 =	vadd.s32 v39, v2;
	v1 =	vadd.s32 v47, v1  }
0x1f2: {  	v50 =	vnsel vm4, $0x0, v58;
	v51 =	vnsel vm5, $0x0, v57;
	v52 =	vnsel vm12, $0x0, v61  }
0x1f3: {  	v53 =	vnsel vm13, $0x0, v60;
	v54 =	vnsel vm14, $0x0, v55;
	v3 =	vadd.s32 v23, v3  }
0x1f4: {  	v0 =	vadd.s32 v30, v0;
	v2 =	vadd.s32 v42, v2;
	v1 =	vadd.s32 v48, v1  }
0x1f5: {  	v3 =	vadd.s32 v24, v3;
	v0 =	vadd.s32 v32, v0;
	v2 =	vadd.s32 v43, v2  }
0x1f6: {  	v1 =	vadd.s32 v49, v1;
	v0 =	vadd.s32 v33, v0;
	v3 =	vadd.s32 v25, v3  }
0x1f7: {  	v2 =	vadd.s32 v44, v2;
	v1 =	vadd.s32 v50, v1;
	v0 =	vadd.s32 v35, v0  }
0x1f8: {  	v3 =	vadd.s32 v26, v3;
	v2 =	vadd.s32 v45, v2;
	v1 =	vadd.s32 v51, v1  }
0x1f9: {  	v0 =	vadd.s32 v37, v0;
	v2 =	vadd.s32 v46, v2;
	[tilespmem:$0x180] =	vst v3;
	v1 =	vadd.s32 v52, v1  }
0x1fa: {  	v55 =	vnsel vm15, $0x0, v55;
	[tilespmem:$0x190] =	vst v0;
	v56 =	vadd.s32 v54, v2;
	v1 =	vadd.s32 v53, v1  }
0x1fb: {  	s10 =	rddreg [dreg:$0xa];
	[tilespmem:$0x1A0] =	vst v56;
	v57 =	vadd.s32 v55, v1  }
0x1fc: {  	s11 =	rddreg [dreg:$0x11];
	[tilespmem:$0x1B0] =	vst v57  }
0x1fd: {  	[hbm4b:s10+s2] =	stream.linear.scatter [tilespmem:s11], [sflag:$0x2], $0x80, $0x38;
	[tilespmem:$0xCB10] =	vst v63  }
0x1fe: {  	_ =	swait.ge [sflag:s8], $0x80  }
0x1ff: {  	[sflag:s8] =	ssyncset.done $0x0  }
0x200: {  	[sflag:s8] =	ssyncadd.s32 $0xFFFFFF80  }
0x201: {  	v58 =	vld [tilespmem:$0x180];
	_ =	sdelay $0x4  }
0x202: {  	v59 =	vshrl.u32 v58, $0x3  }
0x203: {  	v1 =	vmul.u32 $0x30, v59  }
0x204: {  	v0 =	vand.u32 $0x7, v58  }
0x205: {  	v0 =	vor.u32 v0, v1  }
0x206: {  	v1 =	vperm.xlane v0, v34;
	_ =	sdelay $0x1  }
0x207: {  	v1 =	vadd.s32 v18, v1;
	_ =	sdelay $0x3  }
0x208: {  	s11 =	simm.s32 $0x200;
	v0 =	vperm.xlane v0, v36  }
0x209: {  	[hbm4b:s3+s2] =	stream.indirect_vreg.scatter [tilespmem:s11], [sflag:$0x1], $0x80, v1, vm8, $0xb8;
	[tilespmem:$0xCB10] =	vst v63  }
0x20a: {  	v0 =	vadd.s32 v18, v0  }
0x20b: {  	[hbm4b:s5+s2] =	stream.indirect_vreg.scatter [tilespmem:s12], [sflag:$0x1], $0x80, v1, vm8, $0xb8;
	[tilespmem:$0xCB10] =	vst v63  }
0x20c: {  	_ = 	snop  }
0x20d: {  	[hbm4b:s6+s2] =	stream.indirect_vreg.scatter [tilespmem:s13], [sflag:$0x1], $0x80, v1, vm8, $0xb8;
	[tilespmem:$0xCB10] =	vst v63  }
0x20e: {  	s13 =	simm.s32 $0x1A00  }
0x20f: {  	[hbm4b:s3+s2] =	stream.indirect_vreg.scatter [tilespmem:s13], [sflag:$0x1], $0x80, v0, vm8, $0xb8;
	[tilespmem:$0xCB10] =	vst v63  }
0x210: {  	_ = 	snop  }
0x211: {  	[hbm4b:s5+s2] =	stream.indirect_vreg.scatter [tilespmem:s15], [sflag:$0x1], $0x80, v0, vm8, $0xb8;
	[tilespmem:$0xCB10] =	vst v63  }
0x212: {  	_ = 	snop  }
0x213: {  	[hbm4b:s6+s2] =	stream.indirect_vreg.scatter [tilespmem:s16], [sflag:$0x1], $0x80, v0, vm8, $0xb8;
	[tilespmem:$0xCB10] =	vst v63  }
0x214: {  	v0 =	vld [tilespmem:$0x190];
	_ =	sdelay $0x4  }
0x215: {  	v60 =	vshrl.u32 v0, $0x3  }
0x216: {  	v1 =	vmul.u32 $0x30, v60  }
0x217: {  	v0 =	vand.u32 $0x7, v0  }
0x218: {  	v0 =	vor.u32 v0, v1  }
0x219: {  	v1 =	vperm.xlane v0, v34;
	_ =	sdelay $0x1  }
0x21a: {  	v1 =	vadd.s32 v18, v1;
	_ =	sdelay $0x3  }
0x21b: {  	v0 =	vperm.xlane v0, v36  }
0x21c: {  	[hbm4b:s3+s2] =	stream.indirect_vreg.scatter [tilespmem:s17], [sflag:$0x1], $0x80, v1, vm8, $0xb8;
	[tilespmem:$0xCB10] =	vst v63  }
0x21d: {  	v0 =	vadd.s32 v18, v0  }
0x21e: {  	[hbm4b:s5+s2] =	stream.indirect_vreg.scatter [tilespmem:s18], [sflag:$0x1], $0x80, v1, vm8, $0xb8;
	[tilespmem:$0xCB10] =	vst v63  }
0x21f: {  	_ = 	snop  }
0x220: {  	[hbm4b:s6+s2] =	stream.indirect_vreg.scatter [tilespmem:s19], [sflag:$0x1], $0x80, v1, vm8, $0xb8;
	[tilespmem:$0xCB10] =	vst v63  }
0x221: {  	_ = 	snop  }
0x222: {  	[hbm4b:s3+s2] =	stream.indirect_vreg.scatter [tilespmem:s20], [sflag:$0x1], $0x80, v0, vm8, $0xb8;
	[tilespmem:$0xCB10] =	vst v63  }
0x223: {  	_ = 	snop  }
0x224: {  	[hbm4b:s5+s2] =	stream.indirect_vreg.scatter [tilespmem:s21], [sflag:$0x1], $0x80, v0, vm8, $0xb8;
	[tilespmem:$0xCB10] =	vst v63  }
0x225: {  	_ = 	snop  }
0x226: {  	[hbm4b:s6+s2] =	stream.indirect_vreg.scatter [tilespmem:s22], [sflag:$0x1], $0x80, v0, vm8, $0xb8;
	[tilespmem:$0xCB10] =	vst v63  }
0x227: {  	v0 =	vld [tilespmem:$0x1A0];
	_ =	sdelay $0x4  }
0x228: {  	v61 =	vshrl.u32 v0, $0x3  }
0x229: {  	v1 =	vmul.u32 $0x30, v61  }
0x22a: {  	v0 =	vand.u32 $0x7, v0  }
0x22b: {  	v0 =	vor.u32 v0, v1  }
0x22c: {  	v1 =	vperm.xlane v0, v34;
	_ =	sdelay $0x1  }
0x22d: {  	v1 =	vadd.s32 v18, v1;
	_ =	sdelay $0x3  }
0x22e: {  	v0 =	vperm.xlane v0, v36  }
0x22f: {  	[hbm4b:s3+s2] =	stream.indirect_vreg.scatter [tilespmem:s23], [sflag:$0x1], $0x80, v1, vm8, $0xb8;
	[tilespmem:$0xCB10] =	vst v63  }
0x230: {  	v0 =	vadd.s32 v18, v0  }
0x231: {  	[hbm4b:s5+s2] =	stream.indirect_vreg.scatter [tilespmem:s24], [sflag:$0x1], $0x80, v1, vm8, $0xb8;
	[tilespmem:$0xCB10] =	vst v63  }
0x232: {  	_ = 	snop  }
0x233: {  	[hbm4b:s6+s2] =	stream.indirect_vreg.scatter [tilespmem:s25], [sflag:$0x1], $0x80, v1, vm8, $0xb8;
	[tilespmem:$0xCB10] =	vst v63  }
0x234: {  	_ = 	snop  }
0x235: {  	[hbm4b:s3+s2] =	stream.indirect_vreg.scatter [tilespmem:s26], [sflag:$0x1], $0x80, v0, vm8, $0xb8;
	[tilespmem:$0xCB10] =	vst v63  }
0x236: {  	_ = 	snop  }
0x237: {  	[hbm4b:s5+s2] =	stream.indirect_vreg.scatter [tilespmem:s28], [sflag:$0x1], $0x80, v0, vm8, $0xb8;
	[tilespmem:$0xCB10] =	vst v63  }
0x238: {  	_ = 	snop  }
0x239: {  	[hbm4b:s6+s2] =	stream.indirect_vreg.scatter [tilespmem:s29], [sflag:$0x1], $0x80, v0, vm8, $0xb8;
	[tilespmem:$0xCB10] =	vst v63  }
0x23a: {  	v0 =	vld [tilespmem:$0x1B0];
	_ =	sdelay $0x4  }
0x23b: {  	v62 =	vshrl.u32 v0, $0x3  }
0x23c: {  	v1 =	vmul.u32 $0x30, v62  }
0x23d: {  	v0 =	vand.u32 $0x7, v0  }
0x23e: {  	v0 =	vor.u32 v0, v1  }
0x23f: {  	v1 =	vperm.xlane v0, v34;
	_ =	sdelay $0x1  }
0x240: {  	v1 =	vadd.s32 v18, v1;
	_ =	sdelay $0x3  }
0x241: {  	v0 =	vperm.xlane v0, v36  }
0x242: {  	[hbm4b:s3+s2] =	stream.indirect_vreg.scatter [tilespmem:s30], [sflag:$0x1], $0x80, v1, vm8, $0xb8;
	[tilespmem:$0xCB10] =	vst v63  }
0x243: {  	v0 =	vadd.s32 v18, v0  }
0x244: {  	[hbm4b:s5+s2] =	stream.indirect_vreg.scatter [tilespmem:s31], [sflag:$0x1], $0x80, v1, vm8, $0xb8;
	[tilespmem:$0xCB10] =	vst v63  }
0x245: {  	_ = 	snop  }
0x246: {  	[hbm4b:s6+s2] =	stream.indirect_vreg.scatter [tilespmem:s0], [sflag:$0x1], $0x80, v1, vm8, $0xb8;
	[tilespmem:$0xCB10] =	vst v63  }
0x247: {  	_ = 	snop  }
0x248: {  	[hbm4b:s3+s2] =	stream.indirect_vreg.scatter [tilespmem:s1], [sflag:$0x1], $0x80, v0, vm8, $0xb8;
	[tilespmem:$0xCB10] =	vst v63  }
0x249: {  	_ = 	snop  }
0x24a: {  	[hbm4b:s5+s2] =	stream.indirect_vreg.scatter [tilespmem:s9], [sflag:$0x1], $0x80, v0, vm8, $0xb8;
	[tilespmem:$0xCB10] =	vst v63  }
0x24b: {  	_ = 	snop  }
0x24c: {  	[hbm4b:s6+s2] =	stream.indirect_vreg.scatter [tilespmem:s4], [sflag:$0x1], $0x80, v0, vm8, $0xb8;
	[tilespmem:$0xCB10] =	vst v63  }
0x24d: {  	_ =	swait.ge [sflag:s7], $0xC000  }
0x24e: {  	[sflag:s7] =	ssyncset.done $0x0  }
0x24f: {  	v0 =	vadd.s32 @!p0 v63, v41;
	[sflag:s7] =	ssyncadd.s32 $0xFFFF4000  }
0x250: {  	[tilespmem:$0xC200] =	vst @!p0 v0;
	v0 =	vld [tilespmem:$0x1FEC0];
	_ =	sdelay $0x4  }
0x251: {  	v0 =	vshra.s32 @!p0 v0, $0x7  }
0x252: {  	s11 =	simm.s32 @!p0 $0x0;
	s12 =	simm.s32 @!p0 $0xC200;
	s10 =	rddreg [dreg:$0xb];
	[tilespmem:$0xCA90] =	vst @!p0 v0  }
0x253: {  	[hbm4b:s10+s11] =	stream.linear.scatter @!p0 [tilespmem:s12], [sflag:$0x2], $0x80, $0x38;
	[tilespmem:$0xCB10] =	vst v63  }
0x254: {  	s10 =	simm.s32 @!p0 $0x2  }
0x255: {  	s14 =	sadd.s32 $0xFFFFFFFF, s14;
	_ =	swait.ge @!p0 [sflag:s10], $0x80  }
0x256: {  	p1 =	sne.s32 s14, $0x0;
	s13 =	simm.s32 @!p0 $0xCA90;
	[sflag:s10] =	ssyncset.done @!p0 $0x0  }
.Ltmp0:
0x257: {  	s12 =	rddreg [dreg:$0xc];
	[sflag:s10] =	ssyncadd.s32 @!p0 $0xFFFFFF80;
	(pc) =	sbr.rel @p1 .LBB2_1-.Ltmp0, $4  }
0x258: {  	[hbm4b:s12+s11] =	stream.linear.scatter @!p0 [tilespmem:s13], [sflag:$0x2], $0x80, $0x38;
	[tilespmem:$0xCB10] =	vst v63  }
0x259: {  	_ =	swait.ge @!p0 [sflag:s10], $0x80  }
0x25a: {  	[sflag:s10] =	ssyncset.done @!p0 $0x0  }
0x25b: {  	[sflag:s10] =	ssyncadd.s32 @!p0 $0xFFFFFF80  }
0x25c: {  	_ =	sfence.sel $0x180000  }
0x25d: {  	[bflag:$0x0] =	sbarrier.arrive $0xFFFF  }
0x25e: {  	_ =	strace $0x90000047  }
0x25f: {  	[bflag:$0x2] =	sbarrier.arrive $0xFFFF  }
0x260: {  	s0 =	rddreg [dreg:$0x4]  }
0x261: {  	s0 =	sadd.s32 @!p0 $0x100000, s0  }
0x262: {  	[sflag:s0] =	ssyncadd.tile.s32 @!p0 $0x1;
	_ =	shalt  }
.Lfunc_end2:
_tile_overlayer_lowered:
.L_overlay_start_2:
0x263: {  	(tag) =	ssettag $0x2  }
0x264: {  	s0 =	rddreg [dreg:$0x0];
	s2 =	stileid.u32  }
0x265: {  	s1 =	rddreg [dreg:$0x1];
	p0 =	sne.s32 s2, $0x0  }
0x266: {  	s3 =	rddreg [dreg:$0x2];
	[bflag:$0x3] =	sbarrier.arrive $0xFFFF;
	s2 =	simm.s32 @!p0 $0x1C02  }
0x267: {  	[timem:s3], [sflag:s2] =	dma.local @!p0 [hbm:s0], s1  }
0x268: {  	s0 =	simm.s32 @!p0 $0x2  }
0x269: {  	_ =	swait.ge @!p0 [sflag:s0], s1  }
0x26a: {  	s1 =	ssub.s32 @!p0 $0x0, s1;
	[sflag:s0] =	ssyncset.done @!p0 $0x0  }
0x26b: {  	[sflag:s0] =	ssyncadd.s32 @!p0 s1  }
0x26c: {  	[bflag:$0x3] =	sbarrier.arrive $0xFFFF  }
0x26d: {  	_ =	shalt  }

</sc_bundles>
